<compile_context>
chip_gen: v7x
topology: tpu7x:2x2x1
jax: 0.10.2.dev20260603
libtpu: 0.0.44.dev20260713+nightly
codegen_flags: <defaults>
</compile_context>

<pallas_src>
import functools

import jax
import jax.numpy as jnp
from jax import lax
from jax.experimental import pallas as pl
from jax.experimental.pallas import tpu as pltpu
from jax.experimental.pallas import tpu_sc as plsc

NUM_LEVELS = 16
LEVEL_DIM = 2
TABLE_SIZE = 1 << 19
RESOLUTION = 512
H1 = 2654435761
H2 = 805459861

_RES = [16 * (2 ** l) for l in range(NUM_LEVELS)]
_DENSE = [(r + 2) ** 3 <= TABLE_SIZE for r in _RES]
LOW_LEVELS = 5
N_SLOTS = LOW_LEVELS * 8 + (NUM_LEVELS - LOW_LEVELS)
NW = 32
_MASK = TABLE_SIZE - 1


def _corner_coords(xyz_ref, b):
    cs, c0s = [], []
    for a in range(3):
        x = xyz_ref[:, a]
        coord = (x + b) / (2.0 * b) * float(RESOLUTION)
        c0 = jnp.clip(jnp.floor(coord), 0.0, float(RESOLUTION - 1)).astype(jnp.int32)
        cs.append(coord)
        c0s.append(c0)
    return cs, c0s


def _hash3(gx, gy, gz):
    h = (gx.astype(jnp.uint32)
         ^ (gy.astype(jnp.uint32) * jnp.uint32(H1))
         ^ (gz.astype(jnp.uint32) * jnp.uint32(H2)))
    return (h & jnp.uint32(_MASK)).astype(jnp.int32)


def _prep_kernel(xyz_ref, b_ref, idx_ref):
    b = b_ref[0, 0]
    _, c0s = _corner_coords(xyz_ref, b)

    def body(k, carry):
        dk = ((k >> 2) & 1, (k >> 1) & 1, k & 1)
        cx = c0s[0] + dk[0]
        cy = c0s[1] + dk[1]
        cz = c0s[2] + dk[2]
        for l in range(LOW_LEVELS):
            sh = LOW_LEVELS - l
            p0x, p0y, p0z = cx >> sh, cy >> sh, cz >> sh
            for j in range(8):
                ax, ay, az = (j >> 2) & 1, (j >> 1) & 1, j & 1
                gx, gy, gz = p0x + ax, p0y + ay, p0z + az
                if _DENSE[l]:
                    stride = _RES[l] + 2
                    row = gx + stride * gy + (stride * stride) * gz
                else:
                    row = _hash3(gx, gy, gz)
                idx_ref[8 * l + j, k, :] = row + (l << 19)
        for l in range(LOW_LEVELS, NUM_LEVELS):
            shl = l - LOW_LEVELS
            row = _hash3(cx << shl, cy << shl, cz << shl)
            idx_ref[40 + shl, k, :] = row + (l << 19)
        return carry

    lax.fori_loop(0, 8, body, 0)


def _prep_call(xyz, bf):
    n = xyz.shape[0]
    bp = min(512, n)
    return pl.pallas_call(
        _prep_kernel,
        grid=(n // bp,),
        in_specs=[pl.BlockSpec((bp, 3), lambda i: (i, 0)),
                  pl.BlockSpec((1, 1), lambda i: (0, 0))],
        out_specs=pl.BlockSpec((N_SLOTS, 8, bp), lambda i: (0, 0, i)),
        out_shape=jax.ShapeDtypeStruct((N_SLOTS, 8, n), jnp.int32),
    )(xyz, bf)


def _sc_gather(tab0, tab1, idx3):
    p_tot, g128, _ = idx3.shape
    cw = g128 // NW
    mesh = plsc.VectorSubcoreMesh(core_axis_name="c", subcore_axis_name="s")

    @functools.partial(
        pl.kernel,
        out_type=jax.ShapeDtypeStruct((2, p_tot, g128, 128), jnp.float32),
        mesh=mesh,
        scratch_types=[
            pltpu.VMEM((cw, 128), jnp.int32),
            pltpu.VMEM((cw, 128), jnp.float32),
            pltpu.VMEM((cw, 128), jnp.float32),
            pltpu.SemaphoreType.DMA,
            pltpu.SemaphoreType.DMA,
        ],
    )
    def k(t0_hbm, t1_hbm, idx_hbm, out_hbm, idx_v, g0_v, g1_v, gsem, csem):
        wid = lax.axis_index("s") * 2 + lax.axis_index("c")
        base = wid * cw

        @pl.loop(0, p_tot)
        def _(p):
            pltpu.async_copy(idx_hbm.at[p, pl.ds(base, cw)], idx_v, csem).wait()

            @pl.loop(0, cw, step=4)
            def _(g0):
                for t in range(4):
                    pltpu.async_copy(t0_hbm.at[idx_v.at[g0 + t]],
                                     g0_v.at[g0 + t], gsem)
                    pltpu.async_copy(t1_hbm.at[idx_v.at[g0 + t]],
                                     g1_v.at[g0 + t], gsem)

            @pl.loop(0, cw, step=4)
            def _(g0):
                for t in range(4):
                    pltpu.make_async_copy(t0_hbm.at[idx_v.at[g0 + t]],
                                          g0_v.at[g0 + t], gsem).wait()
                    pltpu.make_async_copy(t1_hbm.at[idx_v.at[g0 + t]],
                                          g1_v.at[g0 + t], gsem).wait()

            pltpu.async_copy(g0_v, out_hbm.at[0, p, pl.ds(base, cw)], csem).wait()
            pltpu.async_copy(g1_v, out_hbm.at[1, p, pl.ds(base, cw)], csem).wait()

    return k(tab0, tab1, idx3)


def _mlp_kernel(xyz_ref, b_ref, gath_ref, w0t_ref, w1t_ref, w2t_ref, out_ref):
    b = b_ref[0, 0]
    cs, c0s = _corner_coords(xyz_ref, b)
    uvw = [cs[a] - c0s[a].astype(jnp.float32) for a in range(3)]
    w0t = w0t_ref[...]
    w1t = w1t_ref[...]
    w2t = w2t_ref[...]
    def body(k, acc):
        dk = ((k >> 2) & 1, (k >> 1) & 1, k & 1)
        dkf = [d.astype(jnp.float32) for d in dk]
        cf = [(c0s[a] + dk[a]).astype(jnp.float32) for a in range(3)]
        cols = []
        for l in range(LOW_LEVELS):
            s_l = float(2.0 ** (l - LOW_LEVELS))
            ts = []
            for a in range(3):
                pos = cf[a] * s_l
                ts.append(pos - jnp.floor(pos))
            f0 = jnp.zeros_like(ts[0])
            f1 = jnp.zeros_like(ts[0])
            for j in range(8):
                ax, ay, az = (j >> 2) & 1, (j >> 1) & 1, j & 1
                wx = ts[0] if ax else 1.0 - ts[0]
                wy = ts[1] if ay else 1.0 - ts[1]
                wz = ts[2] if az else 1.0 - ts[2]
                wj = (wx * wy) * wz
                f0 = f0 + wj * gath_ref[0, 8 * l + j, k]
                f1 = f1 + wj * gath_ref[1, 8 * l + j, k]
            cols.append(f0)
            cols.append(f1)
        for l in range(LOW_LEVELS, NUM_LEVELS):
            s = 40 + (l - LOW_LEVELS)
            cols.append(gath_ref[0, s, k])
            cols.append(gath_ref[1, s, k])
        xt = jnp.stack(cols, axis=0)
        h = jnp.maximum(jnp.dot(w0t, xt, preferred_element_type=jnp.float32,
                                precision=lax.Precision.HIGHEST), 0.0)
        h = jnp.maximum(jnp.dot(w1t, h, preferred_element_type=jnp.float32,
                                precision=lax.Precision.HIGHEST), 0.0)
        o = jnp.dot(w2t, h, preferred_element_type=jnp.float32,
                    precision=lax.Precision.HIGHEST)
        tx = dkf[0] * uvw[0] + (1.0 - dkf[0]) * (1.0 - uvw[0])
        ty = dkf[1] * uvw[1] + (1.0 - dkf[1]) * (1.0 - uvw[1])
        tz = dkf[2] * uvw[2] + (1.0 - dkf[2]) * (1.0 - uvw[2])
        wk = (tz * ty) * tx
        return acc + wk[None, :] * o

    out_ref[...] = lax.fori_loop(0, 8, body, jnp.zeros(out_ref.shape, jnp.float32))


def _mlp_call(xyz, bf, gath4, w0t, w1t, w2t):
    n = xyz.shape[0]
    bm = min(512, n)
    in_dim = NUM_LEVELS * LEVEL_DIM
    hidden = w0t.shape[0]
    out_dim = w2t.shape[0]
    return pl.pallas_call(
        _mlp_kernel,
        grid=(n // bm,),
        in_specs=[
            pl.BlockSpec((bm, 3), lambda i: (i, 0)),
            pl.BlockSpec((1, 1), lambda i: (0, 0)),
            pl.BlockSpec((2, N_SLOTS, 8, bm), lambda i: (0, 0, 0, i)),
            pl.BlockSpec((hidden, in_dim), lambda i: (0, 0)),
            pl.BlockSpec((hidden, hidden), lambda i: (0, 0)),
            pl.BlockSpec((out_dim, hidden), lambda i: (0, 0)),
        ],
        out_specs=pl.BlockSpec((out_dim, bm), lambda i: (0, i)),
        out_shape=jax.ShapeDtypeStruct((out_dim, n), jnp.float32),
    )(xyz, bf, gath4, w0t, w1t, w2t)


def kernel(xyz, bound, tables, W0, W1, W2):
    n = xyz.shape[0]
    bf = jnp.asarray(bound, jnp.float32).reshape(1, 1)
    tabs = tables.reshape(NUM_LEVELS * TABLE_SIZE, LEVEL_DIM)
    tab0 = tabs[:, 0]
    tab1 = tabs[:, 1]
    idx = _prep_call(xyz, bf)
    idx3 = idx.reshape(N_SLOTS * 8, n // 128, 128)
    gath = _sc_gather(tab0, tab1, idx3)
    gath4 = gath.reshape(2, N_SLOTS, 8, n)
    out_t = _mlp_call(xyz, bf, gath4, W0.T, W1.T, W2.T)
    return out_t.T

# --- scband reference (transcript-rebuilt; emitter-appended) ---
"""Pipeline reference for scband-grid-3264175145671 (READ-ONLY COPY).

The authoritative reference and input builder live on the scoring server;
editing this copy changes nothing except your own understanding.
"""

import jax, jax.numpy as jnp
import numpy as np

NUM_LEVELS = 16
LEVEL_DIM = 2
TABLE_SIZE = 1 << 19
BASE_RES = 16
PER_LEVEL_SCALE = 2.0
RESOLUTION = 512
HIDDEN = 64
OUT_DIM = 8
N_POINTS = 131072


def _level_res(l):
    return int(np.floor(BASE_RES * (PER_LEVEL_SCALE ** l)))


def _hash_encode(pts, tables):
    # pts: [N,3] in [0,1]; multiresolution hash grid encoding (tcnn HashGrid style)
    feats = []
    for l in range(NUM_LEVELS):
        res = _level_res(l)
        pos = pts * res
        p0 = jnp.floor(pos).astype(jnp.int32)
        t = pos - p0.astype(jnp.float32)
        dense = (res + 2) ** 3 <= TABLE_SIZE
        out = jnp.zeros((pts.shape[0], LEVEL_DIM), dtype=jnp.float32)
        for dx in (0, 1):
            for dy in (0, 1):
                for dz in (0, 1):
                    cx = p0[:, 0] + dx
                    cy = p0[:, 1] + dy
                    cz = p0[:, 2] + dz
                    if dense:
                        stride = res + 2
                        idx = cx + stride * cy + stride * stride * cz
                    else:
                        h = (cx.astype(jnp.uint32)
                             ^ (cy.astype(jnp.uint32) * np.uint32(2654435761))
                             ^ (cz.astype(jnp.uint32) * np.uint32(805459861)))
                        idx = (h % np.uint32(TABLE_SIZE)).astype(jnp.int32)
                    f = jnp.take(tables[l], idx, axis=0)
                    wx = t[:, 0:1] if dx == 1 else 1.0 - t[:, 0:1]
                    wy = t[:, 1:2] if dy == 1 else 1.0 - t[:, 1:2]
                    wz = t[:, 2:3] if dz == 1 else 1.0 - t[:, 2:3]
                    out = out + wx * wy * wz * f
        feats.append(out)
    return jnp.concatenate(feats, axis=-1)


def _mlp(h, W0, W1, W2):
    h = jax.nn.relu(h @ W0)
    h = jax.nn.relu(h @ W1)
    return h @ W2


def _grid_forward(xyz, tables, W0, W1, W2, bound):
    xyzn = (xyz + bound) / (2.0 * bound)
    coords = xyzn * RESOLUTION
    cx, cy, cz = coords[..., 0], coords[..., 1], coords[..., 2]
    cx0 = jnp.clip(jnp.floor(cx), 0, RESOLUTION - 1).astype(jnp.int32)
    cy0 = jnp.clip(jnp.floor(cy), 0, RESOLUTION - 1).astype(jnp.int32)
    cz0 = jnp.clip(jnp.floor(cz), 0, RESOLUTION - 1).astype(jnp.int32)
    cx1, cy1, cz1 = cx0 + 1, cy0 + 1, cz0 + 1
    u = (cx - cx0.astype(jnp.float32))[..., None]
    v = (cy - cy0.astype(jnp.float32))[..., None]
    w = (cz - cz0.astype(jnp.float32))[..., None]

    def fc(ax, ay, az):
        pts = jnp.stack([ax, ay, az], axis=-1).astype(jnp.float32) / RESOLUTION
        return _mlp(_hash_encode(pts, tables), W0, W1, W2)

    f000 = fc(cx0, cy0, cz0)
    f001 = fc(cx0, cy0, cz1)
    f010 = fc(cx0, cy1, cz0)
    f011 = fc(cx0, cy1, cz1)
    f100 = fc(cx1, cy0, cz0)
    f101 = fc(cx1, cy0, cz1)
    f110 = fc(cx1, cy1, cz0)
    f111 = fc(cx1, cy1, cz1)
    f = ((1 - w) * (1 - v) * (1 - u) * f000
         + (1 - w) * (1 - v) * u * f100
         + (1 - w) * v * (1 - u) * f010
         + (1 - w) * v * u * f110
         + w * (1 - v) * (1 - u) * f001
         + w * (1 - v) * u * f101
         + w * v * (1 - u) * f011
         + w * v * u * f111)
    return f


def setup_inputs(seed: int = 0):
    key = jax.random.key(seed)
    k1, k2, k3, k4, k5 = jax.random.split(key, 5)
    xyz = jax.random.uniform(k1, (N_POINTS, 3), dtype=jnp.float32)
    tables = (jax.random.uniform(k2, (NUM_LEVELS, TABLE_SIZE, LEVEL_DIM), dtype=jnp.float32) * 2.0 - 1.0) * 1e-4
    in_dim = NUM_LEVELS * LEVEL_DIM
    W0 = jax.random.normal(k3, (in_dim, HIDDEN), dtype=jnp.float32) * (1.0 / np.sqrt(in_dim))
    W1 = jax.random.normal(k4, (HIDDEN, HIDDEN), dtype=jnp.float32) * (1.0 / np.sqrt(HIDDEN))
    W2 = jax.random.normal(k5, (HIDDEN, OUT_DIM), dtype=jnp.float32) * (1.0 / np.sqrt(HIDDEN))
    return {"xyz": xyz, "bound": 1, "tables": tables, "W0": W0, "W1": W1, "W2": W2}


def reference(xyz, bound, tables, W0, W1, W2):
    return _grid_forward(xyz, tables, W0, W1, W2, jnp.asarray(bound, dtype=jnp.float32))

if __name__ == "__main__":
    import jax
    _d = setup_inputs()
    print(jax.jit(kernel)(*tuple(_d.values())))

</pallas_src>

<mosaic_0001>
#map = affine_map<(d0, d1) -> (0)>
#map1 = affine_map<(d0, d1) -> (0, 0, 0)>
#map2 = affine_map<(d0, d1) -> (0, 0, 0, 0)>
module attributes {stable_mosaic.version = 14 : i64} {
  func.func @k(%arg0: i32, %arg1: i32, %arg2: memref<8388608xf32, #tpu.memory_space<hbm>>, %arg3: memref<8388608xf32, #tpu.memory_space<hbm>>, %arg4: memref<408x1024x128xi32, #tpu.memory_space<hbm>>, %arg5: memref<2x408x1024x128xf32, #tpu.memory_space<hbm>>, %arg6: memref<32x128xi32, #tpu.memory_space<vmem>>, %arg7: memref<32x128xf32, #tpu.memory_space<vmem>>, %arg8: memref<32x128xf32, #tpu.memory_space<vmem>>, %arg9: memref<!tpu.dma_semaphore, #tpu.memory_space<semaphore_mem>>, %arg10: memref<!tpu.dma_semaphore, #tpu.memory_space<semaphore_mem>>) attributes {dimension_semantics = [#tpu.dimension_semantics<core_parallel>, #tpu.dimension_semantics<subcore_parallel>], iteration_bounds = array<i64: 2, 16>, scalar_prefetch = 0 : i64, scratch_operands = 5 : i64, tpu.core_type = #tpu.core_type<sc_vector_subcore>, window_params = [{transform_indices = #map}, {transform_indices = #map}, {transform_indices = #map1}, {transform_indices = #map2}]} {
    %mul3A = arith.constant 2 : i32
    %mul3A_0 = arith.muli %arg1, %mul3A : i32
    %add3A = arith.addi %mul3A_0, %arg0 : i32
    %mul3A_1 = arith.constant 32 : i32
    %mul3A_2 = arith.muli %add3A, %mul3A_1 : i32
    %scan3A = arith.constant 0 : i32
    %scan3A_3 = arith.constant 408 : i32
    %scan3A_4 = arith.addi %scan3A, %scan3A_3 : i32
    %scan3A_5 = arith.constant 1 : i32
    scf.for %scan3A_7 = %scan3A to %scan3A_4 step %scan3A_5  : i32 {
      %mul3A_8 = arith.constant 1 : i32
      %mul3A_9 = arith.muli %scan3A_7, %mul3A_8 : i32
      %add3A_10 = arith.constant 0 : i32
      %add3A_11 = arith.addi %add3A_10, %mul3A_9 : i32
      %dma_start3A = arith.constant 0 : i32
      %dma_start3A_12 = tpu.memref_slice %arg4[%add3A_11, %mul3A_2, %dma_start3A] : memref<408x1024x128xi32, #tpu.memory_space<hbm>> -> memref<1x32x128xi32, #tpu.memory_space<hbm>>
      %dma_start3A_13 = tpu.memref_squeeze %dma_start3A_12 : memref<1x32x128xi32, #tpu.memory_space<hbm>> -> memref<32x128xi32, #tpu.memory_space<hbm>>
      %dma_start3A_14 = arith.constant 0 : i32
      %dma_start3A_15 = tpu.memref_slice %arg4[%add3A_11, %mul3A_2, %dma_start3A_14] : memref<408x1024x128xi32, #tpu.memory_space<hbm>> -> memref<1x32x128xi32, #tpu.memory_space<hbm>>
      %dma_start3A_16 = tpu.memref_squeeze %dma_start3A_15 : memref<1x32x128xi32, #tpu.memory_space<hbm>> -> memref<32x128xi32, #tpu.memory_space<hbm>>
      tpu.enqueue_dma source(%dma_start3A_16 : memref<32x128xi32, #tpu.memory_space<hbm>>) target(%arg6 : memref<32x128xi32, #tpu.memory_space<vmem>>) target_semaphore(%arg10 : memref<!tpu.dma_semaphore, #tpu.memory_space<semaphore_mem>>)
      %dma_wait3A = arith.constant 0 : i32
      %dma_wait3A_17 = tpu.memref_slice %arg4[%add3A_11, %mul3A_2, %dma_wait3A] : memref<408x1024x128xi32, #tpu.memory_space<hbm>> -> memref<1x32x128xi32, #tpu.memory_space<hbm>>
      %dma_wait3A_18 = tpu.memref_squeeze %dma_wait3A_17 : memref<1x32x128xi32, #tpu.memory_space<hbm>> -> memref<32x128xi32, #tpu.memory_space<hbm>>
      %dma_wait3A_19 = arith.constant 0 : i32
      %dma_wait3A_20 = tpu.memref_slice %arg4[%add3A_11, %mul3A_2, %dma_wait3A_19] : memref<408x1024x128xi32, #tpu.memory_space<hbm>> -> memref<1x32x128xi32, #tpu.memory_space<hbm>>
      %dma_wait3A_21 = tpu.memref_squeeze %dma_wait3A_20 : memref<1x32x128xi32, #tpu.memory_space<hbm>> -> memref<32x128xi32, #tpu.memory_space<hbm>>
      tpu.wait_dma2 semaphore(%arg10 : memref<!tpu.dma_semaphore, #tpu.memory_space<semaphore_mem>>) src(%dma_wait3A_21 : memref<32x128xi32, #tpu.memory_space<hbm>>) dst(%arg6 : memref<32x128xi32, #tpu.memory_space<vmem>>)
      %scan3A_22 = arith.constant 0 : i32
      %scan3A_23 = arith.constant 8 : i32
      %scan3A_24 = arith.addi %scan3A_22, %scan3A_23 : i32
      %scan3A_25 = arith.constant 1 : i32
      scf.for %scan3A_60 = %scan3A_22 to %scan3A_24 step %scan3A_25  : i32 {
        %mul3A_61 = arith.constant 4 : i32
        %mul3A_62 = arith.muli %scan3A_60, %mul3A_61 : i32
        %add3A_63 = arith.constant 0 : i32
        %add3A_64 = arith.addi %add3A_63, %mul3A_62 : i32
        %add3A_65 = arith.constant 0 : i32
        %add3A_66 = arith.addi %add3A_64, %add3A_65 : i32
        %add3A_67 = arith.constant 0 : i32
        %add3A_68 = arith.addi %add3A_64, %add3A_67 : i32
        %dma_start3A_69 = arith.constant 0 : i32
        %dma_start3A_70 = tpu.memref_slice %arg7[%add3A_68, %dma_start3A_69] : memref<32x128xf32, #tpu.memory_space<vmem>> -> memref<1x128xf32, #tpu.memory_space<vmem>>
        %dma_start3A_71 = tpu.memref_squeeze %dma_start3A_70 : memref<1x128xf32, #tpu.memory_space<vmem>> -> memref<128xf32, #tpu.memory_space<vmem>>
        %dma_start3A_72 = arith.constant 0 : i32
        %dma_start3A_73 = tpu.memref_slice %arg6[%add3A_66, %dma_start3A_72] : memref<32x128xi32, #tpu.memory_space<vmem>> -> memref<1x128xi32, #tpu.memory_space<vmem>>
        %dma_start3A_74 = tpu.memref_squeeze %dma_start3A_73 : memref<1x128xi32, #tpu.memory_space<vmem>> -> memref<128xi32, #tpu.memory_space<vmem>>
        %dma_start3A_75 = arith.constant 0 : i32
        %dma_start3A_76 = tpu.memref_slice %arg2[%dma_start3A_75] : memref<8388608xf32, #tpu.memory_space<hbm>> -> memref<8388608xf32, #tpu.memory_space<hbm>>
        tpu.enqueue_indirect_dma source(%dma_start3A_76 : memref<8388608xf32, #tpu.memory_space<hbm>>) target(%dma_start3A_71 : memref<128xf32, #tpu.memory_space<vmem>>) offsets(%dma_start3A_74 : memref<128xi32, #tpu.memory_space<vmem>>) semaphore(%arg9 : memref<!tpu.dma_semaphore, #tpu.memory_space<semaphore_mem>>)
        %add3A_77 = arith.constant 0 : i32
        %add3A_78 = arith.addi %add3A_64, %add3A_77 : i32
        %add3A_79 = arith.constant 0 : i32
        %add3A_80 = arith.addi %add3A_64, %add3A_79 : i32
        %dma_start3A_81 = arith.constant 0 : i32
        %dma_start3A_82 = tpu.memref_slice %arg8[%add3A_80, %dma_start3A_81] : memref<32x128xf32, #tpu.memory_space<vmem>> -> memref<1x128xf32, #tpu.memory_space<vmem>>
        %dma_start3A_83 = tpu.memref_squeeze %dma_start3A_82 : memref<1x128xf32, #tpu.memory_space<vmem>> -> memref<128xf32, #tpu.memory_space<vmem>>
        %dma_start3A_84 = arith.constant 0 : i32
        %dma_start3A_85 = tpu.memref_slice %arg6[%add3A_78, %dma_start3A_84] : memref<32x128xi32, #tpu.memory_space<vmem>> -> memref<1x128xi32, #tpu.memory_space<vmem>>
        %dma_start3A_86 = tpu.memref_squeeze %dma_start3A_85 : memref<1x128xi32, #tpu.memory_space<vmem>> -> memref<128xi32, #tpu.memory_space<vmem>>
        %dma_start3A_87 = arith.constant 0 : i32
        %dma_start3A_88 = tpu.memref_slice %arg3[%dma_start3A_87] : memref<8388608xf32, #tpu.memory_space<hbm>> -> memref<8388608xf32, #tpu.memory_space<hbm>>
        tpu.enqueue_indirect_dma source(%dma_start3A_88 : memref<8388608xf32, #tpu.memory_space<hbm>>) target(%dma_start3A_83 : memref<128xf32, #tpu.memory_space<vmem>>) offsets(%dma_start3A_86 : memref<128xi32, #tpu.memory_space<vmem>>) semaphore(%arg9 : memref<!tpu.dma_semaphore, #tpu.memory_space<semaphore_mem>>)
        %add3A_89 = arith.constant 1 : i32
        %add3A_90 = arith.addi %add3A_64, %add3A_89 : i32
        %add3A_91 = arith.constant 1 : i32
        %add3A_92 = arith.addi %add3A_64, %add3A_91 : i32
        %dma_start3A_93 = arith.constant 0 : i32
        %dma_start3A_94 = tpu.memref_slice %arg7[%add3A_92, %dma_start3A_93] : memref<32x128xf32, #tpu.memory_space<vmem>> -> memref<1x128xf32, #tpu.memory_space<vmem>>
        %dma_start3A_95 = tpu.memref_squeeze %dma_start3A_94 : memref<1x128xf32, #tpu.memory_space<vmem>> -> memref<128xf32, #tpu.memory_space<vmem>>
        %dma_start3A_96 = arith.constant 0 : i32
        %dma_start3A_97 = tpu.memref_slice %arg6[%add3A_90, %dma_start3A_96] : memref<32x128xi32, #tpu.memory_space<vmem>> -> memref<1x128xi32, #tpu.memory_space<vmem>>
        %dma_start3A_98 = tpu.memref_squeeze %dma_start3A_97 : memref<1x128xi32, #tpu.memory_space<vmem>> -> memref<128xi32, #tpu.memory_space<vmem>>
        %dma_start3A_99 = arith.constant 0 : i32
        %dma_start3A_100 = tpu.memref_slice %arg2[%dma_start3A_99] : memref<8388608xf32, #tpu.memory_space<hbm>> -> memref<8388608xf32, #tpu.memory_space<hbm>>
        tpu.enqueue_indirect_dma source(%dma_start3A_100 : memref<8388608xf32, #tpu.memory_space<hbm>>) target(%dma_start3A_95 : memref<128xf32, #tpu.memory_space<vmem>>) offsets(%dma_start3A_98 : memref<128xi32, #tpu.memory_space<vmem>>) semaphore(%arg9 : memref<!tpu.dma_semaphore, #tpu.memory_space<semaphore_mem>>)
        %add3A_101 = arith.constant 1 : i32
        %add3A_102 = arith.addi %add3A_64, %add3A_101 : i32
        %add3A_103 = arith.constant 1 : i32
        %add3A_104 = arith.addi %add3A_64, %add3A_103 : i32
        %dma_start3A_105 = arith.constant 0 : i32
        %dma_start3A_106 = tpu.memref_slice %arg8[%add3A_104, %dma_start3A_105] : memref<32x128xf32, #tpu.memory_space<vmem>> -> memref<1x128xf32, #tpu.memory_space<vmem>>
        %dma_start3A_107 = tpu.memref_squeeze %dma_start3A_106 : memref<1x128xf32, #tpu.memory_space<vmem>> -> memref<128xf32, #tpu.memory_space<vmem>>
        %dma_start3A_108 = arith.constant 0 : i32
        %dma_start3A_109 = tpu.memref_slice %arg6[%add3A_102, %dma_start3A_108] : memref<32x128xi32, #tpu.memory_space<vmem>> -> memref<1x128xi32, #tpu.memory_space<vmem>>
        %dma_start3A_110 = tpu.memref_squeeze %dma_start3A_109 : memref<1x128xi32, #tpu.memory_space<vmem>> -> memref<128xi32, #tpu.memory_space<vmem>>
        %dma_start3A_111 = arith.constant 0 : i32
        %dma_start3A_112 = tpu.memref_slice %arg3[%dma_start3A_111] : memref<8388608xf32, #tpu.memory_space<hbm>> -> memref<8388608xf32, #tpu.memory_space<hbm>>
        tpu.enqueue_indirect_dma source(%dma_start3A_112 : memref<8388608xf32, #tpu.memory_space<hbm>>) target(%dma_start3A_107 : memref<128xf32, #tpu.memory_space<vmem>>) offsets(%dma_start3A_110 : memref<128xi32, #tpu.memory_space<vmem>>) semaphore(%arg9 : memref<!tpu.dma_semaphore, #tpu.memory_space<semaphore_mem>>)
        %add3A_113 = arith.constant 2 : i32
        %add3A_114 = arith.addi %add3A_64, %add3A_113 : i32
        %add3A_115 = arith.constant 2 : i32
        %add3A_116 = arith.addi %add3A_64, %add3A_115 : i32
        %dma_start3A_117 = arith.constant 0 : i32
        %dma_start3A_118 = tpu.memref_slice %arg7[%add3A_116, %dma_start3A_117] : memref<32x128xf32, #tpu.memory_space<vmem>> -> memref<1x128xf32, #tpu.memory_space<vmem>>
        %dma_start3A_119 = tpu.memref_squeeze %dma_start3A_118 : memref<1x128xf32, #tpu.memory_space<vmem>> -> memref<128xf32, #tpu.memory_space<vmem>>
        %dma_start3A_120 = arith.constant 0 : i32
        %dma_start3A_121 = tpu.memref_slice %arg6[%add3A_114, %dma_start3A_120] : memref<32x128xi32, #tpu.memory_space<vmem>> -> memref<1x128xi32, #tpu.memory_space<vmem>>
        %dma_start3A_122 = tpu.memref_squeeze %dma_start3A_121 : memref<1x128xi32, #tpu.memory_space<vmem>> -> memref<128xi32, #tpu.memory_space<vmem>>
        %dma_start3A_123 = arith.constant 0 : i32
        %dma_start3A_124 = tpu.memref_slice %arg2[%dma_start3A_123] : memref<8388608xf32, #tpu.memory_space<hbm>> -> memref<8388608xf32, #tpu.memory_space<hbm>>
        tpu.enqueue_indirect_dma source(%dma_start3A_124 : memref<8388608xf32, #tpu.memory_space<hbm>>) target(%dma_start3A_119 : memref<128xf32, #tpu.memory_space<vmem>>) offsets(%dma_start3A_122 : memref<128xi32, #tpu.memory_space<vmem>>) semaphore(%arg9 : memref<!tpu.dma_semaphore, #tpu.memory_space<semaphore_mem>>)
        %add3A_125 = arith.constant 2 : i32
        %add3A_126 = arith.addi %add3A_64, %add3A_125 : i32
        %add3A_127 = arith.constant 2 : i32
        %add3A_128 = arith.addi %add3A_64, %add3A_127 : i32
        %dma_start3A_129 = arith.constant 0 : i32
        %dma_start3A_130 = tpu.memref_slice %arg8[%add3A_128, %dma_start3A_129] : memref<32x128xf32, #tpu.memory_space<vmem>> -> memref<1x128xf32, #tpu.memory_space<vmem>>
        %dma_start3A_131 = tpu.memref_squeeze %dma_start3A_130 : memref<1x128xf32, #tpu.memory_space<vmem>> -> memref<128xf32, #tpu.memory_space<vmem>>
        %dma_start3A_132 = arith.constant 0 : i32
        %dma_start3A_133 = tpu.memref_slice %arg6[%add3A_126, %dma_start3A_132] : memref<32x128xi32, #tpu.memory_space<vmem>> -> memref<1x128xi32, #tpu.memory_space<vmem>>
        %dma_start3A_134 = tpu.memref_squeeze %dma_start3A_133 : memref<1x128xi32, #tpu.memory_space<vmem>> -> memref<128xi32, #tpu.memory_space<vmem>>
        %dma_start3A_135 = arith.constant 0 : i32
        %dma_start3A_136 = tpu.memref_slice %arg3[%dma_start3A_135] : memref<8388608xf32, #tpu.memory_space<hbm>> -> memref<8388608xf32, #tpu.memory_space<hbm>>
        tpu.enqueue_indirect_dma source(%dma_start3A_136 : memref<8388608xf32, #tpu.memory_space<hbm>>) target(%dma_start3A_131 : memref<128xf32, #tpu.memory_space<vmem>>) offsets(%dma_start3A_134 : memref<128xi32, #tpu.memory_space<vmem>>) semaphore(%arg9 : memref<!tpu.dma_semaphore, #tpu.memory_space<semaphore_mem>>)
        %add3A_137 = arith.constant 3 : i32
        %add3A_138 = arith.addi %add3A_64, %add3A_137 : i32
        %add3A_139 = arith.constant 3 : i32
        %add3A_140 = arith.addi %add3A_64, %add3A_139 : i32
        %dma_start3A_141 = arith.constant 0 : i32
        %dma_start3A_142 = tpu.memref_slice %arg7[%add3A_140, %dma_start3A_141] : memref<32x128xf32, #tpu.memory_space<vmem>> -> memref<1x128xf32, #tpu.memory_space<vmem>>
        %dma_start3A_143 = tpu.memref_squeeze %dma_start3A_142 : memref<1x128xf32, #tpu.memory_space<vmem>> -> memref<128xf32, #tpu.memory_space<vmem>>
        %dma_start3A_144 = arith.constant 0 : i32
        %dma_start3A_145 = tpu.memref_slice %arg6[%add3A_138, %dma_start3A_144] : memref<32x128xi32, #tpu.memory_space<vmem>> -> memref<1x128xi32, #tpu.memory_space<vmem>>
        %dma_start3A_146 = tpu.memref_squeeze %dma_start3A_145 : memref<1x128xi32, #tpu.memory_space<vmem>> -> memref<128xi32, #tpu.memory_space<vmem>>
        %dma_start3A_147 = arith.constant 0 : i32
        %dma_start3A_148 = tpu.memref_slice %arg2[%dma_start3A_147] : memref<8388608xf32, #tpu.memory_space<hbm>> -> memref<8388608xf32, #tpu.memory_space<hbm>>
        tpu.enqueue_indirect_dma source(%dma_start3A_148 : memref<8388608xf32, #tpu.memory_space<hbm>>) target(%dma_start3A_143 : memref<128xf32, #tpu.memory_space<vmem>>) offsets(%dma_start3A_146 : memref<128xi32, #tpu.memory_space<vmem>>) semaphore(%arg9 : memref<!tpu.dma_semaphore, #tpu.memory_space<semaphore_mem>>)
        %add3A_149 = arith.constant 3 : i32
        %add3A_150 = arith.addi %add3A_64, %add3A_149 : i32
        %add3A_151 = arith.constant 3 : i32
        %add3A_152 = arith.addi %add3A_64, %add3A_151 : i32
        %dma_start3A_153 = arith.constant 0 : i32
        %dma_start3A_154 = tpu.memref_slice %arg8[%add3A_152, %dma_start3A_153] : memref<32x128xf32, #tpu.memory_space<vmem>> -> memref<1x128xf32, #tpu.memory_space<vmem>>
        %dma_start3A_155 = tpu.memref_squeeze %dma_start3A_154 : memref<1x128xf32, #tpu.memory_space<vmem>> -> memref<128xf32, #tpu.memory_space<vmem>>
        %dma_start3A_156 = arith.constant 0 : i32
        %dma_start3A_157 = tpu.memref_slice %arg6[%add3A_150, %dma_start3A_156] : memref<32x128xi32, #tpu.memory_space<vmem>> -> memref<1x128xi32, #tpu.memory_space<vmem>>
        %dma_start3A_158 = tpu.memref_squeeze %dma_start3A_157 : memref<1x128xi32, #tpu.memory_space<vmem>> -> memref<128xi32, #tpu.memory_space<vmem>>
        %dma_start3A_159 = arith.constant 0 : i32
        %dma_start3A_160 = tpu.memref_slice %arg3[%dma_start3A_159] : memref<8388608xf32, #tpu.memory_space<hbm>> -> memref<8388608xf32, #tpu.memory_space<hbm>>
        tpu.enqueue_indirect_dma source(%dma_start3A_160 : memref<8388608xf32, #tpu.memory_space<hbm>>) target(%dma_start3A_155 : memref<128xf32, #tpu.memory_space<vmem>>) offsets(%dma_start3A_158 : memref<128xi32, #tpu.memory_space<vmem>>) semaphore(%arg9 : memref<!tpu.dma_semaphore, #tpu.memory_space<semaphore_mem>>)
      }
      %scan3A_26 = arith.constant 8 : i32
      %scan3A_27 = arith.constant 0 : i32
      %scan3A_28 = arith.constant 8 : i32
      %scan3A_29 = arith.addi %scan3A_27, %scan3A_28 : i32
      %scan3A_30 = arith.constant 1 : i32
      scf.for %scan3A_60 = %scan3A_27 to %scan3A_29 step %scan3A_30  : i32 {
        %mul3A_61 = arith.constant 4 : i32
        %mul3A_62 = arith.muli %scan3A_60, %mul3A_61 : i32
        %add3A_63 = arith.constant 0 : i32
        %add3A_64 = arith.addi %add3A_63, %mul3A_62 : i32
        %add3A_65 = arith.constant 0 : i32
        %add3A_66 = arith.addi %add3A_64, %add3A_65 : i32
        %add3A_67 = arith.constant 0 : i32
        %add3A_68 = arith.addi %add3A_64, %add3A_67 : i32
        %dma_wait3A_69 = arith.constant 0 : i32
        %dma_wait3A_70 = tpu.memref_slice %arg7[%add3A_68, %dma_wait3A_69] : memref<32x128xf32, #tpu.memory_space<vmem>> -> memref<1x128xf32, #tpu.memory_space<vmem>>
        %dma_wait3A_71 = tpu.memref_squeeze %dma_wait3A_70 : memref<1x128xf32, #tpu.memory_space<vmem>> -> memref<128xf32, #tpu.memory_space<vmem>>
        %dma_wait3A_72 = arith.constant 0 : i32
        %dma_wait3A_73 = tpu.memref_slice %arg6[%add3A_66, %dma_wait3A_72] : memref<32x128xi32, #tpu.memory_space<vmem>> -> memref<1x128xi32, #tpu.memory_space<vmem>>
        %dma_wait3A_74 = tpu.memref_squeeze %dma_wait3A_73 : memref<1x128xi32, #tpu.memory_space<vmem>> -> memref<128xi32, #tpu.memory_space<vmem>>
        %dma_wait3A_75 = arith.constant 0 : i32
        %dma_wait3A_76 = tpu.memref_slice %arg2[%dma_wait3A_75] : memref<8388608xf32, #tpu.memory_space<hbm>> -> memref<8388608xf32, #tpu.memory_space<hbm>>
        tpu.wait_indirect_dma semaphore(%arg9 : memref<!tpu.dma_semaphore, #tpu.memory_space<semaphore_mem>>) src(%dma_wait3A_76 : memref<8388608xf32, #tpu.memory_space<hbm>>) dst(%dma_wait3A_71 : memref<128xf32, #tpu.memory_space<vmem>>)
        %add3A_77 = arith.constant 0 : i32
        %add3A_78 = arith.addi %add3A_64, %add3A_77 : i32
        %add3A_79 = arith.constant 0 : i32
        %add3A_80 = arith.addi %add3A_64, %add3A_79 : i32
        %dma_wait3A_81 = arith.constant 0 : i32
        %dma_wait3A_82 = tpu.memref_slice %arg8[%add3A_80, %dma_wait3A_81] : memref<32x128xf32, #tpu.memory_space<vmem>> -> memref<1x128xf32, #tpu.memory_space<vmem>>
        %dma_wait3A_83 = tpu.memref_squeeze %dma_wait3A_82 : memref<1x128xf32, #tpu.memory_space<vmem>> -> memref<128xf32, #tpu.memory_space<vmem>>
        %dma_wait3A_84 = arith.constant 0 : i32
        %dma_wait3A_85 = tpu.memref_slice %arg6[%add3A_78, %dma_wait3A_84] : memref<32x128xi32, #tpu.memory_space<vmem>> -> memref<1x128xi32, #tpu.memory_space<vmem>>
        %dma_wait3A_86 = tpu.memref_squeeze %dma_wait3A_85 : memref<1x128xi32, #tpu.memory_space<vmem>> -> memref<128xi32, #tpu.memory_space<vmem>>
        %dma_wait3A_87 = arith.constant 0 : i32
        %dma_wait3A_88 = tpu.memref_slice %arg3[%dma_wait3A_87] : memref<8388608xf32, #tpu.memory_space<hbm>> -> memref<8388608xf32, #tpu.memory_space<hbm>>
        tpu.wait_indirect_dma semaphore(%arg9 : memref<!tpu.dma_semaphore, #tpu.memory_space<semaphore_mem>>) src(%dma_wait3A_88 : memref<8388608xf32, #tpu.memory_space<hbm>>) dst(%dma_wait3A_83 : memref<128xf32, #tpu.memory_space<vmem>>)
        %add3A_89 = arith.constant 1 : i32
        %add3A_90 = arith.addi %add3A_64, %add3A_89 : i32
        %add3A_91 = arith.constant 1 : i32
        %add3A_92 = arith.addi %add3A_64, %add3A_91 : i32
        %dma_wait3A_93 = arith.constant 0 : i32
        %dma_wait3A_94 = tpu.memref_slice %arg7[%add3A_92, %dma_wait3A_93] : memref<32x128xf32, #tpu.memory_space<vmem>> -> memref<1x128xf32, #tpu.memory_space<vmem>>
        %dma_wait3A_95 = tpu.memref_squeeze %dma_wait3A_94 : memref<1x128xf32, #tpu.memory_space<vmem>> -> memref<128xf32, #tpu.memory_space<vmem>>
        %dma_wait3A_96 = arith.constant 0 : i32
        %dma_wait3A_97 = tpu.memref_slice %arg6[%add3A_90, %dma_wait3A_96] : memref<32x128xi32, #tpu.memory_space<vmem>> -> memref<1x128xi32, #tpu.memory_space<vmem>>
        %dma_wait3A_98 = tpu.memref_squeeze %dma_wait3A_97 : memref<1x128xi32, #tpu.memory_space<vmem>> -> memref<128xi32, #tpu.memory_space<vmem>>
        %dma_wait3A_99 = arith.constant 0 : i32
        %dma_wait3A_100 = tpu.memref_slice %arg2[%dma_wait3A_99] : memref<8388608xf32, #tpu.memory_space<hbm>> -> memref<8388608xf32, #tpu.memory_space<hbm>>
        tpu.wait_indirect_dma semaphore(%arg9 : memref<!tpu.dma_semaphore, #tpu.memory_space<semaphore_mem>>) src(%dma_wait3A_100 : memref<8388608xf32, #tpu.memory_space<hbm>>) dst(%dma_wait3A_95 : memref<128xf32, #tpu.memory_space<vmem>>)
        %add3A_101 = arith.constant 1 : i32
        %add3A_102 = arith.addi %add3A_64, %add3A_101 : i32
        %add3A_103 = arith.constant 1 : i32
        %add3A_104 = arith.addi %add3A_64, %add3A_103 : i32
        %dma_wait3A_105 = arith.constant 0 : i32
        %dma_wait3A_106 = tpu.memref_slice %arg8[%add3A_104, %dma_wait3A_105] : memref<32x128xf32, #tpu.memory_space<vmem>> -> memref<1x128xf32, #tpu.memory_space<vmem>>
        %dma_wait3A_107 = tpu.memref_squeeze %dma_wait3A_106 : memref<1x128xf32, #tpu.memory_space<vmem>> -> memref<128xf32, #tpu.memory_space<vmem>>
        %dma_wait3A_108 = arith.constant 0 : i32
        %dma_wait3A_109 = tpu.memref_slice %arg6[%add3A_102, %dma_wait3A_108] : memref<32x128xi32, #tpu.memory_space<vmem>> -> memref<1x128xi32, #tpu.memory_space<vmem>>
        %dma_wait3A_110 = tpu.memref_squeeze %dma_wait3A_109 : memref<1x128xi32, #tpu.memory_space<vmem>> -> memref<128xi32, #tpu.memory_space<vmem>>
        %dma_wait3A_111 = arith.constant 0 : i32
        %dma_wait3A_112 = tpu.memref_slice %arg3[%dma_wait3A_111] : memref<8388608xf32, #tpu.memory_space<hbm>> -> memref<8388608xf32, #tpu.memory_space<hbm>>
        tpu.wait_indirect_dma semaphore(%arg9 : memref<!tpu.dma_semaphore, #tpu.memory_space<semaphore_mem>>) src(%dma_wait3A_112 : memref<8388608xf32, #tpu.memory_space<hbm>>) dst(%dma_wait3A_107 : memref<128xf32, #tpu.memory_space<vmem>>)
        %add3A_113 = arith.constant 2 : i32
        %add3A_114 = arith.addi %add3A_64, %add3A_113 : i32
        %add3A_115 = arith.constant 2 : i32
        %add3A_116 = arith.addi %add3A_64, %add3A_115 : i32
        %dma_wait3A_117 = arith.constant 0 : i32
        %dma_wait3A_118 = tpu.memref_slice %arg7[%add3A_116, %dma_wait3A_117] : memref<32x128xf32, #tpu.memory_space<vmem>> -> memref<1x128xf32, #tpu.memory_space<vmem>>
        %dma_wait3A_119 = tpu.memref_squeeze %dma_wait3A_118 : memref<1x128xf32, #tpu.memory_space<vmem>> -> memref<128xf32, #tpu.memory_space<vmem>>
        %dma_wait3A_120 = arith.constant 0 : i32
        %dma_wait3A_121 = tpu.memref_slice %arg6[%add3A_114, %dma_wait3A_120] : memref<32x128xi32, #tpu.memory_space<vmem>> -> memref<1x128xi32, #tpu.memory_space<vmem>>
        %dma_wait3A_122 = tpu.memref_squeeze %dma_wait3A_121 : memref<1x128xi32, #tpu.memory_space<vmem>> -> memref<128xi32, #tpu.memory_space<vmem>>
        %dma_wait3A_123 = arith.constant 0 : i32
        %dma_wait3A_124 = tpu.memref_slice %arg2[%dma_wait3A_123] : memref<8388608xf32, #tpu.memory_space<hbm>> -> memref<8388608xf32, #tpu.memory_space<hbm>>
        tpu.wait_indirect_dma semaphore(%arg9 : memref<!tpu.dma_semaphore, #tpu.memory_space<semaphore_mem>>) src(%dma_wait3A_124 : memref<8388608xf32, #tpu.memory_space<hbm>>) dst(%dma_wait3A_119 : memref<128xf32, #tpu.memory_space<vmem>>)
        %add3A_125 = arith.constant 2 : i32
        %add3A_126 = arith.addi %add3A_64, %add3A_125 : i32
        %add3A_127 = arith.constant 2 : i32
        %add3A_128 = arith.addi %add3A_64, %add3A_127 : i32
        %dma_wait3A_129 = arith.constant 0 : i32
        %dma_wait3A_130 = tpu.memref_slice %arg8[%add3A_128, %dma_wait3A_129] : memref<32x128xf32, #tpu.memory_space<vmem>> -> memref<1x128xf32, #tpu.memory_space<vmem>>
        %dma_wait3A_131 = tpu.memref_squeeze %dma_wait3A_130 : memref<1x128xf32, #tpu.memory_space<vmem>> -> memref<128xf32, #tpu.memory_space<vmem>>
        %dma_wait3A_132 = arith.constant 0 : i32
        %dma_wait3A_133 = tpu.memref_slice %arg6[%add3A_126, %dma_wait3A_132] : memref<32x128xi32, #tpu.memory_space<vmem>> -> memref<1x128xi32, #tpu.memory_space<vmem>>
        %dma_wait3A_134 = tpu.memref_squeeze %dma_wait3A_133 : memref<1x128xi32, #tpu.memory_space<vmem>> -> memref<128xi32, #tpu.memory_space<vmem>>
        %dma_wait3A_135 = arith.constant 0 : i32
        %dma_wait3A_136 = tpu.memref_slice %arg3[%dma_wait3A_135] : memref<8388608xf32, #tpu.memory_space<hbm>> -> memref<8388608xf32, #tpu.memory_space<hbm>>
        tpu.wait_indirect_dma semaphore(%arg9 : memref<!tpu.dma_semaphore, #tpu.memory_space<semaphore_mem>>) src(%dma_wait3A_136 : memref<8388608xf32, #tpu.memory_space<hbm>>) dst(%dma_wait3A_131 : memref<128xf32, #tpu.memory_space<vmem>>)
        %add3A_137 = arith.constant 3 : i32
        %add3A_138 = arith.addi %add3A_64, %add3A_137 : i32
        %add3A_139 = arith.constant 3 : i32
        %add3A_140 = arith.addi %add3A_64, %add3A_139 : i32
        %dma_wait3A_141 = arith.constant 0 : i32
        %dma_wait3A_142 = tpu.memref_slice %arg7[%add3A_140, %dma_wait3A_141] : memref<32x128xf32, #tpu.memory_space<vmem>> -> memref<1x128xf32, #tpu.memory_space<vmem>>
        %dma_wait3A_143 = tpu.memref_squeeze %dma_wait3A_142 : memref<1x128xf32, #tpu.memory_space<vmem>> -> memref<128xf32, #tpu.memory_space<vmem>>
        %dma_wait3A_144 = arith.constant 0 : i32
        %dma_wait3A_145 = tpu.memref_slice %arg6[%add3A_138, %dma_wait3A_144] : memref<32x128xi32, #tpu.memory_space<vmem>> -> memref<1x128xi32, #tpu.memory_space<vmem>>
        %dma_wait3A_146 = tpu.memref_squeeze %dma_wait3A_145 : memref<1x128xi32, #tpu.memory_space<vmem>> -> memref<128xi32, #tpu.memory_space<vmem>>
        %dma_wait3A_147 = arith.constant 0 : i32
        %dma_wait3A_148 = tpu.memref_slice %arg2[%dma_wait3A_147] : memref<8388608xf32, #tpu.memory_space<hbm>> -> memref<8388608xf32, #tpu.memory_space<hbm>>
        tpu.wait_indirect_dma semaphore(%arg9 : memref<!tpu.dma_semaphore, #tpu.memory_space<semaphore_mem>>) src(%dma_wait3A_148 : memref<8388608xf32, #tpu.memory_space<hbm>>) dst(%dma_wait3A_143 : memref<128xf32, #tpu.memory_space<vmem>>)
        %add3A_149 = arith.constant 3 : i32
        %add3A_150 = arith.addi %add3A_64, %add3A_149 : i32
        %add3A_151 = arith.constant 3 : i32
        %add3A_152 = arith.addi %add3A_64, %add3A_151 : i32
        %dma_wait3A_153 = arith.constant 0 : i32
        %dma_wait3A_154 = tpu.memref_slice %arg8[%add3A_152, %dma_wait3A_153] : memref<32x128xf32, #tpu.memory_space<vmem>> -> memref<1x128xf32, #tpu.memory_space<vmem>>
        %dma_wait3A_155 = tpu.memref_squeeze %dma_wait3A_154 : memref<1x128xf32, #tpu.memory_space<vmem>> -> memref<128xf32, #tpu.memory_space<vmem>>
        %dma_wait3A_156 = arith.constant 0 : i32
        %dma_wait3A_157 = tpu.memref_slice %arg6[%add3A_150, %dma_wait3A_156] : memref<32x128xi32, #tpu.memory_space<vmem>> -> memref<1x128xi32, #tpu.memory_space<vmem>>
        %dma_wait3A_158 = tpu.memref_squeeze %dma_wait3A_157 : memref<1x128xi32, #tpu.memory_space<vmem>> -> memref<128xi32, #tpu.memory_space<vmem>>
        %dma_wait3A_159 = arith.constant 0 : i32
        %dma_wait3A_160 = tpu.memref_slice %arg3[%dma_wait3A_159] : memref<8388608xf32, #tpu.memory_space<hbm>> -> memref<8388608xf32, #tpu.memory_space<hbm>>
        tpu.wait_indirect_dma semaphore(%arg9 : memref<!tpu.dma_semaphore, #tpu.memory_space<semaphore_mem>>) src(%dma_wait3A_160 : memref<8388608xf32, #tpu.memory_space<hbm>>) dst(%dma_wait3A_155 : memref<128xf32, #tpu.memory_space<vmem>>)
      }
      %scan3A_31 = arith.constant 8 : i32
      %dma_start3A_32 = arith.constant 0 : i32
      %dma_start3A_33 = arith.constant 0 : i32
      %dma_start3A_34 = tpu.memref_slice %arg5[%dma_start3A_32, %add3A_11, %mul3A_2, %dma_start3A_33] : memref<2x408x1024x128xf32, #tpu.memory_space<hbm>> -> memref<1x1x32x128xf32, #tpu.memory_space<hbm>>
      %dma_start3A_35 = tpu.memref_squeeze %dma_start3A_34 : memref<1x1x32x128xf32, #tpu.memory_space<hbm>> -> memref<32x128xf32, #tpu.memory_space<hbm>>
      %dma_start3A_36 = arith.constant 0 : i32
      %dma_start3A_37 = tpu.memref_slice %arg5[%dma_start3A_32, %add3A_11, %mul3A_2, %dma_start3A_36] : memref<2x408x1024x128xf32, #tpu.memory_space<hbm>> -> memref<1x1x32x128xf32, #tpu.memory_space<hbm>>
      %dma_start3A_38 = tpu.memref_squeeze %dma_start3A_37 : memref<1x1x32x128xf32, #tpu.memory_space<hbm>> -> memref<32x128xf32, #tpu.memory_space<hbm>>
      tpu.enqueue_dma source(%arg7 : memref<32x128xf32, #tpu.memory_space<vmem>>) target(%dma_start3A_38 : memref<32x128xf32, #tpu.memory_space<hbm>>) target_semaphore(%arg10 : memref<!tpu.dma_semaphore, #tpu.memory_space<semaphore_mem>>)
      %dma_wait3A_39 = arith.constant 0 : i32
      %dma_wait3A_40 = arith.constant 0 : i32
      %dma_wait3A_41 = tpu.memref_slice %arg5[%dma_wait3A_39, %add3A_11, %mul3A_2, %dma_wait3A_40] : memref<2x408x1024x128xf32, #tpu.memory_space<hbm>> -> memref<1x1x32x128xf32, #tpu.memory_space<hbm>>
      %dma_wait3A_42 = tpu.memref_squeeze %dma_wait3A_41 : memref<1x1x32x128xf32, #tpu.memory_space<hbm>> -> memref<32x128xf32, #tpu.memory_space<hbm>>
      %dma_wait3A_43 = arith.constant 0 : i32
      %dma_wait3A_44 = tpu.memref_slice %arg5[%dma_wait3A_39, %add3A_11, %mul3A_2, %dma_wait3A_43] : memref<2x408x1024x128xf32, #tpu.memory_space<hbm>> -> memref<1x1x32x128xf32, #tpu.memory_space<hbm>>
      %dma_wait3A_45 = tpu.memref_squeeze %dma_wait3A_44 : memref<1x1x32x128xf32, #tpu.memory_space<hbm>> -> memref<32x128xf32, #tpu.memory_space<hbm>>
      tpu.wait_dma2 semaphore(%arg10 : memref<!tpu.dma_semaphore, #tpu.memory_space<semaphore_mem>>) src(%arg7 : memref<32x128xf32, #tpu.memory_space<vmem>>) dst(%dma_wait3A_45 : memref<32x128xf32, #tpu.memory_space<hbm>>)
      %dma_start3A_46 = arith.constant 1 : i32
      %dma_start3A_47 = arith.constant 0 : i32
      %dma_start3A_48 = tpu.memref_slice %arg5[%dma_start3A_46, %add3A_11, %mul3A_2, %dma_start3A_47] : memref<2x408x1024x128xf32, #tpu.memory_space<hbm>> -> memref<1x1x32x128xf32, #tpu.memory_space<hbm>>
      %dma_start3A_49 = tpu.memref_squeeze %dma_start3A_48 : memref<1x1x32x128xf32, #tpu.memory_space<hbm>> -> memref<32x128xf32, #tpu.memory_space<hbm>>
      %dma_start3A_50 = arith.constant 0 : i32
      %dma_start3A_51 = tpu.memref_slice %arg5[%dma_start3A_46, %add3A_11, %mul3A_2, %dma_start3A_50] : memref<2x408x1024x128xf32, #tpu.memory_space<hbm>> -> memref<1x1x32x128xf32, #tpu.memory_space<hbm>>
      %dma_start3A_52 = tpu.memref_squeeze %dma_start3A_51 : memref<1x1x32x128xf32, #tpu.memory_space<hbm>> -> memref<32x128xf32, #tpu.memory_space<hbm>>
      tpu.enqueue_dma source(%arg8 : memref<32x128xf32, #tpu.memory_space<vmem>>) target(%dma_start3A_52 : memref<32x128xf32, #tpu.memory_space<hbm>>) target_semaphore(%arg10 : memref<!tpu.dma_semaphore, #tpu.memory_space<semaphore_mem>>)
      %dma_wait3A_53 = arith.constant 1 : i32
      %dma_wait3A_54 = arith.constant 0 : i32
      %dma_wait3A_55 = tpu.memref_slice %arg5[%dma_wait3A_53, %add3A_11, %mul3A_2, %dma_wait3A_54] : memref<2x408x1024x128xf32, #tpu.memory_space<hbm>> -> memref<1x1x32x128xf32, #tpu.memory_space<hbm>>
      %dma_wait3A_56 = tpu.memref_squeeze %dma_wait3A_55 : memref<1x1x32x128xf32, #tpu.memory_space<hbm>> -> memref<32x128xf32, #tpu.memory_space<hbm>>
      %dma_wait3A_57 = arith.constant 0 : i32
      %dma_wait3A_58 = tpu.memref_slice %arg5[%dma_wait3A_53, %add3A_11, %mul3A_2, %dma_wait3A_57] : memref<2x408x1024x128xf32, #tpu.memory_space<hbm>> -> memref<1x1x32x128xf32, #tpu.memory_space<hbm>>
      %dma_wait3A_59 = tpu.memref_squeeze %dma_wait3A_58 : memref<1x1x32x128xf32, #tpu.memory_space<hbm>> -> memref<32x128xf32, #tpu.memory_space<hbm>>
      tpu.wait_dma2 semaphore(%arg10 : memref<!tpu.dma_semaphore, #tpu.memory_space<semaphore_mem>>) src(%arg8 : memref<32x128xf32, #tpu.memory_space<vmem>>) dst(%dma_wait3A_59 : memref<32x128xf32, #tpu.memory_space<hbm>>)
    }
    %scan3A_6 = arith.constant 408 : i32
    return
  }
}

module attributes {stable_mosaic.version = 14 : i64} {
  func.func @_prep_kernel(%arg0: i32, %arg1: memref<512x3xf32, #tpu.memory_space<vmem>>, %arg2: memref<1x1xf32, #tpu.memory_space<vmem>>, %arg3: memref<51x8x512xi32, #tpu.memory_space<vmem>>) attributes {dimension_semantics = [#tpu.dimension_semantics<arbitrary>], iteration_bounds = array<i64: 256>, scalar_prefetch = 0 : i64, scratch_operands = 0 : i64, tpu.core_type = #tpu.core_type<tc>, window_params = [{transform_indices = @transform_0, window_bounds = array<i64: 512, 3>}, {pipeline_mode = #tpu.pipeline_mode<synchronous>, transform_indices = @transform_1, window_bounds = array<i64: 1, 1>}, {transform_indices = @transform_2, window_bounds = array<i64: 51, 8, 512>}]} {
    %get3A = arith.constant 0 : index
    %get3A_0 = arith.constant 0 : index
    %get3A_1 = vector.load %arg2[%get3A, %get3A_0] : memref<1x1xf32, #tpu.memory_space<vmem>>, vector<1x1xf32>
    %get3A_2 = vector.extract %get3A_1[0, 0] : f32 from vector<1x1xf32>
    %get3A_3 = arith.constant 0 : index
    %get3A_4 = arith.constant 0 : index
    %get3A_5 = vector.load %arg1[%get3A_3, %get3A_4] : memref<512x3xf32, #tpu.memory_space<vmem>>, vector<512x1xf32>
    %get3A_6 = vector.shape_cast %get3A_5 : vector<512x1xf32> to vector<512xf32>
    %add3A = vector.broadcast %get3A_2 : f32 to vector<512xf32>
    %add3A_7 = arith.addf %get3A_6, %add3A : vector<512xf32>
    %mul3A = arith.constant 2.000000e+00 : f32
    %mul3A_8 = arith.mulf %mul3A, %get3A_2 : f32
    %div3A = vector.broadcast %mul3A_8 : f32 to vector<512xf32>
    %div3A_9 = arith.divf %add3A_7, %div3A : vector<512xf32>
    %mul3A_10 = arith.constant 5.120000e+02 : f32
    %mul3A_11 = vector.broadcast %mul3A_10 : f32 to vector<512xf32>
    %mul3A_12 = arith.mulf %div3A_9, %mul3A_11 : vector<512xf32>
    %floor3A = math.floor %mul3A_12 : vector<512xf32>
    %jit3A = arith.constant 0.000000e+00 : f32
    %jit3A_13 = arith.constant 5.110000e+02 : f32
    %max3A = vector.broadcast %jit3A : f32 to vector<512xf32>
    %max3A_14 = arith.maximumf %max3A, %floor3A : vector<512xf32>
    %min3A = vector.broadcast %jit3A_13 : f32 to vector<512xf32>
    %min3A_15 = arith.minimumf %min3A, %max3A_14 : vector<512xf32>
    %convert_element_type3A = arith.fptosi %min3A_15 : vector<512xf32> to vector<512xi32>
    %get3A_16 = arith.constant 0 : index
    %get3A_17 = arith.constant 1 : index
    %get3A_18 = vector.load %arg1[%get3A_16, %get3A_17] : memref<512x3xf32, #tpu.memory_space<vmem>>, vector<512x1xf32>
    %get3A_19 = vector.shape_cast %get3A_18 : vector<512x1xf32> to vector<512xf32>
    %add3A_20 = vector.broadcast %get3A_2 : f32 to vector<512xf32>
    %add3A_21 = arith.addf %get3A_19, %add3A_20 : vector<512xf32>
    %mul3A_22 = arith.constant 2.000000e+00 : f32
    %mul3A_23 = arith.mulf %mul3A_22, %get3A_2 : f32
    %div3A_24 = vector.broadcast %mul3A_23 : f32 to vector<512xf32>
    %div3A_25 = arith.divf %add3A_21, %div3A_24 : vector<512xf32>
    %mul3A_26 = arith.constant 5.120000e+02 : f32
    %mul3A_27 = vector.broadcast %mul3A_26 : f32 to vector<512xf32>
    %mul3A_28 = arith.mulf %div3A_25, %mul3A_27 : vector<512xf32>
    %floor3A_29 = math.floor %mul3A_28 : vector<512xf32>
    %jit3A_30 = arith.constant 0.000000e+00 : f32
    %jit3A_31 = arith.constant 5.110000e+02 : f32
    %max3A_32 = vector.broadcast %jit3A_30 : f32 to vector<512xf32>
    %max3A_33 = arith.maximumf %max3A_32, %floor3A_29 : vector<512xf32>
    %min3A_34 = vector.broadcast %jit3A_31 : f32 to vector<512xf32>
    %min3A_35 = arith.minimumf %min3A_34, %max3A_33 : vector<512xf32>
    %convert_element_type3A_36 = arith.fptosi %min3A_35 : vector<512xf32> to vector<512xi32>
    %get3A_37 = arith.constant 0 : index
    %get3A_38 = arith.constant 2 : index
    %get3A_39 = vector.load %arg1[%get3A_37, %get3A_38] : memref<512x3xf32, #tpu.memory_space<vmem>>, vector<512x1xf32>
    %get3A_40 = vector.shape_cast %get3A_39 : vector<512x1xf32> to vector<512xf32>
    %add3A_41 = vector.broadcast %get3A_2 : f32 to vector<512xf32>
    %add3A_42 = arith.addf %get3A_40, %add3A_41 : vector<512xf32>
    %mul3A_43 = arith.constant 2.000000e+00 : f32
    %mul3A_44 = arith.mulf %mul3A_43, %get3A_2 : f32
    %div3A_45 = vector.broadcast %mul3A_44 : f32 to vector<512xf32>
    %div3A_46 = arith.divf %add3A_42, %div3A_45 : vector<512xf32>
    %mul3A_47 = arith.constant 5.120000e+02 : f32
    %mul3A_48 = vector.broadcast %mul3A_47 : f32 to vector<512xf32>
    %mul3A_49 = arith.mulf %div3A_46, %mul3A_48 : vector<512xf32>
    %floor3A_50 = math.floor %mul3A_49 : vector<512xf32>
    %jit3A_51 = arith.constant 0.000000e+00 : f32
    %jit3A_52 = arith.constant 5.110000e+02 : f32
    %max3A_53 = vector.broadcast %jit3A_51 : f32 to vector<512xf32>
    %max3A_54 = arith.maximumf %max3A_53, %floor3A_50 : vector<512xf32>
    %min3A_55 = vector.broadcast %jit3A_52 : f32 to vector<512xf32>
    %min3A_56 = arith.minimumf %min3A_55, %max3A_54 : vector<512xf32>
    %convert_element_type3A_57 = arith.fptosi %min3A_56 : vector<512xf32> to vector<512xi32>
    %scan3A = arith.constant 0 : i32
    %scan3A_58 = arith.constant 8 : i32
    %scan3A_59 = arith.addi %scan3A, %scan3A_58 : i32
    %scan3A_60 = arith.constant 1 : i32
    scf.for %scan3A_62 = %scan3A to %scan3A_59 step %scan3A_60  : i32 {
      %shift_right_arithmetic3A = arith.constant 2 : i32
      %shift_right_arithmetic3A_63 = arith.shrsi %scan3A_62, %shift_right_arithmetic3A : i32
      %and3A = arith.constant 1 : i32
      %and3A_64 = arith.andi %shift_right_arithmetic3A_63, %and3A : i32
      %shift_right_arithmetic3A_65 = arith.constant 1 : i32
      %shift_right_arithmetic3A_66 = arith.shrsi %scan3A_62, %shift_right_arithmetic3A_65 : i32
      %and3A_67 = arith.constant 1 : i32
      %and3A_68 = arith.andi %shift_right_arithmetic3A_66, %and3A_67 : i32
      %and3A_69 = arith.constant 1 : i32
      %and3A_70 = arith.andi %scan3A_62, %and3A_69 : i32
      %add3A_71 = vector.broadcast %and3A_64 : i32 to vector<512xi32>
      %add3A_72 = arith.addi %convert_element_type3A, %add3A_71 : vector<512xi32>
      %add3A_73 = vector.broadcast %and3A_68 : i32 to vector<512xi32>
      %add3A_74 = arith.addi %convert_element_type3A_36, %add3A_73 : vector<512xi32>
      %add3A_75 = vector.broadcast %and3A_70 : i32 to vector<512xi32>
      %add3A_76 = arith.addi %convert_element_type3A_57, %add3A_75 : vector<512xi32>
      %shift_right_arithmetic3A_77 = arith.constant 5 : i32
      %shift_right_arithmetic3A_78 = vector.broadcast %shift_right_arithmetic3A_77 : i32 to vector<512xi32>
      %shift_right_arithmetic3A_79 = arith.shrsi %add3A_72, %shift_right_arithmetic3A_78 : vector<512xi32>
      %shift_right_arithmetic3A_80 = arith.constant 5 : i32
      %shift_right_arithmetic3A_81 = vector.broadcast %shift_right_arithmetic3A_80 : i32 to vector<512xi32>
      %shift_right_arithmetic3A_82 = arith.shrsi %add3A_74, %shift_right_arithmetic3A_81 : vector<512xi32>
      %shift_right_arithmetic3A_83 = arith.constant 5 : i32
      %shift_right_arithmetic3A_84 = vector.broadcast %shift_right_arithmetic3A_83 : i32 to vector<512xi32>
      %shift_right_arithmetic3A_85 = arith.shrsi %add3A_76, %shift_right_arithmetic3A_84 : vector<512xi32>
      %add3A_86 = arith.constant 0 : i32
      %add3A_87 = vector.broadcast %add3A_86 : i32 to vector<512xi32>
      %add3A_88 = arith.addi %shift_right_arithmetic3A_79, %add3A_87 : vector<512xi32>
      %add3A_89 = arith.constant 0 : i32
      %add3A_90 = vector.broadcast %add3A_89 : i32 to vector<512xi32>
      %add3A_91 = arith.addi %shift_right_arithmetic3A_82, %add3A_90 : vector<512xi32>
      %add3A_92 = arith.constant 0 : i32
      %add3A_93 = vector.broadcast %add3A_92 : i32 to vector<512xi32>
      %add3A_94 = arith.addi %shift_right_arithmetic3A_85, %add3A_93 : vector<512xi32>
      %mul3A_95 = arith.constant 18 : i32
      %mul3A_96 = vector.broadcast %mul3A_95 : i32 to vector<512xi32>
      %mul3A_97 = arith.muli %mul3A_96, %add3A_91 : vector<512xi32>
      %add3A_98 = arith.addi %add3A_88, %mul3A_97 : vector<512xi32>
      %mul3A_99 = arith.constant 324 : i32
      %mul3A_100 = vector.broadcast %mul3A_99 : i32 to vector<512xi32>
      %mul3A_101 = arith.muli %mul3A_100, %add3A_94 : vector<512xi32>
      %add3A_102 = arith.addi %add3A_98, %mul3A_101 : vector<512xi32>
      %add3A_103 = arith.constant 0 : i32
      %add3A_104 = vector.broadcast %add3A_103 : i32 to vector<512xi32>
      %add3A_105 = arith.addi %add3A_102, %add3A_104 : vector<512xi32>
      %swap3A = arith.constant 0 : index
      %swap3A_106 = arith.index_cast %scan3A_62 : i32 to index
      %swap3A_107 = arith.constant 0 : index
      %swap3A_108 = vector.load %arg3[%swap3A, %swap3A_106, %swap3A_107] : memref<51x8x512xi32, #tpu.memory_space<vmem>>, vector<1x1x512xi32>
      %swap3A_109 = vector.shape_cast %swap3A_108 : vector<1x1x512xi32> to vector<512xi32>
      %swap3A_110 = vector.shape_cast %add3A_105 : vector<512xi32> to vector<1x1x512xi32>
      tpu.vector_store %arg3[%swap3A, %swap3A_106, %swap3A_107], %swap3A_110 {strides = array<i32>} : memref<51x8x512xi32, #tpu.memory_space<vmem>>, vector<1x1x512xi32>,
      %add3A_111 = arith.constant 0 : i32
      %add3A_112 = vector.broadcast %add3A_111 : i32 to vector<512xi32>
      %add3A_113 = arith.addi %shift_right_arithmetic3A_79, %add3A_112 : vector<512xi32>
      %add3A_114 = arith.constant 0 : i32
      %add3A_115 = vector.broadcast %add3A_114 : i32 to vector<512xi32>
      %add3A_116 = arith.addi %shift_right_arithmetic3A_82, %add3A_115 : vector<512xi32>
      %add3A_117 = arith.constant 1 : i32
      %add3A_118 = vector.broadcast %add3A_117 : i32 to vector<512xi32>
      %add3A_119 = arith.addi %shift_right_arithmetic3A_85, %add3A_118 : vector<512xi32>
      %mul3A_120 = arith.constant 18 : i32
      %mul3A_121 = vector.broadcast %mul3A_120 : i32 to vector<512xi32>
      %mul3A_122 = arith.muli %mul3A_121, %add3A_116 : vector<512xi32>
      %add3A_123 = arith.addi %add3A_113, %mul3A_122 : vector<512xi32>
      %mul3A_124 = arith.constant 324 : i32
      %mul3A_125 = vector.broadcast %mul3A_124 : i32 to vector<512xi32>
      %mul3A_126 = arith.muli %mul3A_125, %add3A_119 : vector<512xi32>
      %add3A_127 = arith.addi %add3A_123, %mul3A_126 : vector<512xi32>
      %add3A_128 = arith.constant 0 : i32
      %add3A_129 = vector.broadcast %add3A_128 : i32 to vector<512xi32>
      %add3A_130 = arith.addi %add3A_127, %add3A_129 : vector<512xi32>
      %swap3A_131 = arith.constant 1 : index
      %swap3A_132 = arith.index_cast %scan3A_62 : i32 to index
      %swap3A_133 = arith.constant 0 : index
      %swap3A_134 = vector.load %arg3[%swap3A_131, %swap3A_132, %swap3A_133] : memref<51x8x512xi32, #tpu.memory_space<vmem>>, vector<1x1x512xi32>
      %swap3A_135 = vector.shape_cast %swap3A_134 : vector<1x1x512xi32> to vector<512xi32>
      %swap3A_136 = vector.shape_cast %add3A_130 : vector<512xi32> to vector<1x1x512xi32>
      tpu.vector_store %arg3[%swap3A_131, %swap3A_132, %swap3A_133], %swap3A_136 {strides = array<i32>} : memref<51x8x512xi32, #tpu.memory_space<vmem>>, vector<1x1x512xi32>,
      %add3A_137 = arith.constant 0 : i32
      %add3A_138 = vector.broadcast %add3A_137 : i32 to vector<512xi32>
      %add3A_139 = arith.addi %shift_right_arithmetic3A_79, %add3A_138 : vector<512xi32>
      %add3A_140 = arith.constant 1 : i32
      %add3A_141 = vector.broadcast %add3A_140 : i32 to vector<512xi32>
      %add3A_142 = arith.addi %shift_right_arithmetic3A_82, %add3A_141 : vector<512xi32>
      %add3A_143 = arith.constant 0 : i32
      %add3A_144 = vector.broadcast %add3A_143 : i32 to vector<512xi32>
      %add3A_145 = arith.addi %shift_right_arithmetic3A_85, %add3A_144 : vector<512xi32>
      %mul3A_146 = arith.constant 18 : i32
      %mul3A_147 = vector.broadcast %mul3A_146 : i32 to vector<512xi32>
      %mul3A_148 = arith.muli %mul3A_147, %add3A_142 : vector<512xi32>
      %add3A_149 = arith.addi %add3A_139, %mul3A_148 : vector<512xi32>
      %mul3A_150 = arith.constant 324 : i32
      %mul3A_151 = vector.broadcast %mul3A_150 : i32 to vector<512xi32>
      %mul3A_152 = arith.muli %mul3A_151, %add3A_145 : vector<512xi32>
      %add3A_153 = arith.addi %add3A_149, %mul3A_152 : vector<512xi32>
      %add3A_154 = arith.constant 0 : i32
      %add3A_155 = vector.broadcast %add3A_154 : i32 to vector<512xi32>
      %add3A_156 = arith.addi %add3A_153, %add3A_155 : vector<512xi32>
      %swap3A_157 = arith.constant 2 : index
      %swap3A_158 = arith.index_cast %scan3A_62 : i32 to index
      %swap3A_159 = arith.constant 0 : index
      %swap3A_160 = vector.load %arg3[%swap3A_157, %swap3A_158, %swap3A_159] : memref<51x8x512xi32, #tpu.memory_space<vmem>>, vector<1x1x512xi32>
      %swap3A_161 = vector.shape_cast %swap3A_160 : vector<1x1x512xi32> to vector<512xi32>
      %swap3A_162 = vector.shape_cast %add3A_156 : vector<512xi32> to vector<1x1x512xi32>
      tpu.vector_store %arg3[%swap3A_157, %swap3A_158, %swap3A_159], %swap3A_162 {strides = array<i32>} : memref<51x8x512xi32, #tpu.memory_space<vmem>>, vector<1x1x512xi32>,
      %add3A_163 = arith.constant 0 : i32
      %add3A_164 = vector.broadcast %add3A_163 : i32 to vector<512xi32>
      %add3A_165 = arith.addi %shift_right_arithmetic3A_79, %add3A_164 : vector<512xi32>
      %add3A_166 = arith.constant 1 : i32
      %add3A_167 = vector.broadcast %add3A_166 : i32 to vector<512xi32>
      %add3A_168 = arith.addi %shift_right_arithmetic3A_82, %add3A_167 : vector<512xi32>
      %add3A_169 = arith.constant 1 : i32
      %add3A_170 = vector.broadcast %add3A_169 : i32 to vector<512xi32>
      %add3A_171 = arith.addi %shift_right_arithmetic3A_85, %add3A_170 : vector<512xi32>
      %mul3A_172 = arith.constant 18 : i32
      %mul3A_173 = vector.broadcast %mul3A_172 : i32 to vector<512xi32>
      %mul3A_174 = arith.muli %mul3A_173, %add3A_168 : vector<512xi32>
      %add3A_175 = arith.addi %add3A_165, %mul3A_174 : vector<512xi32>
      %mul3A_176 = arith.constant 324 : i32
      %mul3A_177 = vector.broadcast %mul3A_176 : i32 to vector<512xi32>
      %mul3A_178 = arith.muli %mul3A_177, %add3A_171 : vector<512xi32>
      %add3A_179 = arith.addi %add3A_175, %mul3A_178 : vector<512xi32>
      %add3A_180 = arith.constant 0 : i32
      %add3A_181 = vector.broadcast %add3A_180 : i32 to vector<512xi32>
      %add3A_182 = arith.addi %add3A_179, %add3A_181 : vector<512xi32>
      %swap3A_183 = arith.constant 3 : index
      %swap3A_184 = arith.index_cast %scan3A_62 : i32 to index
      %swap3A_185 = arith.constant 0 : index
      %swap3A_186 = vector.load %arg3[%swap3A_183, %swap3A_184, %swap3A_185] : memref<51x8x512xi32, #tpu.memory_space<vmem>>, vector<1x1x512xi32>
      %swap3A_187 = vector.shape_cast %swap3A_186 : vector<1x1x512xi32> to vector<512xi32>
      %swap3A_188 = vector.shape_cast %add3A_182 : vector<512xi32> to vector<1x1x512xi32>
      tpu.vector_store %arg3[%swap3A_183, %swap3A_184, %swap3A_185], %swap3A_188 {strides = array<i32>} : memref<51x8x512xi32, #tpu.memory_space<vmem>>, vector<1x1x512xi32>,
      %add3A_189 = arith.constant 1 : i32
      %add3A_190 = vector.broadcast %add3A_189 : i32 to vector<512xi32>
      %add3A_191 = arith.addi %shift_right_arithmetic3A_79, %add3A_190 : vector<512xi32>
      %add3A_192 = arith.constant 0 : i32
      %add3A_193 = vector.broadcast %add3A_192 : i32 to vector<512xi32>
      %add3A_194 = arith.addi %shift_right_arithmetic3A_82, %add3A_193 : vector<512xi32>
      %add3A_195 = arith.constant 0 : i32
      %add3A_196 = vector.broadcast %add3A_195 : i32 to vector<512xi32>
      %add3A_197 = arith.addi %shift_right_arithmetic3A_85, %add3A_196 : vector<512xi32>
      %mul3A_198 = arith.constant 18 : i32
      %mul3A_199 = vector.broadcast %mul3A_198 : i32 to vector<512xi32>
      %mul3A_200 = arith.muli %mul3A_199, %add3A_194 : vector<512xi32>
      %add3A_201 = arith.addi %add3A_191, %mul3A_200 : vector<512xi32>
      %mul3A_202 = arith.constant 324 : i32
      %mul3A_203 = vector.broadcast %mul3A_202 : i32 to vector<512xi32>
      %mul3A_204 = arith.muli %mul3A_203, %add3A_197 : vector<512xi32>
      %add3A_205 = arith.addi %add3A_201, %mul3A_204 : vector<512xi32>
      %add3A_206 = arith.constant 0 : i32
      %add3A_207 = vector.broadcast %add3A_206 : i32 to vector<512xi32>
      %add3A_208 = arith.addi %add3A_205, %add3A_207 : vector<512xi32>
      %swap3A_209 = arith.constant 4 : index
      %swap3A_210 = arith.index_cast %scan3A_62 : i32 to index
      %swap3A_211 = arith.constant 0 : index
      %swap3A_212 = vector.load %arg3[%swap3A_209, %swap3A_210, %swap3A_211] : memref<51x8x512xi32, #tpu.memory_space<vmem>>, vector<1x1x512xi32>
      %swap3A_213 = vector.shape_cast %swap3A_212 : vector<1x1x512xi32> to vector<512xi32>
      %swap3A_214 = vector.shape_cast %add3A_208 : vector<512xi32> to vector<1x1x512xi32>
      tpu.vector_store %arg3[%swap3A_209, %swap3A_210, %swap3A_211], %swap3A_214 {strides = array<i32>} : memref<51x8x512xi32, #tpu.memory_space<vmem>>, vector<1x1x512xi32>,
      %add3A_215 = arith.constant 1 : i32
      %add3A_216 = vector.broadcast %add3A_215 : i32 to vector<512xi32>
      %add3A_217 = arith.addi %shift_right_arithmetic3A_79, %add3A_216 : vector<512xi32>
      %add3A_218 = arith.constant 0 : i32
      %add3A_219 = vector.broadcast %add3A_218 : i32 to vector<512xi32>
      %add3A_220 = arith.addi %shift_right_arithmetic3A_82, %add3A_219 : vector<512xi32>
      %add3A_221 = arith.constant 1 : i32
      %add3A_222 = vector.broadcast %add3A_221 : i32 to vector<512xi32>
      %add3A_223 = arith.addi %shift_right_arithmetic3A_85, %add3A_222 : vector<512xi32>
      %mul3A_224 = arith.constant 18 : i32
      %mul3A_225 = vector.broadcast %mul3A_224 : i32 to vector<512xi32>
      %mul3A_226 = arith.muli %mul3A_225, %add3A_220 : vector<512xi32>
      %add3A_227 = arith.addi %add3A_217, %mul3A_226 : vector<512xi32>
      %mul3A_228 = arith.constant 324 : i32
      %mul3A_229 = vector.broadcast %mul3A_228 : i32 to vector<512xi32>
      %mul3A_230 = arith.muli %mul3A_229, %add3A_223 : vector<512xi32>
      %add3A_231 = arith.addi %add3A_227, %mul3A_230 : vector<512xi32>
      %add3A_232 = arith.constant 0 : i32
      %add3A_233 = vector.broadcast %add3A_232 : i32 to vector<512xi32>
      %add3A_234 = arith.addi %add3A_231, %add3A_233 : vector<512xi32>
      %swap3A_235 = arith.constant 5 : index
      %swap3A_236 = arith.index_cast %scan3A_62 : i32 to index
      %swap3A_237 = arith.constant 0 : index
      %swap3A_238 = vector.load %arg3[%swap3A_235, %swap3A_236, %swap3A_237] : memref<51x8x512xi32, #tpu.memory_space<vmem>>, vector<1x1x512xi32>
      %swap3A_239 = vector.shape_cast %swap3A_238 : vector<1x1x512xi32> to vector<512xi32>
      %swap3A_240 = vector.shape_cast %add3A_234 : vector<512xi32> to vector<1x1x512xi32>
      tpu.vector_store %arg3[%swap3A_235, %swap3A_236, %swap3A_237], %swap3A_240 {strides = array<i32>} : memref<51x8x512xi32, #tpu.memory_space<vmem>>, vector<1x1x512xi32>,
      %add3A_241 = arith.constant 1 : i32
      %add3A_242 = vector.broadcast %add3A_241 : i32 to vector<512xi32>
      %add3A_243 = arith.addi %shift_right_arithmetic3A_79, %add3A_242 : vector<512xi32>
      %add3A_244 = arith.constant 1 : i32
      %add3A_245 = vector.broadcast %add3A_244 : i32 to vector<512xi32>
      %add3A_246 = arith.addi %shift_right_arithmetic3A_82, %add3A_245 : vector<512xi32>
      %add3A_247 = arith.constant 0 : i32
      %add3A_248 = vector.broadcast %add3A_247 : i32 to vector<512xi32>
      %add3A_249 = arith.addi %shift_right_arithmetic3A_85, %add3A_248 : vector<512xi32>
      %mul3A_250 = arith.constant 18 : i32
      %mul3A_251 = vector.broadcast %mul3A_250 : i32 to vector<512xi32>
      %mul3A_252 = arith.muli %mul3A_251, %add3A_246 : vector<512xi32>
      %add3A_253 = arith.addi %add3A_243, %mul3A_252 : vector<512xi32>
      %mul3A_254 = arith.constant 324 : i32
      %mul3A_255 = vector.broadcast %mul3A_254 : i32 to vector<512xi32>
      %mul3A_256 = arith.muli %mul3A_255, %add3A_249 : vector<512xi32>
      %add3A_257 = arith.addi %add3A_253, %mul3A_256 : vector<512xi32>
      %add3A_258 = arith.constant 0 : i32
      %add3A_259 = vector.broadcast %add3A_258 : i32 to vector<512xi32>
      %add3A_260 = arith.addi %add3A_257, %add3A_259 : vector<512xi32>
      %swap3A_261 = arith.constant 6 : index
      %swap3A_262 = arith.index_cast %scan3A_62 : i32 to index
      %swap3A_263 = arith.constant 0 : index
      %swap3A_264 = vector.load %arg3[%swap3A_261, %swap3A_262, %swap3A_263] : memref<51x8x512xi32, #tpu.memory_space<vmem>>, vector<1x1x512xi32>
      %swap3A_265 = vector.shape_cast %swap3A_264 : vector<1x1x512xi32> to vector<512xi32>
      %swap3A_266 = vector.shape_cast %add3A_260 : vector<512xi32> to vector<1x1x512xi32>
      tpu.vector_store %arg3[%swap3A_261, %swap3A_262, %swap3A_263], %swap3A_266 {strides = array<i32>} : memref<51x8x512xi32, #tpu.memory_space<vmem>>, vector<1x1x512xi32>,
      %add3A_267 = arith.constant 1 : i32
      %add3A_268 = vector.broadcast %add3A_267 : i32 to vector<512xi32>
      %add3A_269 = arith.addi %shift_right_arithmetic3A_79, %add3A_268 : vector<512xi32>
      %add3A_270 = arith.constant 1 : i32
      %add3A_271 = vector.broadcast %add3A_270 : i32 to vector<512xi32>
      %add3A_272 = arith.addi %shift_right_arithmetic3A_82, %add3A_271 : vector<512xi32>
      %add3A_273 = arith.constant 1 : i32
      %add3A_274 = vector.broadcast %add3A_273 : i32 to vector<512xi32>
      %add3A_275 = arith.addi %shift_right_arithmetic3A_85, %add3A_274 : vector<512xi32>
      %mul3A_276 = arith.constant 18 : i32
      %mul3A_277 = vector.broadcast %mul3A_276 : i32 to vector<512xi32>
      %mul3A_278 = arith.muli %mul3A_277, %add3A_272 : vector<512xi32>
      %add3A_279 = arith.addi %add3A_269, %mul3A_278 : vector<512xi32>
      %mul3A_280 = arith.constant 324 : i32
      %mul3A_281 = vector.broadcast %mul3A_280 : i32 to vector<512xi32>
      %mul3A_282 = arith.muli %mul3A_281, %add3A_275 : vector<512xi32>
      %add3A_283 = arith.addi %add3A_279, %mul3A_282 : vector<512xi32>
      %add3A_284 = arith.constant 0 : i32
      %add3A_285 = vector.broadcast %add3A_284 : i32 to vector<512xi32>
      %add3A_286 = arith.addi %add3A_283, %add3A_285 : vector<512xi32>
      %swap3A_287 = arith.constant 7 : index
      %swap3A_288 = arith.index_cast %scan3A_62 : i32 to index
      %swap3A_289 = arith.constant 0 : index
      %swap3A_290 = vector.load %arg3[%swap3A_287, %swap3A_288, %swap3A_289] : memref<51x8x512xi32, #tpu.memory_space<vmem>>, vector<1x1x512xi32>
      %swap3A_291 = vector.shape_cast %swap3A_290 : vector<1x1x512xi32> to vector<512xi32>
      %swap3A_292 = vector.shape_cast %add3A_286 : vector<512xi32> to vector<1x1x512xi32>
      tpu.vector_store %arg3[%swap3A_287, %swap3A_288, %swap3A_289], %swap3A_292 {strides = array<i32>} : memref<51x8x512xi32, #tpu.memory_space<vmem>>, vector<1x1x512xi32>,
      %shift_right_arithmetic3A_293 = arith.constant 4 : i32
      %shift_right_arithmetic3A_294 = vector.broadcast %shift_right_arithmetic3A_293 : i32 to vector<512xi32>
      %shift_right_arithmetic3A_295 = arith.shrsi %add3A_72, %shift_right_arithmetic3A_294 : vector<512xi32>
      %shift_right_arithmetic3A_296 = arith.constant 4 : i32
      %shift_right_arithmetic3A_297 = vector.broadcast %shift_right_arithmetic3A_296 : i32 to vector<512xi32>
      %shift_right_arithmetic3A_298 = arith.shrsi %add3A_74, %shift_right_arithmetic3A_297 : vector<512xi32>
      %shift_right_arithmetic3A_299 = arith.constant 4 : i32
      %shift_right_arithmetic3A_300 = vector.broadcast %shift_right_arithmetic3A_299 : i32 to vector<512xi32>
      %shift_right_arithmetic3A_301 = arith.shrsi %add3A_76, %shift_right_arithmetic3A_300 : vector<512xi32>
      %add3A_302 = arith.constant 0 : i32
      %add3A_303 = vector.broadcast %add3A_302 : i32 to vector<512xi32>
      %add3A_304 = arith.addi %shift_right_arithmetic3A_295, %add3A_303 : vector<512xi32>
      %add3A_305 = arith.constant 0 : i32
      %add3A_306 = vector.broadcast %add3A_305 : i32 to vector<512xi32>
      %add3A_307 = arith.addi %shift_right_arithmetic3A_298, %add3A_306 : vector<512xi32>
      %add3A_308 = arith.constant 0 : i32
      %add3A_309 = vector.broadcast %add3A_308 : i32 to vector<512xi32>
      %add3A_310 = arith.addi %shift_right_arithmetic3A_301, %add3A_309 : vector<512xi32>
      %mul3A_311 = arith.constant 34 : i32
      %mul3A_312 = vector.broadcast %mul3A_311 : i32 to vector<512xi32>
      %mul3A_313 = arith.muli %mul3A_312, %add3A_307 : vector<512xi32>
      %add3A_314 = arith.addi %add3A_304, %mul3A_313 : vector<512xi32>
      %mul3A_315 = arith.constant 1156 : i32
      %mul3A_316 = vector.broadcast %mul3A_315 : i32 to vector<512xi32>
      %mul3A_317 = arith.muli %mul3A_316, %add3A_310 : vector<512xi32>
      %add3A_318 = arith.addi %add3A_314, %mul3A_317 : vector<512xi32>
      %add3A_319 = arith.constant 524288 : i32
      %add3A_320 = vector.broadcast %add3A_319 : i32 to vector<512xi32>
      %add3A_321 = arith.addi %add3A_318, %add3A_320 : vector<512xi32>
      %swap3A_322 = arith.constant 8 : index
      %swap3A_323 = arith.index_cast %scan3A_62 : i32 to index
      %swap3A_324 = arith.constant 0 : index
      %swap3A_325 = vector.load %arg3[%swap3A_322, %swap3A_323, %swap3A_324] : memref<51x8x512xi32, #tpu.memory_space<vmem>>, vector<1x1x512xi32>
      %swap3A_326 = vector.shape_cast %swap3A_325 : vector<1x1x512xi32> to vector<512xi32>
      %swap3A_327 = vector.shape_cast %add3A_321 : vector<512xi32> to vector<1x1x512xi32>
      tpu.vector_store %arg3[%swap3A_322, %swap3A_323, %swap3A_324], %swap3A_327 {strides = array<i32>} : memref<51x8x512xi32, #tpu.memory_space<vmem>>, vector<1x1x512xi32>,
      %add3A_328 = arith.constant 0 : i32
      %add3A_329 = vector.broadcast %add3A_328 : i32 to vector<512xi32>
      %add3A_330 = arith.addi %shift_right_arithmetic3A_295, %add3A_329 : vector<512xi32>
      %add3A_331 = arith.constant 0 : i32
      %add3A_332 = vector.broadcast %add3A_331 : i32 to vector<512xi32>
      %add3A_333 = arith.addi %shift_right_arithmetic3A_298, %add3A_332 : vector<512xi32>
      %add3A_334 = arith.constant 1 : i32
      %add3A_335 = vector.broadcast %add3A_334 : i32 to vector<512xi32>
      %add3A_336 = arith.addi %shift_right_arithmetic3A_301, %add3A_335 : vector<512xi32>
      %mul3A_337 = arith.constant 34 : i32
      %mul3A_338 = vector.broadcast %mul3A_337 : i32 to vector<512xi32>
      %mul3A_339 = arith.muli %mul3A_338, %add3A_333 : vector<512xi32>
      %add3A_340 = arith.addi %add3A_330, %mul3A_339 : vector<512xi32>
      %mul3A_341 = arith.constant 1156 : i32
      %mul3A_342 = vector.broadcast %mul3A_341 : i32 to vector<512xi32>
      %mul3A_343 = arith.muli %mul3A_342, %add3A_336 : vector<512xi32>
      %add3A_344 = arith.addi %add3A_340, %mul3A_343 : vector<512xi32>
      %add3A_345 = arith.constant 524288 : i32
      %add3A_346 = vector.broadcast %add3A_345 : i32 to vector<512xi32>
      %add3A_347 = arith.addi %add3A_344, %add3A_346 : vector<512xi32>
      %swap3A_348 = arith.constant 9 : index
      %swap3A_349 = arith.index_cast %scan3A_62 : i32 to index
      %swap3A_350 = arith.constant 0 : index
      %swap3A_351 = vector.load %arg3[%swap3A_348, %swap3A_349, %swap3A_350] : memref<51x8x512xi32, #tpu.memory_space<vmem>>, vector<1x1x512xi32>
      %swap3A_352 = vector.shape_cast %swap3A_351 : vector<1x1x512xi32> to vector<512xi32>
      %swap3A_353 = vector.shape_cast %add3A_347 : vector<512xi32> to vector<1x1x512xi32>
      tpu.vector_store %arg3[%swap3A_348, %swap3A_349, %swap3A_350], %swap3A_353 {strides = array<i32>} : memref<51x8x512xi32, #tpu.memory_space<vmem>>, vector<1x1x512xi32>,
      %add3A_354 = arith.constant 0 : i32
      %add3A_355 = vector.broadcast %add3A_354 : i32 to vector<512xi32>
      %add3A_356 = arith.addi %shift_right_arithmetic3A_295, %add3A_355 : vector<512xi32>
      %add3A_357 = arith.constant 1 : i32
      %add3A_358 = vector.broadcast %add3A_357 : i32 to vector<512xi32>
      %add3A_359 = arith.addi %shift_right_arithmetic3A_298, %add3A_358 : vector<512xi32>
      %add3A_360 = arith.constant 0 : i32
      %add3A_361 = vector.broadcast %add3A_360 : i32 to vector<512xi32>
      %add3A_362 = arith.addi %shift_right_arithmetic3A_301, %add3A_361 : vector<512xi32>
      %mul3A_363 = arith.constant 34 : i32
      %mul3A_364 = vector.broadcast %mul3A_363 : i32 to vector<512xi32>
      %mul3A_365 = arith.muli %mul3A_364, %add3A_359 : vector<512xi32>
      %add3A_366 = arith.addi %add3A_356, %mul3A_365 : vector<512xi32>
      %mul3A_367 = arith.constant 1156 : i32
      %mul3A_368 = vector.broadcast %mul3A_367 : i32 to vector<512xi32>
      %mul3A_369 = arith.muli %mul3A_368, %add3A_362 : vector<512xi32>
      %add3A_370 = arith.addi %add3A_366, %mul3A_369 : vector<512xi32>
      %add3A_371 = arith.constant 524288 : i32
      %add3A_372 = vector.broadcast %add3A_371 : i32 to vector<512xi32>
      %add3A_373 = arith.addi %add3A_370, %add3A_372 : vector<512xi32>
      %swap3A_374 = arith.constant 10 : index
      %swap3A_375 = arith.index_cast %scan3A_62 : i32 to index
      %swap3A_376 = arith.constant 0 : index
      %swap3A_377 = vector.load %arg3[%swap3A_374, %swap3A_375, %swap3A_376] : memref<51x8x512xi32, #tpu.memory_space<vmem>>, vector<1x1x512xi32>
      %swap3A_378 = vector.shape_cast %swap3A_377 : vector<1x1x512xi32> to vector<512xi32>
      %swap3A_379 = vector.shape_cast %add3A_373 : vector<512xi32> to vector<1x1x512xi32>
      tpu.vector_store %arg3[%swap3A_374, %swap3A_375, %swap3A_376], %swap3A_379 {strides = array<i32>} : memref<51x8x512xi32, #tpu.memory_space<vmem>>, vector<1x1x512xi32>,
      %add3A_380 = arith.constant 0 : i32
      %add3A_381 = vector.broadcast %add3A_380 : i32 to vector<512xi32>
      %add3A_382 = arith.addi %shift_right_arithmetic3A_295, %add3A_381 : vector<512xi32>
      %add3A_383 = arith.constant 1 : i32
      %add3A_384 = vector.broadcast %add3A_383 : i32 to vector<512xi32>
      %add3A_385 = arith.addi %shift_right_arithmetic3A_298, %add3A_384 : vector<512xi32>
      %add3A_386 = arith.constant 1 : i32
      %add3A_387 = vector.broadcast %add3A_386 : i32 to vector<512xi32>
      %add3A_388 = arith.addi %shift_right_arithmetic3A_301, %add3A_387 : vector<512xi32>
      %mul3A_389 = arith.constant 34 : i32
      %mul3A_390 = vector.broadcast %mul3A_389 : i32 to vector<512xi32>
      %mul3A_391 = arith.muli %mul3A_390, %add3A_385 : vector<512xi32>
      %add3A_392 = arith.addi %add3A_382, %mul3A_391 : vector<512xi32>
      %mul3A_393 = arith.constant 1156 : i32
      %mul3A_394 = vector.broadcast %mul3A_393 : i32 to vector<512xi32>
      %mul3A_395 = arith.muli %mul3A_394, %add3A_388 : vector<512xi32>
      %add3A_396 = arith.addi %add3A_392, %mul3A_395 : vector<512xi32>
      %add3A_397 = arith.constant 524288 : i32
      %add3A_398 = vector.broadcast %add3A_397 : i32 to vector<512xi32>
      %add3A_399 = arith.addi %add3A_396, %add3A_398 : vector<512xi32>
      %swap3A_400 = arith.constant 11 : index
      %swap3A_401 = arith.index_cast %scan3A_62 : i32 to index
      %swap3A_402 = arith.constant 0 : index
      %swap3A_403 = vector.load %arg3[%swap3A_400, %swap3A_401, %swap3A_402] : memref<51x8x512xi32, #tpu.memory_space<vmem>>, vector<1x1x512xi32>
      %swap3A_404 = vector.shape_cast %swap3A_403 : vector<1x1x512xi32> to vector<512xi32>
      %swap3A_405 = vector.shape_cast %add3A_399 : vector<512xi32> to vector<1x1x512xi32>
      tpu.vector_store %arg3[%swap3A_400, %swap3A_401, %swap3A_402], %swap3A_405 {strides = array<i32>} : memref<51x8x512xi32, #tpu.memory_space<vmem>>, vector<1x1x512xi32>,
      %add3A_406 = arith.constant 1 : i32
      %add3A_407 = vector.broadcast %add3A_406 : i32 to vector<512xi32>
      %add3A_408 = arith.addi %shift_right_arithmetic3A_295, %add3A_407 : vector<512xi32>
      %add3A_409 = arith.constant 0 : i32
      %add3A_410 = vector.broadcast %add3A_409 : i32 to vector<512xi32>
      %add3A_411 = arith.addi %shift_right_arithmetic3A_298, %add3A_410 : vector<512xi32>
      %add3A_412 = arith.constant 0 : i32
      %add3A_413 = vector.broadcast %add3A_412 : i32 to vector<512xi32>
      %add3A_414 = arith.addi %shift_right_arithmetic3A_301, %add3A_413 : vector<512xi32>
      %mul3A_415 = arith.constant 34 : i32
      %mul3A_416 = vector.broadcast %mul3A_415 : i32 to vector<512xi32>
      %mul3A_417 = arith.muli %mul3A_416, %add3A_411 : vector<512xi32>
      %add3A_418 = arith.addi %add3A_408, %mul3A_417 : vector<512xi32>
      %mul3A_419 = arith.constant 1156 : i32
      %mul3A_420 = vector.broadcast %mul3A_419 : i32 to vector<512xi32>
      %mul3A_421 = arith.muli %mul3A_420, %add3A_414 : vector<512xi32>
      %add3A_422 = arith.addi %add3A_418, %mul3A_421 : vector<512xi32>
      %add3A_423 = arith.constant 524288 : i32
      %add3A_424 = vector.broadcast %add3A_423 : i32 to vector<512xi32>
      %add3A_425 = arith.addi %add3A_422, %add3A_424 : vector<512xi32>
      %swap3A_426 = arith.constant 12 : index
      %swap3A_427 = arith.index_cast %scan3A_62 : i32 to index
      %swap3A_428 = arith.constant 0 : index
      %swap3A_429 = vector.load %arg3[%swap3A_426, %swap3A_427, %swap3A_428] : memref<51x8x512xi32, #tpu.memory_space<vmem>>, vector<1x1x512xi32>
      %swap3A_430 = vector.shape_cast %swap3A_429 : vector<1x1x512xi32> to vector<512xi32>
      %swap3A_431 = vector.shape_cast %add3A_425 : vector<512xi32> to vector<1x1x512xi32>
      tpu.vector_store %arg3[%swap3A_426, %swap3A_427, %swap3A_428], %swap3A_431 {strides = array<i32>} : memref<51x8x512xi32, #tpu.memory_space<vmem>>, vector<1x1x512xi32>,
      %add3A_432 = arith.constant 1 : i32
      %add3A_433 = vector.broadcast %add3A_432 : i32 to vector<512xi32>
      %add3A_434 = arith.addi %shift_right_arithmetic3A_295, %add3A_433 : vector<512xi32>
      %add3A_435 = arith.constant 0 : i32
      %add3A_436 = vector.broadcast %add3A_435 : i32 to vector<512xi32>
      %add3A_437 = arith.addi %shift_right_arithmetic3A_298, %add3A_436 : vector<512xi32>
      %add3A_438 = arith.constant 1 : i32
      %add3A_439 = vector.broadcast %add3A_438 : i32 to vector<512xi32>
      %add3A_440 = arith.addi %shift_right_arithmetic3A_301, %add3A_439 : vector<512xi32>
      %mul3A_441 = arith.constant 34 : i32
      %mul3A_442 = vector.broadcast %mul3A_441 : i32 to vector<512xi32>
      %mul3A_443 = arith.muli %mul3A_442, %add3A_437 : vector<512xi32>
      %add3A_444 = arith.addi %add3A_434, %mul3A_443 : vector<512xi32>
      %mul3A_445 = arith.constant 1156 : i32
      %mul3A_446 = vector.broadcast %mul3A_445 : i32 to vector<512xi32>
      %mul3A_447 = arith.muli %mul3A_446, %add3A_440 : vector<512xi32>
      %add3A_448 = arith.addi %add3A_444, %mul3A_447 : vector<512xi32>
      %add3A_449 = arith.constant 524288 : i32
      %add3A_450 = vector.broadcast %add3A_449 : i32 to vector<512xi32>
      %add3A_451 = arith.addi %add3A_448, %add3A_450 : vector<512xi32>
      %swap3A_452 = arith.constant 13 : index
      %swap3A_453 = arith.index_cast %scan3A_62 : i32 to index
      %swap3A_454 = arith.constant 0 : index
      %swap3A_455 = vector.load %arg3[%swap3A_452, %swap3A_453, %swap3A_454] : memref<51x8x512xi32, #tpu.memory_space<vmem>>, vector<1x1x512xi32>
      %swap3A_456 = vector.shape_cast %swap3A_455 : vector<1x1x512xi32> to vector<512xi32>
      %swap3A_457 = vector.shape_cast %add3A_451 : vector<512xi32> to vector<1x1x512xi32>
      tpu.vector_store %arg3[%swap3A_452, %swap3A_453, %swap3A_454], %swap3A_457 {strides = array<i32>} : memref<51x8x512xi32, #tpu.memory_space<vmem>>, vector<1x1x512xi32>,
      %add3A_458 = arith.constant 1 : i32
      %add3A_459 = vector.broadcast %add3A_458 : i32 to vector<512xi32>
      %add3A_460 = arith.addi %shift_right_arithmetic3A_295, %add3A_459 : vector<512xi32>
      %add3A_461 = arith.constant 1 : i32
      %add3A_462 = vector.broadcast %add3A_461 : i32 to vector<512xi32>
      %add3A_463 = arith.addi %shift_right_arithmetic3A_298, %add3A_462 : vector<512xi32>
      %add3A_464 = arith.constant 0 : i32
      %add3A_465 = vector.broadcast %add3A_464 : i32 to vector<512xi32>
      %add3A_466 = arith.addi %shift_right_arithmetic3A_301, %add3A_465 : vector<512xi32>
      %mul3A_467 = arith.constant 34 : i32
      %mul3A_468 = vector.broadcast %mul3A_467 : i32 to vector<512xi32>
      %mul3A_469 = arith.muli %mul3A_468, %add3A_463 : vector<512xi32>
      %add3A_470 = arith.addi %add3A_460, %mul3A_469 : vector<512xi32>
      %mul3A_471 = arith.constant 1156 : i32
      %mul3A_472 = vector.broadcast %mul3A_471 : i32 to vector<512xi32>
      %mul3A_473 = arith.muli %mul3A_472, %add3A_466 : vector<512xi32>
      %add3A_474 = arith.addi %add3A_470, %mul3A_473 : vector<512xi32>
      %add3A_475 = arith.constant 524288 : i32
      %add3A_476 = vector.broadcast %add3A_475 : i32 to vector<512xi32>
      %add3A_477 = arith.addi %add3A_474, %add3A_476 : vector<512xi32>
      %swap3A_478 = arith.constant 14 : index
      %swap3A_479 = arith.index_cast %scan3A_62 : i32 to index
      %swap3A_480 = arith.constant 0 : index
      %swap3A_481 = vector.load %arg3[%swap3A_478, %swap3A_479, %swap3A_480] : memref<51x8x512xi32, #tpu.memory_space<vmem>>, vector<1x1x512xi32>
      %swap3A_482 = vector.shape_cast %swap3A_481 : vector<1x1x512xi32> to vector<512xi32>
      %swap3A_483 = vector.shape_cast %add3A_477 : vector<512xi32> to vector<1x1x512xi32>
      tpu.vector_store %arg3[%swap3A_478, %swap3A_479, %swap3A_480], %swap3A_483 {strides = array<i32>} : memref<51x8x512xi32, #tpu.memory_space<vmem>>, vector<1x1x512xi32>,
      %add3A_484 = arith.constant 1 : i32
      %add3A_485 = vector.broadcast %add3A_484 : i32 to vector<512xi32>
      %add3A_486 = arith.addi %shift_right_arithmetic3A_295, %add3A_485 : vector<512xi32>
      %add3A_487 = arith.constant 1 : i32
      %add3A_488 = vector.broadcast %add3A_487 : i32 to vector<512xi32>
      %add3A_489 = arith.addi %shift_right_arithmetic3A_298, %add3A_488 : vector<512xi32>
      %add3A_490 = arith.constant 1 : i32
      %add3A_491 = vector.broadcast %add3A_490 : i32 to vector<512xi32>
      %add3A_492 = arith.addi %shift_right_arithmetic3A_301, %add3A_491 : vector<512xi32>
      %mul3A_493 = arith.constant 34 : i32
      %mul3A_494 = vector.broadcast %mul3A_493 : i32 to vector<512xi32>
      %mul3A_495 = arith.muli %mul3A_494, %add3A_489 : vector<512xi32>
      %add3A_496 = arith.addi %add3A_486, %mul3A_495 : vector<512xi32>
      %mul3A_497 = arith.constant 1156 : i32
      %mul3A_498 = vector.broadcast %mul3A_497 : i32 to vector<512xi32>
      %mul3A_499 = arith.muli %mul3A_498, %add3A_492 : vector<512xi32>
      %add3A_500 = arith.addi %add3A_496, %mul3A_499 : vector<512xi32>
      %add3A_501 = arith.constant 524288 : i32
      %add3A_502 = vector.broadcast %add3A_501 : i32 to vector<512xi32>
      %add3A_503 = arith.addi %add3A_500, %add3A_502 : vector<512xi32>
      %swap3A_504 = arith.constant 15 : index
      %swap3A_505 = arith.index_cast %scan3A_62 : i32 to index
      %swap3A_506 = arith.constant 0 : index
      %swap3A_507 = vector.load %arg3[%swap3A_504, %swap3A_505, %swap3A_506] : memref<51x8x512xi32, #tpu.memory_space<vmem>>, vector<1x1x512xi32>
      %swap3A_508 = vector.shape_cast %swap3A_507 : vector<1x1x512xi32> to vector<512xi32>
      %swap3A_509 = vector.shape_cast %add3A_503 : vector<512xi32> to vector<1x1x512xi32>
      tpu.vector_store %arg3[%swap3A_504, %swap3A_505, %swap3A_506], %swap3A_509 {strides = array<i32>} : memref<51x8x512xi32, #tpu.memory_space<vmem>>, vector<1x1x512xi32>,
      %shift_right_arithmetic3A_510 = arith.constant 3 : i32
      %shift_right_arithmetic3A_511 = vector.broadcast %shift_right_arithmetic3A_510 : i32 to vector<512xi32>
      %shift_right_arithmetic3A_512 = arith.shrsi %add3A_72, %shift_right_arithmetic3A_511 : vector<512xi32>
      %shift_right_arithmetic3A_513 = arith.constant 3 : i32
      %shift_right_arithmetic3A_514 = vector.broadcast %shift_right_arithmetic3A_513 : i32 to vector<512xi32>
      %shift_right_arithmetic3A_515 = arith.shrsi %add3A_74, %shift_right_arithmetic3A_514 : vector<512xi32>
      %shift_right_arithmetic3A_516 = arith.constant 3 : i32
      %shift_right_arithmetic3A_517 = vector.broadcast %shift_right_arithmetic3A_516 : i32 to vector<512xi32>
      %shift_right_arithmetic3A_518 = arith.shrsi %add3A_76, %shift_right_arithmetic3A_517 : vector<512xi32>
      %add3A_519 = arith.constant 0 : i32
      %add3A_520 = vector.broadcast %add3A_519 : i32 to vector<512xi32>
      %add3A_521 = arith.addi %shift_right_arithmetic3A_512, %add3A_520 : vector<512xi32>
      %add3A_522 = arith.constant 0 : i32
      %add3A_523 = vector.broadcast %add3A_522 : i32 to vector<512xi32>
      %add3A_524 = arith.addi %shift_right_arithmetic3A_515, %add3A_523 : vector<512xi32>
      %add3A_525 = arith.constant 0 : i32
      %add3A_526 = vector.broadcast %add3A_525 : i32 to vector<512xi32>
      %add3A_527 = arith.addi %shift_right_arithmetic3A_518, %add3A_526 : vector<512xi32>
      %mul3A_528 = arith.constant 66 : i32
      %mul3A_529 = vector.broadcast %mul3A_528 : i32 to vector<512xi32>
      %mul3A_530 = arith.muli %mul3A_529, %add3A_524 : vector<512xi32>
      %add3A_531 = arith.addi %add3A_521, %mul3A_530 : vector<512xi32>
      %mul3A_532 = arith.constant 4356 : i32
      %mul3A_533 = vector.broadcast %mul3A_532 : i32 to vector<512xi32>
      %mul3A_534 = arith.muli %mul3A_533, %add3A_527 : vector<512xi32>
      %add3A_535 = arith.addi %add3A_531, %mul3A_534 : vector<512xi32>
      %add3A_536 = arith.constant 1048576 : i32
      %add3A_537 = vector.broadcast %add3A_536 : i32 to vector<512xi32>
      %add3A_538 = arith.addi %add3A_535, %add3A_537 : vector<512xi32>
      %swap3A_539 = arith.constant 16 : index
      %swap3A_540 = arith.index_cast %scan3A_62 : i32 to index
      %swap3A_541 = arith.constant 0 : index
      %swap3A_542 = vector.load %arg3[%swap3A_539, %swap3A_540, %swap3A_541] : memref<51x8x512xi32, #tpu.memory_space<vmem>>, vector<1x1x512xi32>
      %swap3A_543 = vector.shape_cast %swap3A_542 : vector<1x1x512xi32> to vector<512xi32>
      %swap3A_544 = vector.shape_cast %add3A_538 : vector<512xi32> to vector<1x1x512xi32>
      tpu.vector_store %arg3[%swap3A_539, %swap3A_540, %swap3A_541], %swap3A_544 {strides = array<i32>} : memref<51x8x512xi32, #tpu.memory_space<vmem>>, vector<1x1x512xi32>,
      %add3A_545 = arith.constant 0 : i32
      %add3A_546 = vector.broadcast %add3A_545 : i32 to vector<512xi32>
      %add3A_547 = arith.addi %shift_right_arithmetic3A_512, %add3A_546 : vector<512xi32>
      %add3A_548 = arith.constant 0 : i32
      %add3A_549 = vector.broadcast %add3A_548 : i32 to vector<512xi32>
      %add3A_550 = arith.addi %shift_right_arithmetic3A_515, %add3A_549 : vector<512xi32>
      %add3A_551 = arith.constant 1 : i32
      %add3A_552 = vector.broadcast %add3A_551 : i32 to vector<512xi32>
      %add3A_553 = arith.addi %shift_right_arithmetic3A_518, %add3A_552 : vector<512xi32>
      %mul3A_554 = arith.constant 66 : i32
      %mul3A_555 = vector.broadcast %mul3A_554 : i32 to vector<512xi32>
      %mul3A_556 = arith.muli %mul3A_555, %add3A_550 : vector<512xi32>
      %add3A_557 = arith.addi %add3A_547, %mul3A_556 : vector<512xi32>
      %mul3A_558 = arith.constant 4356 : i32
      %mul3A_559 = vector.broadcast %mul3A_558 : i32 to vector<512xi32>
      %mul3A_560 = arith.muli %mul3A_559, %add3A_553 : vector<512xi32>
      %add3A_561 = arith.addi %add3A_557, %mul3A_560 : vector<512xi32>
      %add3A_562 = arith.constant 1048576 : i32
      %add3A_563 = vector.broadcast %add3A_562 : i32 to vector<512xi32>
      %add3A_564 = arith.addi %add3A_561, %add3A_563 : vector<512xi32>
      %swap3A_565 = arith.constant 17 : index
      %swap3A_566 = arith.index_cast %scan3A_62 : i32 to index
      %swap3A_567 = arith.constant 0 : index
      %swap3A_568 = vector.load %arg3[%swap3A_565, %swap3A_566, %swap3A_567] : memref<51x8x512xi32, #tpu.memory_space<vmem>>, vector<1x1x512xi32>
      %swap3A_569 = vector.shape_cast %swap3A_568 : vector<1x1x512xi32> to vector<512xi32>
      %swap3A_570 = vector.shape_cast %add3A_564 : vector<512xi32> to vector<1x1x512xi32>
      tpu.vector_store %arg3[%swap3A_565, %swap3A_566, %swap3A_567], %swap3A_570 {strides = array<i32>} : memref<51x8x512xi32, #tpu.memory_space<vmem>>, vector<1x1x512xi32>,
      %add3A_571 = arith.constant 0 : i32
      %add3A_572 = vector.broadcast %add3A_571 : i32 to vector<512xi32>
      %add3A_573 = arith.addi %shift_right_arithmetic3A_512, %add3A_572 : vector<512xi32>
      %add3A_574 = arith.constant 1 : i32
      %add3A_575 = vector.broadcast %add3A_574 : i32 to vector<512xi32>
      %add3A_576 = arith.addi %shift_right_arithmetic3A_515, %add3A_575 : vector<512xi32>
      %add3A_577 = arith.constant 0 : i32
      %add3A_578 = vector.broadcast %add3A_577 : i32 to vector<512xi32>
      %add3A_579 = arith.addi %shift_right_arithmetic3A_518, %add3A_578 : vector<512xi32>
      %mul3A_580 = arith.constant 66 : i32
      %mul3A_581 = vector.broadcast %mul3A_580 : i32 to vector<512xi32>
      %mul3A_582 = arith.muli %mul3A_581, %add3A_576 : vector<512xi32>
      %add3A_583 = arith.addi %add3A_573, %mul3A_582 : vector<512xi32>
      %mul3A_584 = arith.constant 4356 : i32
      %mul3A_585 = vector.broadcast %mul3A_584 : i32 to vector<512xi32>
      %mul3A_586 = arith.muli %mul3A_585, %add3A_579 : vector<512xi32>
      %add3A_587 = arith.addi %add3A_583, %mul3A_586 : vector<512xi32>
      %add3A_588 = arith.constant 1048576 : i32
      %add3A_589 = vector.broadcast %add3A_588 : i32 to vector<512xi32>
      %add3A_590 = arith.addi %add3A_587, %add3A_589 : vector<512xi32>
      %swap3A_591 = arith.constant 18 : index
      %swap3A_592 = arith.index_cast %scan3A_62 : i32 to index
      %swap3A_593 = arith.constant 0 : index
      %swap3A_594 = vector.load %arg3[%swap3A_591, %swap3A_592, %swap3A_593] : memref<51x8x512xi32, #tpu.memory_space<vmem>>, vector<1x1x512xi32>
      %swap3A_595 = vector.shape_cast %swap3A_594 : vector<1x1x512xi32> to vector<512xi32>
      %swap3A_596 = vector.shape_cast %add3A_590 : vector<512xi32> to vector<1x1x512xi32>
      tpu.vector_store %arg3[%swap3A_591, %swap3A_592, %swap3A_593], %swap3A_596 {strides = array<i32>} : memref<51x8x512xi32, #tpu.memory_space<vmem>>, vector<1x1x512xi32>,
      %add3A_597 = arith.constant 0 : i32
      %add3A_598 = vector.broadcast %add3A_597 : i32 to vector<512xi32>
      %add3A_599 = arith.addi %shift_right_arithmetic3A_512, %add3A_598 : vector<512xi32>
      %add3A_600 = arith.constant 1 : i32
      %add3A_601 = vector.broadcast %add3A_600 : i32 to vector<512xi32>
      %add3A_602 = arith.addi %shift_right_arithmetic3A_515, %add3A_601 : vector<512xi32>
      %add3A_603 = arith.constant 1 : i32
      %add3A_604 = vector.broadcast %add3A_603 : i32 to vector<512xi32>
      %add3A_605 = arith.addi %shift_right_arithmetic3A_518, %add3A_604 : vector<512xi32>
      %mul3A_606 = arith.constant 66 : i32
      %mul3A_607 = vector.broadcast %mul3A_606 : i32 to vector<512xi32>
      %mul3A_608 = arith.muli %mul3A_607, %add3A_602 : vector<512xi32>
      %add3A_609 = arith.addi %add3A_599, %mul3A_608 : vector<512xi32>
      %mul3A_610 = arith.constant 4356 : i32
      %mul3A_611 = vector.broadcast %mul3A_610 : i32 to vector<512xi32>
      %mul3A_612 = arith.muli %mul3A_611, %add3A_605 : vector<512xi32>
      %add3A_613 = arith.addi %add3A_609, %mul3A_612 : vector<512xi32>
      %add3A_614 = arith.constant 1048576 : i32
      %add3A_615 = vector.broadcast %add3A_614 : i32 to vector<512xi32>
      %add3A_616 = arith.addi %add3A_613, %add3A_615 : vector<512xi32>
      %swap3A_617 = arith.constant 19 : index
      %swap3A_618 = arith.index_cast %scan3A_62 : i32 to index
      %swap3A_619 = arith.constant 0 : index
      %swap3A_620 = vector.load %arg3[%swap3A_617, %swap3A_618, %swap3A_619] : memref<51x8x512xi32, #tpu.memory_space<vmem>>, vector<1x1x512xi32>
      %swap3A_621 = vector.shape_cast %swap3A_620 : vector<1x1x512xi32> to vector<512xi32>
      %swap3A_622 = vector.shape_cast %add3A_616 : vector<512xi32> to vector<1x1x512xi32>
      tpu.vector_store %arg3[%swap3A_617, %swap3A_618, %swap3A_619], %swap3A_622 {strides = array<i32>} : memref<51x8x512xi32, #tpu.memory_space<vmem>>, vector<1x1x512xi32>,
      %add3A_623 = arith.constant 1 : i32
      %add3A_624 = vector.broadcast %add3A_623 : i32 to vector<512xi32>
      %add3A_625 = arith.addi %shift_right_arithmetic3A_512, %add3A_624 : vector<512xi32>
      %add3A_626 = arith.constant 0 : i32
      %add3A_627 = vector.broadcast %add3A_626 : i32 to vector<512xi32>
      %add3A_628 = arith.addi %shift_right_arithmetic3A_515, %add3A_627 : vector<512xi32>
      %add3A_629 = arith.constant 0 : i32
      %add3A_630 = vector.broadcast %add3A_629 : i32 to vector<512xi32>
      %add3A_631 = arith.addi %shift_right_arithmetic3A_518, %add3A_630 : vector<512xi32>
      %mul3A_632 = arith.constant 66 : i32
      %mul3A_633 = vector.broadcast %mul3A_632 : i32 to vector<512xi32>
      %mul3A_634 = arith.muli %mul3A_633, %add3A_628 : vector<512xi32>
      %add3A_635 = arith.addi %add3A_625, %mul3A_634 : vector<512xi32>
      %mul3A_636 = arith.constant 4356 : i32
      %mul3A_637 = vector.broadcast %mul3A_636 : i32 to vector<512xi32>
      %mul3A_638 = arith.muli %mul3A_637, %add3A_631 : vector<512xi32>
      %add3A_639 = arith.addi %add3A_635, %mul3A_638 : vector<512xi32>
      %add3A_640 = arith.constant 1048576 : i32
      %add3A_641 = vector.broadcast %add3A_640 : i32 to vector<512xi32>
      %add3A_642 = arith.addi %add3A_639, %add3A_641 : vector<512xi32>
      %swap3A_643 = arith.constant 20 : index
      %swap3A_644 = arith.index_cast %scan3A_62 : i32 to index
      %swap3A_645 = arith.constant 0 : index
      %swap3A_646 = vector.load %arg3[%swap3A_643, %swap3A_644, %swap3A_645] : memref<51x8x512xi32, #tpu.memory_space<vmem>>, vector<1x1x512xi32>
      %swap3A_647 = vector.shape_cast %swap3A_646 : vector<1x1x512xi32> to vector<512xi32>
      %swap3A_648 = vector.shape_cast %add3A_642 : vector<512xi32> to vector<1x1x512xi32>
      tpu.vector_store %arg3[%swap3A_643, %swap3A_644, %swap3A_645], %swap3A_648 {strides = array<i32>} : memref<51x8x512xi32, #tpu.memory_space<vmem>>, vector<1x1x512xi32>,
      %add3A_649 = arith.constant 1 : i32
      %add3A_650 = vector.broadcast %add3A_649 : i32 to vector<512xi32>
      %add3A_651 = arith.addi %shift_right_arithmetic3A_512, %add3A_650 : vector<512xi32>
      %add3A_652 = arith.constant 0 : i32
      %add3A_653 = vector.broadcast %add3A_652 : i32 to vector<512xi32>
      %add3A_654 = arith.addi %shift_right_arithmetic3A_515, %add3A_653 : vector<512xi32>
      %add3A_655 = arith.constant 1 : i32
      %add3A_656 = vector.broadcast %add3A_655 : i32 to vector<512xi32>
      %add3A_657 = arith.addi %shift_right_arithmetic3A_518, %add3A_656 : vector<512xi32>
      %mul3A_658 = arith.constant 66 : i32
      %mul3A_659 = vector.broadcast %mul3A_658 : i32 to vector<512xi32>
      %mul3A_660 = arith.muli %mul3A_659, %add3A_654 : vector<512xi32>
      %add3A_661 = arith.addi %add3A_651, %mul3A_660 : vector<512xi32>
      %mul3A_662 = arith.constant 4356 : i32
      %mul3A_663 = vector.broadcast %mul3A_662 : i32 to vector<512xi32>
      %mul3A_664 = arith.muli %mul3A_663, %add3A_657 : vector<512xi32>
      %add3A_665 = arith.addi %add3A_661, %mul3A_664 : vector<512xi32>
      %add3A_666 = arith.constant 1048576 : i32
      %add3A_667 = vector.broadcast %add3A_666 : i32 to vector<512xi32>
      %add3A_668 = arith.addi %add3A_665, %add3A_667 : vector<512xi32>
      %swap3A_669 = arith.constant 21 : index
      %swap3A_670 = arith.index_cast %scan3A_62 : i32 to index
      %swap3A_671 = arith.constant 0 : index
      %swap3A_672 = vector.load %arg3[%swap3A_669, %swap3A_670, %swap3A_671] : memref<51x8x512xi32, #tpu.memory_space<vmem>>, vector<1x1x512xi32>
      %swap3A_673 = vector.shape_cast %swap3A_672 : vector<1x1x512xi32> to vector<512xi32>
      %swap3A_674 = vector.shape_cast %add3A_668 : vector<512xi32> to vector<1x1x512xi32>
      tpu.vector_store %arg3[%swap3A_669, %swap3A_670, %swap3A_671], %swap3A_674 {strides = array<i32>} : memref<51x8x512xi32, #tpu.memory_space<vmem>>, vector<1x1x512xi32>,
      %add3A_675 = arith.constant 1 : i32
      %add3A_676 = vector.broadcast %add3A_675 : i32 to vector<512xi32>
      %add3A_677 = arith.addi %shift_right_arithmetic3A_512, %add3A_676 : vector<512xi32>
      %add3A_678 = arith.constant 1 : i32
      %add3A_679 = vector.broadcast %add3A_678 : i32 to vector<512xi32>
      %add3A_680 = arith.addi %shift_right_arithmetic3A_515, %add3A_679 : vector<512xi32>
      %add3A_681 = arith.constant 0 : i32
      %add3A_682 = vector.broadcast %add3A_681 : i32 to vector<512xi32>
      %add3A_683 = arith.addi %shift_right_arithmetic3A_518, %add3A_682 : vector<512xi32>
      %mul3A_684 = arith.constant 66 : i32
      %mul3A_685 = vector.broadcast %mul3A_684 : i32 to vector<512xi32>
      %mul3A_686 = arith.muli %mul3A_685, %add3A_680 : vector<512xi32>
      %add3A_687 = arith.addi %add3A_677, %mul3A_686 : vector<512xi32>
      %mul3A_688 = arith.constant 4356 : i32
      %mul3A_689 = vector.broadcast %mul3A_688 : i32 to vector<512xi32>
      %mul3A_690 = arith.muli %mul3A_689, %add3A_683 : vector<512xi32>
      %add3A_691 = arith.addi %add3A_687, %mul3A_690 : vector<512xi32>
      %add3A_692 = arith.constant 1048576 : i32
      %add3A_693 = vector.broadcast %add3A_692 : i32 to vector<512xi32>
      %add3A_694 = arith.addi %add3A_691, %add3A_693 : vector<512xi32>
      %swap3A_695 = arith.constant 22 : index
      %swap3A_696 = arith.index_cast %scan3A_62 : i32 to index
      %swap3A_697 = arith.constant 0 : index
      %swap3A_698 = vector.load %arg3[%swap3A_695, %swap3A_696, %swap3A_697] : memref<51x8x512xi32, #tpu.memory_space<vmem>>, vector<1x1x512xi32>
      %swap3A_699 = vector.shape_cast %swap3A_698 : vector<1x1x512xi32> to vector<512xi32>
      %swap3A_700 = vector.shape_cast %add3A_694 : vector<512xi32> to vector<1x1x512xi32>
      tpu.vector_store %arg3[%swap3A_695, %swap3A_696, %swap3A_697], %swap3A_700 {strides = array<i32>} : memref<51x8x512xi32, #tpu.memory_space<vmem>>, vector<1x1x512xi32>,
      %add3A_701 = arith.constant 1 : i32
      %add3A_702 = vector.broadcast %add3A_701 : i32 to vector<512xi32>
      %add3A_703 = arith.addi %shift_right_arithmetic3A_512, %add3A_702 : vector<512xi32>
      %add3A_704 = arith.constant 1 : i32
      %add3A_705 = vector.broadcast %add3A_704 : i32 to vector<512xi32>
      %add3A_706 = arith.addi %shift_right_arithmetic3A_515, %add3A_705 : vector<512xi32>
      %add3A_707 = arith.constant 1 : i32
      %add3A_708 = vector.broadcast %add3A_707 : i32 to vector<512xi32>
      %add3A_709 = arith.addi %shift_right_arithmetic3A_518, %add3A_708 : vector<512xi32>
      %mul3A_710 = arith.constant 66 : i32
      %mul3A_711 = vector.broadcast %mul3A_710 : i32 to vector<512xi32>
      %mul3A_712 = arith.muli %mul3A_711, %add3A_706 : vector<512xi32>
      %add3A_713 = arith.addi %add3A_703, %mul3A_712 : vector<512xi32>
      %mul3A_714 = arith.constant 4356 : i32
      %mul3A_715 = vector.broadcast %mul3A_714 : i32 to vector<512xi32>
      %mul3A_716 = arith.muli %mul3A_715, %add3A_709 : vector<512xi32>
      %add3A_717 = arith.addi %add3A_713, %mul3A_716 : vector<512xi32>
      %add3A_718 = arith.constant 1048576 : i32
      %add3A_719 = vector.broadcast %add3A_718 : i32 to vector<512xi32>
      %add3A_720 = arith.addi %add3A_717, %add3A_719 : vector<512xi32>
      %swap3A_721 = arith.constant 23 : index
      %swap3A_722 = arith.index_cast %scan3A_62 : i32 to index
      %swap3A_723 = arith.constant 0 : index
      %swap3A_724 = vector.load %arg3[%swap3A_721, %swap3A_722, %swap3A_723] : memref<51x8x512xi32, #tpu.memory_space<vmem>>, vector<1x1x512xi32>
      %swap3A_725 = vector.shape_cast %swap3A_724 : vector<1x1x512xi32> to vector<512xi32>
      %swap3A_726 = vector.shape_cast %add3A_720 : vector<512xi32> to vector<1x1x512xi32>
      tpu.vector_store %arg3[%swap3A_721, %swap3A_722, %swap3A_723], %swap3A_726 {strides = array<i32>} : memref<51x8x512xi32, #tpu.memory_space<vmem>>, vector<1x1x512xi32>,
      %shift_right_arithmetic3A_727 = arith.constant 2 : i32
      %shift_right_arithmetic3A_728 = vector.broadcast %shift_right_arithmetic3A_727 : i32 to vector<512xi32>
      %shift_right_arithmetic3A_729 = arith.shrsi %add3A_72, %shift_right_arithmetic3A_728 : vector<512xi32>
      %shift_right_arithmetic3A_730 = arith.constant 2 : i32
      %shift_right_arithmetic3A_731 = vector.broadcast %shift_right_arithmetic3A_730 : i32 to vector<512xi32>
      %shift_right_arithmetic3A_732 = arith.shrsi %add3A_74, %shift_right_arithmetic3A_731 : vector<512xi32>
      %shift_right_arithmetic3A_733 = arith.constant 2 : i32
      %shift_right_arithmetic3A_734 = vector.broadcast %shift_right_arithmetic3A_733 : i32 to vector<512xi32>
      %shift_right_arithmetic3A_735 = arith.shrsi %add3A_76, %shift_right_arithmetic3A_734 : vector<512xi32>
      %add3A_736 = arith.constant 0 : i32
      %add3A_737 = vector.broadcast %add3A_736 : i32 to vector<512xi32>
      %add3A_738 = arith.addi %shift_right_arithmetic3A_729, %add3A_737 : vector<512xi32>
      %add3A_739 = arith.constant 0 : i32
      %add3A_740 = vector.broadcast %add3A_739 : i32 to vector<512xi32>
      %add3A_741 = arith.addi %shift_right_arithmetic3A_732, %add3A_740 : vector<512xi32>
      %add3A_742 = arith.constant 0 : i32
      %add3A_743 = vector.broadcast %add3A_742 : i32 to vector<512xi32>
      %add3A_744 = arith.addi %shift_right_arithmetic3A_735, %add3A_743 : vector<512xi32>
      %mul3A_745 = arith.constant -1640531535 : i32
      %mul3A_746 = vector.broadcast %mul3A_745 : i32 to vector<512xi32>
      %mul3A_747 = arith.muli %add3A_741, %mul3A_746 : vector<512xi32>
      %xor3A = arith.xori %add3A_738, %mul3A_747 : vector<512xi32>
      %mul3A_748 = arith.constant 805459861 : i32
      %mul3A_749 = vector.broadcast %mul3A_748 : i32 to vector<512xi32>
      %mul3A_750 = arith.muli %add3A_744, %mul3A_749 : vector<512xi32>
      %xor3A_751 = arith.xori %xor3A, %mul3A_750 : vector<512xi32>
      %and3A_752 = arith.constant 524287 : i32
      %and3A_753 = vector.broadcast %and3A_752 : i32 to vector<512xi32>
      %and3A_754 = arith.andi %xor3A_751, %and3A_753 : vector<512xi32>
      %add3A_755 = arith.constant 1572864 : i32
      %add3A_756 = vector.broadcast %add3A_755 : i32 to vector<512xi32>
      %add3A_757 = arith.addi %and3A_754, %add3A_756 : vector<512xi32>
      %swap3A_758 = arith.constant 24 : index
      %swap3A_759 = arith.index_cast %scan3A_62 : i32 to index
      %swap3A_760 = arith.constant 0 : index
      %swap3A_761 = vector.load %arg3[%swap3A_758, %swap3A_759, %swap3A_760] : memref<51x8x512xi32, #tpu.memory_space<vmem>>, vector<1x1x512xi32>
      %swap3A_762 = vector.shape_cast %swap3A_761 : vector<1x1x512xi32> to vector<512xi32>
      %swap3A_763 = vector.shape_cast %add3A_757 : vector<512xi32> to vector<1x1x512xi32>
      tpu.vector_store %arg3[%swap3A_758, %swap3A_759, %swap3A_760], %swap3A_763 {strides = array<i32>} : memref<51x8x512xi32, #tpu.memory_space<vmem>>, vector<1x1x512xi32>,
      %add3A_764 = arith.constant 0 : i32
      %add3A_765 = vector.broadcast %add3A_764 : i32 to vector<512xi32>
      %add3A_766 = arith.addi %shift_right_arithmetic3A_729, %add3A_765 : vector<512xi32>
      %add3A_767 = arith.constant 0 : i32
      %add3A_768 = vector.broadcast %add3A_767 : i32 to vector<512xi32>
      %add3A_769 = arith.addi %shift_right_arithmetic3A_732, %add3A_768 : vector<512xi32>
      %add3A_770 = arith.constant 1 : i32
      %add3A_771 = vector.broadcast %add3A_770 : i32 to vector<512xi32>
      %add3A_772 = arith.addi %shift_right_arithmetic3A_735, %add3A_771 : vector<512xi32>
      %mul3A_773 = arith.constant -1640531535 : i32
      %mul3A_774 = vector.broadcast %mul3A_773 : i32 to vector<512xi32>
      %mul3A_775 = arith.muli %add3A_769, %mul3A_774 : vector<512xi32>
      %xor3A_776 = arith.xori %add3A_766, %mul3A_775 : vector<512xi32>
      %mul3A_777 = arith.constant 805459861 : i32
      %mul3A_778 = vector.broadcast %mul3A_777 : i32 to vector<512xi32>
      %mul3A_779 = arith.muli %add3A_772, %mul3A_778 : vector<512xi32>
      %xor3A_780 = arith.xori %xor3A_776, %mul3A_779 : vector<512xi32>
      %and3A_781 = arith.constant 524287 : i32
      %and3A_782 = vector.broadcast %and3A_781 : i32 to vector<512xi32>
      %and3A_783 = arith.andi %xor3A_780, %and3A_782 : vector<512xi32>
      %add3A_784 = arith.constant 1572864 : i32
      %add3A_785 = vector.broadcast %add3A_784 : i32 to vector<512xi32>
      %add3A_786 = arith.addi %and3A_783, %add3A_785 : vector<512xi32>
      %swap3A_787 = arith.constant 25 : index
      %swap3A_788 = arith.index_cast %scan3A_62 : i32 to index
      %swap3A_789 = arith.constant 0 : index
      %swap3A_790 = vector.load %arg3[%swap3A_787, %swap3A_788, %swap3A_789] : memref<51x8x512xi32, #tpu.memory_space<vmem>>, vector<1x1x512xi32>
      %swap3A_791 = vector.shape_cast %swap3A_790 : vector<1x1x512xi32> to vector<512xi32>
      %swap3A_792 = vector.shape_cast %add3A_786 : vector<512xi32> to vector<1x1x512xi32>
      tpu.vector_store %arg3[%swap3A_787, %swap3A_788, %swap3A_789], %swap3A_792 {strides = array<i32>} : memref<51x8x512xi32, #tpu.memory_space<vmem>>, vector<1x1x512xi32>,
      %add3A_793 = arith.constant 0 : i32
      %add3A_794 = vector.broadcast %add3A_793 : i32 to vector<512xi32>
      %add3A_795 = arith.addi %shift_right_arithmetic3A_729, %add3A_794 : vector<512xi32>
      %add3A_796 = arith.constant 1 : i32
      %add3A_797 = vector.broadcast %add3A_796 : i32 to vector<512xi32>
      %add3A_798 = arith.addi %shift_right_arithmetic3A_732, %add3A_797 : vector<512xi32>
      %add3A_799 = arith.constant 0 : i32
      %add3A_800 = vector.broadcast %add3A_799 : i32 to vector<512xi32>
      %add3A_801 = arith.addi %shift_right_arithmetic3A_735, %add3A_800 : vector<512xi32>
      %mul3A_802 = arith.constant -1640531535 : i32
      %mul3A_803 = vector.broadcast %mul3A_802 : i32 to vector<512xi32>
      %mul3A_804 = arith.muli %add3A_798, %mul3A_803 : vector<512xi32>
      %xor3A_805 = arith.xori %add3A_795, %mul3A_804 : vector<512xi32>
      %mul3A_806 = arith.constant 805459861 : i32
      %mul3A_807 = vector.broadcast %mul3A_806 : i32 to vector<512xi32>
      %mul3A_808 = arith.muli %add3A_801, %mul3A_807 : vector<512xi32>
      %xor3A_809 = arith.xori %xor3A_805, %mul3A_808 : vector<512xi32>
      %and3A_810 = arith.constant 524287 : i32
      %and3A_811 = vector.broadcast %and3A_810 : i32 to vector<512xi32>
      %and3A_812 = arith.andi %xor3A_809, %and3A_811 : vector<512xi32>
      %add3A_813 = arith.constant 1572864 : i32
      %add3A_814 = vector.broadcast %add3A_813 : i32 to vector<512xi32>
      %add3A_815 = arith.addi %and3A_812, %add3A_814 : vector<512xi32>
      %swap3A_816 = arith.constant 26 : index
      %swap3A_817 = arith.index_cast %scan3A_62 : i32 to index
      %swap3A_818 = arith.constant 0 : index
      %swap3A_819 = vector.load %arg3[%swap3A_816, %swap3A_817, %swap3A_818] : memref<51x8x512xi32, #tpu.memory_space<vmem>>, vector<1x1x512xi32>
      %swap3A_820 = vector.shape_cast %swap3A_819 : vector<1x1x512xi32> to vector<512xi32>
      %swap3A_821 = vector.shape_cast %add3A_815 : vector<512xi32> to vector<1x1x512xi32>
      tpu.vector_store %arg3[%swap3A_816, %swap3A_817, %swap3A_818], %swap3A_821 {strides = array<i32>} : memref<51x8x512xi32, #tpu.memory_space<vmem>>, vector<1x1x512xi32>,
      %add3A_822 = arith.constant 0 : i32
      %add3A_823 = vector.broadcast %add3A_822 : i32 to vector<512xi32>
      %add3A_824 = arith.addi %shift_right_arithmetic3A_729, %add3A_823 : vector<512xi32>
      %add3A_825 = arith.constant 1 : i32
      %add3A_826 = vector.broadcast %add3A_825 : i32 to vector<512xi32>
      %add3A_827 = arith.addi %shift_right_arithmetic3A_732, %add3A_826 : vector<512xi32>
      %add3A_828 = arith.constant 1 : i32
      %add3A_829 = vector.broadcast %add3A_828 : i32 to vector<512xi32>
      %add3A_830 = arith.addi %shift_right_arithmetic3A_735, %add3A_829 : vector<512xi32>
      %mul3A_831 = arith.constant -1640531535 : i32
      %mul3A_832 = vector.broadcast %mul3A_831 : i32 to vector<512xi32>
      %mul3A_833 = arith.muli %add3A_827, %mul3A_832 : vector<512xi32>
      %xor3A_834 = arith.xori %add3A_824, %mul3A_833 : vector<512xi32>
      %mul3A_835 = arith.constant 805459861 : i32
      %mul3A_836 = vector.broadcast %mul3A_835 : i32 to vector<512xi32>
      %mul3A_837 = arith.muli %add3A_830, %mul3A_836 : vector<512xi32>
      %xor3A_838 = arith.xori %xor3A_834, %mul3A_837 : vector<512xi32>
      %and3A_839 = arith.constant 524287 : i32
      %and3A_840 = vector.broadcast %and3A_839 : i32 to vector<512xi32>
      %and3A_841 = arith.andi %xor3A_838, %and3A_840 : vector<512xi32>
      %add3A_842 = arith.constant 1572864 : i32
      %add3A_843 = vector.broadcast %add3A_842 : i32 to vector<512xi32>
      %add3A_844 = arith.addi %and3A_841, %add3A_843 : vector<512xi32>
      %swap3A_845 = arith.constant 27 : index
      %swap3A_846 = arith.index_cast %scan3A_62 : i32 to index
      %swap3A_847 = arith.constant 0 : index
      %swap3A_848 = vector.load %arg3[%swap3A_845, %swap3A_846, %swap3A_847] : memref<51x8x512xi32, #tpu.memory_space<vmem>>, vector<1x1x512xi32>
      %swap3A_849 = vector.shape_cast %swap3A_848 : vector<1x1x512xi32> to vector<512xi32>
      %swap3A_850 = vector.shape_cast %add3A_844 : vector<512xi32> to vector<1x1x512xi32>
      tpu.vector_store %arg3[%swap3A_845, %swap3A_846, %swap3A_847], %swap3A_850 {strides = array<i32>} : memref<51x8x512xi32, #tpu.memory_space<vmem>>, vector<1x1x512xi32>,
      %add3A_851 = arith.constant 1 : i32
      %add3A_852 = vector.broadcast %add3A_851 : i32 to vector<512xi32>
      %add3A_853 = arith.addi %shift_right_arithmetic3A_729, %add3A_852 : vector<512xi32>
      %add3A_854 = arith.constant 0 : i32
      %add3A_855 = vector.broadcast %add3A_854 : i32 to vector<512xi32>
      %add3A_856 = arith.addi %shift_right_arithmetic3A_732, %add3A_855 : vector<512xi32>
      %add3A_857 = arith.constant 0 : i32
      %add3A_858 = vector.broadcast %add3A_857 : i32 to vector<512xi32>
      %add3A_859 = arith.addi %shift_right_arithmetic3A_735, %add3A_858 : vector<512xi32>
      %mul3A_860 = arith.constant -1640531535 : i32
      %mul3A_861 = vector.broadcast %mul3A_860 : i32 to vector<512xi32>
      %mul3A_862 = arith.muli %add3A_856, %mul3A_861 : vector<512xi32>
      %xor3A_863 = arith.xori %add3A_853, %mul3A_862 : vector<512xi32>
      %mul3A_864 = arith.constant 805459861 : i32
      %mul3A_865 = vector.broadcast %mul3A_864 : i32 to vector<512xi32>
      %mul3A_866 = arith.muli %add3A_859, %mul3A_865 : vector<512xi32>
      %xor3A_867 = arith.xori %xor3A_863, %mul3A_866 : vector<512xi32>
      %and3A_868 = arith.constant 524287 : i32
      %and3A_869 = vector.broadcast %and3A_868 : i32 to vector<512xi32>
      %and3A_870 = arith.andi %xor3A_867, %and3A_869 : vector<512xi32>
      %add3A_871 = arith.constant 1572864 : i32
      %add3A_872 = vector.broadcast %add3A_871 : i32 to vector<512xi32>
      %add3A_873 = arith.addi %and3A_870, %add3A_872 : vector<512xi32>
      %swap3A_874 = arith.constant 28 : index
      %swap3A_875 = arith.index_cast %scan3A_62 : i32 to index
      %swap3A_876 = arith.constant 0 : index
      %swap3A_877 = vector.load %arg3[%swap3A_874, %swap3A_875, %swap3A_876] : memref<51x8x512xi32, #tpu.memory_space<vmem>>, vector<1x1x512xi32>
      %swap3A_878 = vector.shape_cast %swap3A_877 : vector<1x1x512xi32> to vector<512xi32>
      %swap3A_879 = vector.shape_cast %add3A_873 : vector<512xi32> to vector<1x1x512xi32>
      tpu.vector_store %arg3[%swap3A_874, %swap3A_875, %swap3A_876], %swap3A_879 {strides = array<i32>} : memref<51x8x512xi32, #tpu.memory_space<vmem>>, vector<1x1x512xi32>,
      %add3A_880 = arith.constant 1 : i32
      %add3A_881 = vector.broadcast %add3A_880 : i32 to vector<512xi32>
      %add3A_882 = arith.addi %shift_right_arithmetic3A_729, %add3A_881 : vector<512xi32>
      %add3A_883 = arith.constant 0 : i32
      %add3A_884 = vector.broadcast %add3A_883 : i32 to vector<512xi32>
      %add3A_885 = arith.addi %shift_right_arithmetic3A_732, %add3A_884 : vector<512xi32>
      %add3A_886 = arith.constant 1 : i32
      %add3A_887 = vector.broadcast %add3A_886 : i32 to vector<512xi32>
      %add3A_888 = arith.addi %shift_right_arithmetic3A_735, %add3A_887 : vector<512xi32>
      %mul3A_889 = arith.constant -1640531535 : i32
      %mul3A_890 = vector.broadcast %mul3A_889 : i32 to vector<512xi32>
      %mul3A_891 = arith.muli %add3A_885, %mul3A_890 : vector<512xi32>
      %xor3A_892 = arith.xori %add3A_882, %mul3A_891 : vector<512xi32>
      %mul3A_893 = arith.constant 805459861 : i32
      %mul3A_894 = vector.broadcast %mul3A_893 : i32 to vector<512xi32>
      %mul3A_895 = arith.muli %add3A_888, %mul3A_894 : vector<512xi32>
      %xor3A_896 = arith.xori %xor3A_892, %mul3A_895 : vector<512xi32>
      %and3A_897 = arith.constant 524287 : i32
      %and3A_898 = vector.broadcast %and3A_897 : i32 to vector<512xi32>
      %and3A_899 = arith.andi %xor3A_896, %and3A_898 : vector<512xi32>
      %add3A_900 = arith.constant 1572864 : i32
      %add3A_901 = vector.broadcast %add3A_900 : i32 to vector<512xi32>
      %add3A_902 = arith.addi %and3A_899, %add3A_901 : vector<512xi32>
      %swap3A_903 = arith.constant 29 : index
      %swap3A_904 = arith.index_cast %scan3A_62 : i32 to index
      %swap3A_905 = arith.constant 0 : index
      %swap3A_906 = vector.load %arg3[%swap3A_903, %swap3A_904, %swap3A_905] : memref<51x8x512xi32, #tpu.memory_space<vmem>>, vector<1x1x512xi32>
      %swap3A_907 = vector.shape_cast %swap3A_906 : vector<1x1x512xi32> to vector<512xi32>
      %swap3A_908 = vector.shape_cast %add3A_902 : vector<512xi32> to vector<1x1x512xi32>
      tpu.vector_store %arg3[%swap3A_903, %swap3A_904, %swap3A_905], %swap3A_908 {strides = array<i32>} : memref<51x8x512xi32, #tpu.memory_space<vmem>>, vector<1x1x512xi32>,
      %add3A_909 = arith.constant 1 : i32
      %add3A_910 = vector.broadcast %add3A_909 : i32 to vector<512xi32>
      %add3A_911 = arith.addi %shift_right_arithmetic3A_729, %add3A_910 : vector<512xi32>
      %add3A_912 = arith.constant 1 : i32
      %add3A_913 = vector.broadcast %add3A_912 : i32 to vector<512xi32>
      %add3A_914 = arith.addi %shift_right_arithmetic3A_732, %add3A_913 : vector<512xi32>
      %add3A_915 = arith.constant 0 : i32
      %add3A_916 = vector.broadcast %add3A_915 : i32 to vector<512xi32>
      %add3A_917 = arith.addi %shift_right_arithmetic3A_735, %add3A_916 : vector<512xi32>
      %mul3A_918 = arith.constant -1640531535 : i32
      %mul3A_919 = vector.broadcast %mul3A_918 : i32 to vector<512xi32>
      %mul3A_920 = arith.muli %add3A_914, %mul3A_919 : vector<512xi32>
      %xor3A_921 = arith.xori %add3A_911, %mul3A_920 : vector<512xi32>
      %mul3A_922 = arith.constant 805459861 : i32
      %mul3A_923 = vector.broadcast %mul3A_922 : i32 to vector<512xi32>
      %mul3A_924 = arith.muli %add3A_917, %mul3A_923 : vector<512xi32>
      %xor3A_925 = arith.xori %xor3A_921, %mul3A_924 : vector<512xi32>
      %and3A_926 = arith.constant 524287 : i32
      %and3A_927 = vector.broadcast %and3A_926 : i32 to vector<512xi32>
      %and3A_928 = arith.andi %xor3A_925, %and3A_927 : vector<512xi32>
      %add3A_929 = arith.constant 1572864 : i32
      %add3A_930 = vector.broadcast %add3A_929 : i32 to vector<512xi32>
      %add3A_931 = arith.addi %and3A_928, %add3A_930 : vector<512xi32>
      %swap3A_932 = arith.constant 30 : index
      %swap3A_933 = arith.index_cast %scan3A_62 : i32 to index
      %swap3A_934 = arith.constant 0 : index
      %swap3A_935 = vector.load %arg3[%swap3A_932, %swap3A_933, %swap3A_934] : memref<51x8x512xi32, #tpu.memory_space<vmem>>, vector<1x1x512xi32>
      %swap3A_936 = vector.shape_cast %swap3A_935 : vector<1x1x512xi32> to vector<512xi32>
      %swap3A_937 = vector.shape_cast %add3A_931 : vector<512xi32> to vector<1x1x512xi32>
      tpu.vector_store %arg3[%swap3A_932, %swap3A_933, %swap3A_934], %swap3A_937 {strides = array<i32>} : memref<51x8x512xi32, #tpu.memory_space<vmem>>, vector<1x1x512xi32>,
      %add3A_938 = arith.constant 1 : i32
      %add3A_939 = vector.broadcast %add3A_938 : i32 to vector<512xi32>
      %add3A_940 = arith.addi %shift_right_arithmetic3A_729, %add3A_939 : vector<512xi32>
      %add3A_941 = arith.constant 1 : i32
      %add3A_942 = vector.broadcast %add3A_941 : i32 to vector<512xi32>
      %add3A_943 = arith.addi %shift_right_arithmetic3A_732, %add3A_942 : vector<512xi32>
      %add3A_944 = arith.constant 1 : i32
      %add3A_945 = vector.broadcast %add3A_944 : i32 to vector<512xi32>
      %add3A_946 = arith.addi %shift_right_arithmetic3A_735, %add3A_945 : vector<512xi32>
      %mul3A_947 = arith.constant -1640531535 : i32
      %mul3A_948 = vector.broadcast %mul3A_947 : i32 to vector<512xi32>
      %mul3A_949 = arith.muli %add3A_943, %mul3A_948 : vector<512xi32>
      %xor3A_950 = arith.xori %add3A_940, %mul3A_949 : vector<512xi32>
      %mul3A_951 = arith.constant 805459861 : i32
      %mul3A_952 = vector.broadcast %mul3A_951 : i32 to vector<512xi32>
      %mul3A_953 = arith.muli %add3A_946, %mul3A_952 : vector<512xi32>
      %xor3A_954 = arith.xori %xor3A_950, %mul3A_953 : vector<512xi32>
      %and3A_955 = arith.constant 524287 : i32
      %and3A_956 = vector.broadcast %and3A_955 : i32 to vector<512xi32>
      %and3A_957 = arith.andi %xor3A_954, %and3A_956 : vector<512xi32>
      %add3A_958 = arith.constant 1572864 : i32
      %add3A_959 = vector.broadcast %add3A_958 : i32 to vector<512xi32>
      %add3A_960 = arith.addi %and3A_957, %add3A_959 : vector<512xi32>
      %swap3A_961 = arith.constant 31 : index
      %swap3A_962 = arith.index_cast %scan3A_62 : i32 to index
      %swap3A_963 = arith.constant 0 : index
      %swap3A_964 = vector.load %arg3[%swap3A_961, %swap3A_962, %swap3A_963] : memref<51x8x512xi32, #tpu.memory_space<vmem>>, vector<1x1x512xi32>
      %swap3A_965 = vector.shape_cast %swap3A_964 : vector<1x1x512xi32> to vector<512xi32>
      %swap3A_966 = vector.shape_cast %add3A_960 : vector<512xi32> to vector<1x1x512xi32>
      tpu.vector_store %arg3[%swap3A_961, %swap3A_962, %swap3A_963], %swap3A_966 {strides = array<i32>} : memref<51x8x512xi32, #tpu.memory_space<vmem>>, vector<1x1x512xi32>,
      %shift_right_arithmetic3A_967 = arith.constant 1 : i32
      %shift_right_arithmetic3A_968 = vector.broadcast %shift_right_arithmetic3A_967 : i32 to vector<512xi32>
      %shift_right_arithmetic3A_969 = arith.shrsi %add3A_72, %shift_right_arithmetic3A_968 : vector<512xi32>
      %shift_right_arithmetic3A_970 = arith.constant 1 : i32
      %shift_right_arithmetic3A_971 = vector.broadcast %shift_right_arithmetic3A_970 : i32 to vector<512xi32>
      %shift_right_arithmetic3A_972 = arith.shrsi %add3A_74, %shift_right_arithmetic3A_971 : vector<512xi32>
      %shift_right_arithmetic3A_973 = arith.constant 1 : i32
      %shift_right_arithmetic3A_974 = vector.broadcast %shift_right_arithmetic3A_973 : i32 to vector<512xi32>
      %shift_right_arithmetic3A_975 = arith.shrsi %add3A_76, %shift_right_arithmetic3A_974 : vector<512xi32>
      %add3A_976 = arith.constant 0 : i32
      %add3A_977 = vector.broadcast %add3A_976 : i32 to vector<512xi32>
      %add3A_978 = arith.addi %shift_right_arithmetic3A_969, %add3A_977 : vector<512xi32>
      %add3A_979 = arith.constant 0 : i32
      %add3A_980 = vector.broadcast %add3A_979 : i32 to vector<512xi32>
      %add3A_981 = arith.addi %shift_right_arithmetic3A_972, %add3A_980 : vector<512xi32>
      %add3A_982 = arith.constant 0 : i32
      %add3A_983 = vector.broadcast %add3A_982 : i32 to vector<512xi32>
      %add3A_984 = arith.addi %shift_right_arithmetic3A_975, %add3A_983 : vector<512xi32>
      %mul3A_985 = arith.constant -1640531535 : i32
      %mul3A_986 = vector.broadcast %mul3A_985 : i32 to vector<512xi32>
      %mul3A_987 = arith.muli %add3A_981, %mul3A_986 : vector<512xi32>
      %xor3A_988 = arith.xori %add3A_978, %mul3A_987 : vector<512xi32>
      %mul3A_989 = arith.constant 805459861 : i32
      %mul3A_990 = vector.broadcast %mul3A_989 : i32 to vector<512xi32>
      %mul3A_991 = arith.muli %add3A_984, %mul3A_990 : vector<512xi32>
      %xor3A_992 = arith.xori %xor3A_988, %mul3A_991 : vector<512xi32>
      %and3A_993 = arith.constant 524287 : i32
      %and3A_994 = vector.broadcast %and3A_993 : i32 to vector<512xi32>
      %and3A_995 = arith.andi %xor3A_992, %and3A_994 : vector<512xi32>
      %add3A_996 = arith.constant 2097152 : i32
      %add3A_997 = vector.broadcast %add3A_996 : i32 to vector<512xi32>
      %add3A_998 = arith.addi %and3A_995, %add3A_997 : vector<512xi32>
      %swap3A_999 = arith.constant 32 : index
      %swap3A_1000 = arith.index_cast %scan3A_62 : i32 to index
      %swap3A_1001 = arith.constant 0 : index
      %swap3A_1002 = vector.load %arg3[%swap3A_999, %swap3A_1000, %swap3A_1001] : memref<51x8x512xi32, #tpu.memory_space<vmem>>, vector<1x1x512xi32>
      %swap3A_1003 = vector.shape_cast %swap3A_1002 : vector<1x1x512xi32> to vector<512xi32>
      %swap3A_1004 = vector.shape_cast %add3A_998 : vector<512xi32> to vector<1x1x512xi32>
      tpu.vector_store %arg3[%swap3A_999, %swap3A_1000, %swap3A_1001], %swap3A_1004 {strides = array<i32>} : memref<51x8x512xi32, #tpu.memory_space<vmem>>, vector<1x1x512xi32>,
      %add3A_1005 = arith.constant 0 : i32
      %add3A_1006 = vector.broadcast %add3A_1005 : i32 to vector<512xi32>
      %add3A_1007 = arith.addi %shift_right_arithmetic3A_969, %add3A_1006 : vector<512xi32>
      %add3A_1008 = arith.constant 0 : i32
      %add3A_1009 = vector.broadcast %add3A_1008 : i32 to vector<512xi32>
      %add3A_1010 = arith.addi %shift_right_arithmetic3A_972, %add3A_1009 : vector<512xi32>
      %add3A_1011 = arith.constant 1 : i32
      %add3A_1012 = vector.broadcast %add3A_1011 : i32 to vector<512xi32>
      %add3A_1013 = arith.addi %shift_right_arithmetic3A_975, %add3A_1012 : vector<512xi32>
      %mul3A_1014 = arith.constant -1640531535 : i32
      %mul3A_1015 = vector.broadcast %mul3A_1014 : i32 to vector<512xi32>
      %mul3A_1016 = arith.muli %add3A_1010, %mul3A_1015 : vector<512xi32>
      %xor3A_1017 = arith.xori %add3A_1007, %mul3A_1016 : vector<512xi32>
      %mul3A_1018 = arith.constant 805459861 : i32
      %mul3A_1019 = vector.broadcast %mul3A_1018 : i32 to vector<512xi32>
      %mul3A_1020 = arith.muli %add3A_1013, %mul3A_1019 : vector<512xi32>
      %xor3A_1021 = arith.xori %xor3A_1017, %mul3A_1020 : vector<512xi32>
      %and3A_1022 = arith.constant 524287 : i32
      %and3A_1023 = vector.broadcast %and3A_1022 : i32 to vector<512xi32>
      %and3A_1024 = arith.andi %xor3A_1021, %and3A_1023 : vector<512xi32>
      %add3A_1025 = arith.constant 2097152 : i32
      %add3A_1026 = vector.broadcast %add3A_1025 : i32 to vector<512xi32>
      %add3A_1027 = arith.addi %and3A_1024, %add3A_1026 : vector<512xi32>
      %swap3A_1028 = arith.constant 33 : index
      %swap3A_1029 = arith.index_cast %scan3A_62 : i32 to index
      %swap3A_1030 = arith.constant 0 : index
      %swap3A_1031 = vector.load %arg3[%swap3A_1028, %swap3A_1029, %swap3A_1030] : memref<51x8x512xi32, #tpu.memory_space<vmem>>, vector<1x1x512xi32>
      %swap3A_1032 = vector.shape_cast %swap3A_1031 : vector<1x1x512xi32> to vector<512xi32>
      %swap3A_1033 = vector.shape_cast %add3A_1027 : vector<512xi32> to vector<1x1x512xi32>
      tpu.vector_store %arg3[%swap3A_1028, %swap3A_1029, %swap3A_1030], %swap3A_1033 {strides = array<i32>} : memref<51x8x512xi32, #tpu.memory_space<vmem>>, vector<1x1x512xi32>,
      %add3A_1034 = arith.constant 0 : i32
      %add3A_1035 = vector.broadcast %add3A_1034 : i32 to vector<512xi32>
      %add3A_1036 = arith.addi %shift_right_arithmetic3A_969, %add3A_1035 : vector<512xi32>
      %add3A_1037 = arith.constant 1 : i32
      %add3A_1038 = vector.broadcast %add3A_1037 : i32 to vector<512xi32>
      %add3A_1039 = arith.addi %shift_right_arithmetic3A_972, %add3A_1038 : vector<512xi32>
      %add3A_1040 = arith.constant 0 : i32
      %add3A_1041 = vector.broadcast %add3A_1040 : i32 to vector<512xi32>
      %add3A_1042 = arith.addi %shift_right_arithmetic3A_975, %add3A_1041 : vector<512xi32>
      %mul3A_1043 = arith.constant -1640531535 : i32
      %mul3A_1044 = vector.broadcast %mul3A_1043 : i32 to vector<512xi32>
      %mul3A_1045 = arith.muli %add3A_1039, %mul3A_1044 : vector<512xi32>
      %xor3A_1046 = arith.xori %add3A_1036, %mul3A_1045 : vector<512xi32>
      %mul3A_1047 = arith.constant 805459861 : i32
      %mul3A_1048 = vector.broadcast %mul3A_1047 : i32 to vector<512xi32>
      %mul3A_1049 = arith.muli %add3A_1042, %mul3A_1048 : vector<512xi32>
      %xor3A_1050 = arith.xori %xor3A_1046, %mul3A_1049 : vector<512xi32>
      %and3A_1051 = arith.constant 524287 : i32
      %and3A_1052 = vector.broadcast %and3A_1051 : i32 to vector<512xi32>
      %and3A_1053 = arith.andi %xor3A_1050, %and3A_1052 : vector<512xi32>
      %add3A_1054 = arith.constant 2097152 : i32
      %add3A_1055 = vector.broadcast %add3A_1054 : i32 to vector<512xi32>
      %add3A_1056 = arith.addi %and3A_1053, %add3A_1055 : vector<512xi32>
      %swap3A_1057 = arith.constant 34 : index
      %swap3A_1058 = arith.index_cast %scan3A_62 : i32 to index
      %swap3A_1059 = arith.constant 0 : index
      %swap3A_1060 = vector.load %arg3[%swap3A_1057, %swap3A_1058, %swap3A_1059] : memref<51x8x512xi32, #tpu.memory_space<vmem>>, vector<1x1x512xi32>
      %swap3A_1061 = vector.shape_cast %swap3A_1060 : vector<1x1x512xi32> to vector<512xi32>
      %swap3A_1062 = vector.shape_cast %add3A_1056 : vector<512xi32> to vector<1x1x512xi32>
      tpu.vector_store %arg3[%swap3A_1057, %swap3A_1058, %swap3A_1059], %swap3A_1062 {strides = array<i32>} : memref<51x8x512xi32, #tpu.memory_space<vmem>>, vector<1x1x512xi32>,
      %add3A_1063 = arith.constant 0 : i32
      %add3A_1064 = vector.broadcast %add3A_1063 : i32 to vector<512xi32>
      %add3A_1065 = arith.addi %shift_right_arithmetic3A_969, %add3A_1064 : vector<512xi32>
      %add3A_1066 = arith.constant 1 : i32
      %add3A_1067 = vector.broadcast %add3A_1066 : i32 to vector<512xi32>
      %add3A_1068 = arith.addi %shift_right_arithmetic3A_972, %add3A_1067 : vector<512xi32>
      %add3A_1069 = arith.constant 1 : i32
      %add3A_1070 = vector.broadcast %add3A_1069 : i32 to vector<512xi32>
      %add3A_1071 = arith.addi %shift_right_arithmetic3A_975, %add3A_1070 : vector<512xi32>
      %mul3A_1072 = arith.constant -1640531535 : i32
      %mul3A_1073 = vector.broadcast %mul3A_1072 : i32 to vector<512xi32>
      %mul3A_1074 = arith.muli %add3A_1068, %mul3A_1073 : vector<512xi32>
      %xor3A_1075 = arith.xori %add3A_1065, %mul3A_1074 : vector<512xi32>
      %mul3A_1076 = arith.constant 805459861 : i32
      %mul3A_1077 = vector.broadcast %mul3A_1076 : i32 to vector<512xi32>
      %mul3A_1078 = arith.muli %add3A_1071, %mul3A_1077 : vector<512xi32>
      %xor3A_1079 = arith.xori %xor3A_1075, %mul3A_1078 : vector<512xi32>
      %and3A_1080 = arith.constant 524287 : i32
      %and3A_1081 = vector.broadcast %and3A_1080 : i32 to vector<512xi32>
      %and3A_1082 = arith.andi %xor3A_1079, %and3A_1081 : vector<512xi32>
      %add3A_1083 = arith.constant 2097152 : i32
      %add3A_1084 = vector.broadcast %add3A_1083 : i32 to vector<512xi32>
      %add3A_1085 = arith.addi %and3A_1082, %add3A_1084 : vector<512xi32>
      %swap3A_1086 = arith.constant 35 : index
      %swap3A_1087 = arith.index_cast %scan3A_62 : i32 to index
      %swap3A_1088 = arith.constant 0 : index
      %swap3A_1089 = vector.load %arg3[%swap3A_1086, %swap3A_1087, %swap3A_1088] : memref<51x8x512xi32, #tpu.memory_space<vmem>>, vector<1x1x512xi32>
      %swap3A_1090 = vector.shape_cast %swap3A_1089 : vector<1x1x512xi32> to vector<512xi32>
      %swap3A_1091 = vector.shape_cast %add3A_1085 : vector<512xi32> to vector<1x1x512xi32>
      tpu.vector_store %arg3[%swap3A_1086, %swap3A_1087, %swap3A_1088], %swap3A_1091 {strides = array<i32>} : memref<51x8x512xi32, #tpu.memory_space<vmem>>, vector<1x1x512xi32>,
      %add3A_1092 = arith.constant 1 : i32
      %add3A_1093 = vector.broadcast %add3A_1092 : i32 to vector<512xi32>
      %add3A_1094 = arith.addi %shift_right_arithmetic3A_969, %add3A_1093 : vector<512xi32>
      %add3A_1095 = arith.constant 0 : i32
      %add3A_1096 = vector.broadcast %add3A_1095 : i32 to vector<512xi32>
      %add3A_1097 = arith.addi %shift_right_arithmetic3A_972, %add3A_1096 : vector<512xi32>
      %add3A_1098 = arith.constant 0 : i32
      %add3A_1099 = vector.broadcast %add3A_1098 : i32 to vector<512xi32>
      %add3A_1100 = arith.addi %shift_right_arithmetic3A_975, %add3A_1099 : vector<512xi32>
      %mul3A_1101 = arith.constant -1640531535 : i32
      %mul3A_1102 = vector.broadcast %mul3A_1101 : i32 to vector<512xi32>
      %mul3A_1103 = arith.muli %add3A_1097, %mul3A_1102 : vector<512xi32>
      %xor3A_1104 = arith.xori %add3A_1094, %mul3A_1103 : vector<512xi32>
      %mul3A_1105 = arith.constant 805459861 : i32
      %mul3A_1106 = vector.broadcast %mul3A_1105 : i32 to vector<512xi32>
      %mul3A_1107 = arith.muli %add3A_1100, %mul3A_1106 : vector<512xi32>
      %xor3A_1108 = arith.xori %xor3A_1104, %mul3A_1107 : vector<512xi32>
      %and3A_1109 = arith.constant 524287 : i32
      %and3A_1110 = vector.broadcast %and3A_1109 : i32 to vector<512xi32>
      %and3A_1111 = arith.andi %xor3A_1108, %and3A_1110 : vector<512xi32>
      %add3A_1112 = arith.constant 2097152 : i32
      %add3A_1113 = vector.broadcast %add3A_1112 : i32 to vector<512xi32>
      %add3A_1114 = arith.addi %and3A_1111, %add3A_1113 : vector<512xi32>
      %swap3A_1115 = arith.constant 36 : index
      %swap3A_1116 = arith.index_cast %scan3A_62 : i32 to index
      %swap3A_1117 = arith.constant 0 : index
      %swap3A_1118 = vector.load %arg3[%swap3A_1115, %swap3A_1116, %swap3A_1117] : memref<51x8x512xi32, #tpu.memory_space<vmem>>, vector<1x1x512xi32>
      %swap3A_1119 = vector.shape_cast %swap3A_1118 : vector<1x1x512xi32> to vector<512xi32>
      %swap3A_1120 = vector.shape_cast %add3A_1114 : vector<512xi32> to vector<1x1x512xi32>
      tpu.vector_store %arg3[%swap3A_1115, %swap3A_1116, %swap3A_1117], %swap3A_1120 {strides = array<i32>} : memref<51x8x512xi32, #tpu.memory_space<vmem>>, vector<1x1x512xi32>,
      %add3A_1121 = arith.constant 1 : i32
      %add3A_1122 = vector.broadcast %add3A_1121 : i32 to vector<512xi32>
      %add3A_1123 = arith.addi %shift_right_arithmetic3A_969, %add3A_1122 : vector<512xi32>
      %add3A_1124 = arith.constant 0 : i32
      %add3A_1125 = vector.broadcast %add3A_1124 : i32 to vector<512xi32>
      %add3A_1126 = arith.addi %shift_right_arithmetic3A_972, %add3A_1125 : vector<512xi32>
      %add3A_1127 = arith.constant 1 : i32
      %add3A_1128 = vector.broadcast %add3A_1127 : i32 to vector<512xi32>
      %add3A_1129 = arith.addi %shift_right_arithmetic3A_975, %add3A_1128 : vector<512xi32>
      %mul3A_1130 = arith.constant -1640531535 : i32
      %mul3A_1131 = vector.broadcast %mul3A_1130 : i32 to vector<512xi32>
      %mul3A_1132 = arith.muli %add3A_1126, %mul3A_1131 : vector<512xi32>
      %xor3A_1133 = arith.xori %add3A_1123, %mul3A_1132 : vector<512xi32>
      %mul3A_1134 = arith.constant 805459861 : i32
      %mul3A_1135 = vector.broadcast %mul3A_1134 : i32 to vector<512xi32>
      %mul3A_1136 = arith.muli %add3A_1129, %mul3A_1135 : vector<512xi32>
      %xor3A_1137 = arith.xori %xor3A_1133, %mul3A_1136 : vector<512xi32>
      %and3A_1138 = arith.constant 524287 : i32
      %and3A_1139 = vector.broadcast %and3A_1138 : i32 to vector<512xi32>
      %and3A_1140 = arith.andi %xor3A_1137, %and3A_1139 : vector<512xi32>
      %add3A_1141 = arith.constant 2097152 : i32
      %add3A_1142 = vector.broadcast %add3A_1141 : i32 to vector<512xi32>
      %add3A_1143 = arith.addi %and3A_1140, %add3A_1142 : vector<512xi32>
      %swap3A_1144 = arith.constant 37 : index
      %swap3A_1145 = arith.index_cast %scan3A_62 : i32 to index
      %swap3A_1146 = arith.constant 0 : index
      %swap3A_1147 = vector.load %arg3[%swap3A_1144, %swap3A_1145, %swap3A_1146] : memref<51x8x512xi32, #tpu.memory_space<vmem>>, vector<1x1x512xi32>
      %swap3A_1148 = vector.shape_cast %swap3A_1147 : vector<1x1x512xi32> to vector<512xi32>
      %swap3A_1149 = vector.shape_cast %add3A_1143 : vector<512xi32> to vector<1x1x512xi32>
      tpu.vector_store %arg3[%swap3A_1144, %swap3A_1145, %swap3A_1146], %swap3A_1149 {strides = array<i32>} : memref<51x8x512xi32, #tpu.memory_space<vmem>>, vector<1x1x512xi32>,
      %add3A_1150 = arith.constant 1 : i32
      %add3A_1151 = vector.broadcast %add3A_1150 : i32 to vector<512xi32>
      %add3A_1152 = arith.addi %shift_right_arithmetic3A_969, %add3A_1151 : vector<512xi32>
      %add3A_1153 = arith.constant 1 : i32
      %add3A_1154 = vector.broadcast %add3A_1153 : i32 to vector<512xi32>
      %add3A_1155 = arith.addi %shift_right_arithmetic3A_972, %add3A_1154 : vector<512xi32>
      %add3A_1156 = arith.constant 0 : i32
      %add3A_1157 = vector.broadcast %add3A_1156 : i32 to vector<512xi32>
      %add3A_1158 = arith.addi %shift_right_arithmetic3A_975, %add3A_1157 : vector<512xi32>
      %mul3A_1159 = arith.constant -1640531535 : i32
      %mul3A_1160 = vector.broadcast %mul3A_1159 : i32 to vector<512xi32>
      %mul3A_1161 = arith.muli %add3A_1155, %mul3A_1160 : vector<512xi32>
      %xor3A_1162 = arith.xori %add3A_1152, %mul3A_1161 : vector<512xi32>
      %mul3A_1163 = arith.constant 805459861 : i32
      %mul3A_1164 = vector.broadcast %mul3A_1163 : i32 to vector<512xi32>
      %mul3A_1165 = arith.muli %add3A_1158, %mul3A_1164 : vector<512xi32>
      %xor3A_1166 = arith.xori %xor3A_1162, %mul3A_1165 : vector<512xi32>
      %and3A_1167 = arith.constant 524287 : i32
      %and3A_1168 = vector.broadcast %and3A_1167 : i32 to vector<512xi32>
      %and3A_1169 = arith.andi %xor3A_1166, %and3A_1168 : vector<512xi32>
      %add3A_1170 = arith.constant 2097152 : i32
      %add3A_1171 = vector.broadcast %add3A_1170 : i32 to vector<512xi32>
      %add3A_1172 = arith.addi %and3A_1169, %add3A_1171 : vector<512xi32>
      %swap3A_1173 = arith.constant 38 : index
      %swap3A_1174 = arith.index_cast %scan3A_62 : i32 to index
      %swap3A_1175 = arith.constant 0 : index
      %swap3A_1176 = vector.load %arg3[%swap3A_1173, %swap3A_1174, %swap3A_1175] : memref<51x8x512xi32, #tpu.memory_space<vmem>>, vector<1x1x512xi32>
      %swap3A_1177 = vector.shape_cast %swap3A_1176 : vector<1x1x512xi32> to vector<512xi32>
      %swap3A_1178 = vector.shape_cast %add3A_1172 : vector<512xi32> to vector<1x1x512xi32>
      tpu.vector_store %arg3[%swap3A_1173, %swap3A_1174, %swap3A_1175], %swap3A_1178 {strides = array<i32>} : memref<51x8x512xi32, #tpu.memory_space<vmem>>, vector<1x1x512xi32>,
      %add3A_1179 = arith.constant 1 : i32
      %add3A_1180 = vector.broadcast %add3A_1179 : i32 to vector<512xi32>
      %add3A_1181 = arith.addi %shift_right_arithmetic3A_969, %add3A_1180 : vector<512xi32>
      %add3A_1182 = arith.constant 1 : i32
      %add3A_1183 = vector.broadcast %add3A_1182 : i32 to vector<512xi32>
      %add3A_1184 = arith.addi %shift_right_arithmetic3A_972, %add3A_1183 : vector<512xi32>
      %add3A_1185 = arith.constant 1 : i32
      %add3A_1186 = vector.broadcast %add3A_1185 : i32 to vector<512xi32>
      %add3A_1187 = arith.addi %shift_right_arithmetic3A_975, %add3A_1186 : vector<512xi32>
      %mul3A_1188 = arith.constant -1640531535 : i32
      %mul3A_1189 = vector.broadcast %mul3A_1188 : i32 to vector<512xi32>
      %mul3A_1190 = arith.muli %add3A_1184, %mul3A_1189 : vector<512xi32>
      %xor3A_1191 = arith.xori %add3A_1181, %mul3A_1190 : vector<512xi32>
      %mul3A_1192 = arith.constant 805459861 : i32
      %mul3A_1193 = vector.broadcast %mul3A_1192 : i32 to vector<512xi32>
      %mul3A_1194 = arith.muli %add3A_1187, %mul3A_1193 : vector<512xi32>
      %xor3A_1195 = arith.xori %xor3A_1191, %mul3A_1194 : vector<512xi32>
      %and3A_1196 = arith.constant 524287 : i32
      %and3A_1197 = vector.broadcast %and3A_1196 : i32 to vector<512xi32>
      %and3A_1198 = arith.andi %xor3A_1195, %and3A_1197 : vector<512xi32>
      %add3A_1199 = arith.constant 2097152 : i32
      %add3A_1200 = vector.broadcast %add3A_1199 : i32 to vector<512xi32>
      %add3A_1201 = arith.addi %and3A_1198, %add3A_1200 : vector<512xi32>
      %swap3A_1202 = arith.constant 39 : index
      %swap3A_1203 = arith.index_cast %scan3A_62 : i32 to index
      %swap3A_1204 = arith.constant 0 : index
      %swap3A_1205 = vector.load %arg3[%swap3A_1202, %swap3A_1203, %swap3A_1204] : memref<51x8x512xi32, #tpu.memory_space<vmem>>, vector<1x1x512xi32>
      %swap3A_1206 = vector.shape_cast %swap3A_1205 : vector<1x1x512xi32> to vector<512xi32>
      %swap3A_1207 = vector.shape_cast %add3A_1201 : vector<512xi32> to vector<1x1x512xi32>
      tpu.vector_store %arg3[%swap3A_1202, %swap3A_1203, %swap3A_1204], %swap3A_1207 {strides = array<i32>} : memref<51x8x512xi32, #tpu.memory_space<vmem>>, vector<1x1x512xi32>,
      %shift_left3A = arith.constant 0 : i32
      %shift_left3A_1208 = vector.broadcast %shift_left3A : i32 to vector<512xi32>
      %shift_left3A_1209 = arith.shli %add3A_72, %shift_left3A_1208 : vector<512xi32>
      %shift_left3A_1210 = arith.constant 0 : i32
      %shift_left3A_1211 = vector.broadcast %shift_left3A_1210 : i32 to vector<512xi32>
      %shift_left3A_1212 = arith.shli %add3A_74, %shift_left3A_1211 : vector<512xi32>
      %shift_left3A_1213 = arith.constant 0 : i32
      %shift_left3A_1214 = vector.broadcast %shift_left3A_1213 : i32 to vector<512xi32>
      %shift_left3A_1215 = arith.shli %add3A_76, %shift_left3A_1214 : vector<512xi32>
      %mul3A_1216 = arith.constant -1640531535 : i32
      %mul3A_1217 = vector.broadcast %mul3A_1216 : i32 to vector<512xi32>
      %mul3A_1218 = arith.muli %shift_left3A_1212, %mul3A_1217 : vector<512xi32>
      %xor3A_1219 = arith.xori %shift_left3A_1209, %mul3A_1218 : vector<512xi32>
      %mul3A_1220 = arith.constant 805459861 : i32
      %mul3A_1221 = vector.broadcast %mul3A_1220 : i32 to vector<512xi32>
      %mul3A_1222 = arith.muli %shift_left3A_1215, %mul3A_1221 : vector<512xi32>
      %xor3A_1223 = arith.xori %xor3A_1219, %mul3A_1222 : vector<512xi32>
      %and3A_1224 = arith.constant 524287 : i32
      %and3A_1225 = vector.broadcast %and3A_1224 : i32 to vector<512xi32>
      %and3A_1226 = arith.andi %xor3A_1223, %and3A_1225 : vector<512xi32>
      %add3A_1227 = arith.constant 2621440 : i32
      %add3A_1228 = vector.broadcast %add3A_1227 : i32 to vector<512xi32>
      %add3A_1229 = arith.addi %and3A_1226, %add3A_1228 : vector<512xi32>
      %swap3A_1230 = arith.constant 40 : index
      %swap3A_1231 = arith.index_cast %scan3A_62 : i32 to index
      %swap3A_1232 = arith.constant 0 : index
      %swap3A_1233 = vector.load %arg3[%swap3A_1230, %swap3A_1231, %swap3A_1232] : memref<51x8x512xi32, #tpu.memory_space<vmem>>, vector<1x1x512xi32>
      %swap3A_1234 = vector.shape_cast %swap3A_1233 : vector<1x1x512xi32> to vector<512xi32>
      %swap3A_1235 = vector.shape_cast %add3A_1229 : vector<512xi32> to vector<1x1x512xi32>
      tpu.vector_store %arg3[%swap3A_1230, %swap3A_1231, %swap3A_1232], %swap3A_1235 {strides = array<i32>} : memref<51x8x512xi32, #tpu.memory_space<vmem>>, vector<1x1x512xi32>,
      %shift_left3A_1236 = arith.constant 1 : i32
      %shift_left3A_1237 = vector.broadcast %shift_left3A_1236 : i32 to vector<512xi32>
      %shift_left3A_1238 = arith.shli %add3A_72, %shift_left3A_1237 : vector<512xi32>
      %shift_left3A_1239 = arith.constant 1 : i32
      %shift_left3A_1240 = vector.broadcast %shift_left3A_1239 : i32 to vector<512xi32>
      %shift_left3A_1241 = arith.shli %add3A_74, %shift_left3A_1240 : vector<512xi32>
      %shift_left3A_1242 = arith.constant 1 : i32
      %shift_left3A_1243 = vector.broadcast %shift_left3A_1242 : i32 to vector<512xi32>
      %shift_left3A_1244 = arith.shli %add3A_76, %shift_left3A_1243 : vector<512xi32>
      %mul3A_1245 = arith.constant -1640531535 : i32
      %mul3A_1246 = vector.broadcast %mul3A_1245 : i32 to vector<512xi32>
      %mul3A_1247 = arith.muli %shift_left3A_1241, %mul3A_1246 : vector<512xi32>
      %xor3A_1248 = arith.xori %shift_left3A_1238, %mul3A_1247 : vector<512xi32>
      %mul3A_1249 = arith.constant 805459861 : i32
      %mul3A_1250 = vector.broadcast %mul3A_1249 : i32 to vector<512xi32>
      %mul3A_1251 = arith.muli %shift_left3A_1244, %mul3A_1250 : vector<512xi32>
      %xor3A_1252 = arith.xori %xor3A_1248, %mul3A_1251 : vector<512xi32>
      %and3A_1253 = arith.constant 524287 : i32
      %and3A_1254 = vector.broadcast %and3A_1253 : i32 to vector<512xi32>
      %and3A_1255 = arith.andi %xor3A_1252, %and3A_1254 : vector<512xi32>
      %add3A_1256 = arith.constant 3145728 : i32
      %add3A_1257 = vector.broadcast %add3A_1256 : i32 to vector<512xi32>
      %add3A_1258 = arith.addi %and3A_1255, %add3A_1257 : vector<512xi32>
      %swap3A_1259 = arith.constant 41 : index
      %swap3A_1260 = arith.index_cast %scan3A_62 : i32 to index
      %swap3A_1261 = arith.constant 0 : index
      %swap3A_1262 = vector.load %arg3[%swap3A_1259, %swap3A_1260, %swap3A_1261] : memref<51x8x512xi32, #tpu.memory_space<vmem>>, vector<1x1x512xi32>
      %swap3A_1263 = vector.shape_cast %swap3A_1262 : vector<1x1x512xi32> to vector<512xi32>
      %swap3A_1264 = vector.shape_cast %add3A_1258 : vector<512xi32> to vector<1x1x512xi32>
      tpu.vector_store %arg3[%swap3A_1259, %swap3A_1260, %swap3A_1261], %swap3A_1264 {strides = array<i32>} : memref<51x8x512xi32, #tpu.memory_space<vmem>>, vector<1x1x512xi32>,
      %shift_left3A_1265 = arith.constant 2 : i32
      %shift_left3A_1266 = vector.broadcast %shift_left3A_1265 : i32 to vector<512xi32>
      %shift_left3A_1267 = arith.shli %add3A_72, %shift_left3A_1266 : vector<512xi32>
      %shift_left3A_1268 = arith.constant 2 : i32
      %shift_left3A_1269 = vector.broadcast %shift_left3A_1268 : i32 to vector<512xi32>
      %shift_left3A_1270 = arith.shli %add3A_74, %shift_left3A_1269 : vector<512xi32>
      %shift_left3A_1271 = arith.constant 2 : i32
      %shift_left3A_1272 = vector.broadcast %shift_left3A_1271 : i32 to vector<512xi32>
      %shift_left3A_1273 = arith.shli %add3A_76, %shift_left3A_1272 : vector<512xi32>
      %mul3A_1274 = arith.constant -1640531535 : i32
      %mul3A_1275 = vector.broadcast %mul3A_1274 : i32 to vector<512xi32>
      %mul3A_1276 = arith.muli %shift_left3A_1270, %mul3A_1275 : vector<512xi32>
      %xor3A_1277 = arith.xori %shift_left3A_1267, %mul3A_1276 : vector<512xi32>
      %mul3A_1278 = arith.constant 805459861 : i32
      %mul3A_1279 = vector.broadcast %mul3A_1278 : i32 to vector<512xi32>
      %mul3A_1280 = arith.muli %shift_left3A_1273, %mul3A_1279 : vector<512xi32>
      %xor3A_1281 = arith.xori %xor3A_1277, %mul3A_1280 : vector<512xi32>
      %and3A_1282 = arith.constant 524287 : i32
      %and3A_1283 = vector.broadcast %and3A_1282 : i32 to vector<512xi32>
      %and3A_1284 = arith.andi %xor3A_1281, %and3A_1283 : vector<512xi32>
      %add3A_1285 = arith.constant 3670016 : i32
      %add3A_1286 = vector.broadcast %add3A_1285 : i32 to vector<512xi32>
      %add3A_1287 = arith.addi %and3A_1284, %add3A_1286 : vector<512xi32>
      %swap3A_1288 = arith.constant 42 : index
      %swap3A_1289 = arith.index_cast %scan3A_62 : i32 to index
      %swap3A_1290 = arith.constant 0 : index
      %swap3A_1291 = vector.load %arg3[%swap3A_1288, %swap3A_1289, %swap3A_1290] : memref<51x8x512xi32, #tpu.memory_space<vmem>>, vector<1x1x512xi32>
      %swap3A_1292 = vector.shape_cast %swap3A_1291 : vector<1x1x512xi32> to vector<512xi32>
      %swap3A_1293 = vector.shape_cast %add3A_1287 : vector<512xi32> to vector<1x1x512xi32>
      tpu.vector_store %arg3[%swap3A_1288, %swap3A_1289, %swap3A_1290], %swap3A_1293 {strides = array<i32>} : memref<51x8x512xi32, #tpu.memory_space<vmem>>, vector<1x1x512xi32>,
      %shift_left3A_1294 = arith.constant 3 : i32
      %shift_left3A_1295 = vector.broadcast %shift_left3A_1294 : i32 to vector<512xi32>
      %shift_left3A_1296 = arith.shli %add3A_72, %shift_left3A_1295 : vector<512xi32>
      %shift_left3A_1297 = arith.constant 3 : i32
      %shift_left3A_1298 = vector.broadcast %shift_left3A_1297 : i32 to vector<512xi32>
      %shift_left3A_1299 = arith.shli %add3A_74, %shift_left3A_1298 : vector<512xi32>
      %shift_left3A_1300 = arith.constant 3 : i32
      %shift_left3A_1301 = vector.broadcast %shift_left3A_1300 : i32 to vector<512xi32>
      %shift_left3A_1302 = arith.shli %add3A_76, %shift_left3A_1301 : vector<512xi32>
      %mul3A_1303 = arith.constant -1640531535 : i32
      %mul3A_1304 = vector.broadcast %mul3A_1303 : i32 to vector<512xi32>
      %mul3A_1305 = arith.muli %shift_left3A_1299, %mul3A_1304 : vector<512xi32>
      %xor3A_1306 = arith.xori %shift_left3A_1296, %mul3A_1305 : vector<512xi32>
      %mul3A_1307 = arith.constant 805459861 : i32
      %mul3A_1308 = vector.broadcast %mul3A_1307 : i32 to vector<512xi32>
      %mul3A_1309 = arith.muli %shift_left3A_1302, %mul3A_1308 : vector<512xi32>
      %xor3A_1310 = arith.xori %xor3A_1306, %mul3A_1309 : vector<512xi32>
      %and3A_1311 = arith.constant 524287 : i32
      %and3A_1312 = vector.broadcast %and3A_1311 : i32 to vector<512xi32>
      %and3A_1313 = arith.andi %xor3A_1310, %and3A_1312 : vector<512xi32>
      %add3A_1314 = arith.constant 4194304 : i32
      %add3A_1315 = vector.broadcast %add3A_1314 : i32 to vector<512xi32>
      %add3A_1316 = arith.addi %and3A_1313, %add3A_1315 : vector<512xi32>
      %swap3A_1317 = arith.constant 43 : index
      %swap3A_1318 = arith.index_cast %scan3A_62 : i32 to index
      %swap3A_1319 = arith.constant 0 : index
      %swap3A_1320 = vector.load %arg3[%swap3A_1317, %swap3A_1318, %swap3A_1319] : memref<51x8x512xi32, #tpu.memory_space<vmem>>, vector<1x1x512xi32>
      %swap3A_1321 = vector.shape_cast %swap3A_1320 : vector<1x1x512xi32> to vector<512xi32>
      %swap3A_1322 = vector.shape_cast %add3A_1316 : vector<512xi32> to vector<1x1x512xi32>
      tpu.vector_store %arg3[%swap3A_1317, %swap3A_1318, %swap3A_1319], %swap3A_1322 {strides = array<i32>} : memref<51x8x512xi32, #tpu.memory_space<vmem>>, vector<1x1x512xi32>,
      %shift_left3A_1323 = arith.constant 4 : i32
      %shift_left3A_1324 = vector.broadcast %shift_left3A_1323 : i32 to vector<512xi32>
      %shift_left3A_1325 = arith.shli %add3A_72, %shift_left3A_1324 : vector<512xi32>
      %shift_left3A_1326 = arith.constant 4 : i32
      %shift_left3A_1327 = vector.broadcast %shift_left3A_1326 : i32 to vector<512xi32>
      %shift_left3A_1328 = arith.shli %add3A_74, %shift_left3A_1327 : vector<512xi32>
      %shift_left3A_1329 = arith.constant 4 : i32
      %shift_left3A_1330 = vector.broadcast %shift_left3A_1329 : i32 to vector<512xi32>
      %shift_left3A_1331 = arith.shli %add3A_76, %shift_left3A_1330 : vector<512xi32>
      %mul3A_1332 = arith.constant -1640531535 : i32
      %mul3A_1333 = vector.broadcast %mul3A_1332 : i32 to vector<512xi32>
      %mul3A_1334 = arith.muli %shift_left3A_1328, %mul3A_1333 : vector<512xi32>
      %xor3A_1335 = arith.xori %shift_left3A_1325, %mul3A_1334 : vector<512xi32>
      %mul3A_1336 = arith.constant 805459861 : i32
      %mul3A_1337 = vector.broadcast %mul3A_1336 : i32 to vector<512xi32>
      %mul3A_1338 = arith.muli %shift_left3A_1331, %mul3A_1337 : vector<512xi32>
      %xor3A_1339 = arith.xori %xor3A_1335, %mul3A_1338 : vector<512xi32>
      %and3A_1340 = arith.constant 524287 : i32
      %and3A_1341 = vector.broadcast %and3A_1340 : i32 to vector<512xi32>
      %and3A_1342 = arith.andi %xor3A_1339, %and3A_1341 : vector<512xi32>
      %add3A_1343 = arith.constant 4718592 : i32
      %add3A_1344 = vector.broadcast %add3A_1343 : i32 to vector<512xi32>
      %add3A_1345 = arith.addi %and3A_1342, %add3A_1344 : vector<512xi32>
      %swap3A_1346 = arith.constant 44 : index
      %swap3A_1347 = arith.index_cast %scan3A_62 : i32 to index
      %swap3A_1348 = arith.constant 0 : index
      %swap3A_1349 = vector.load %arg3[%swap3A_1346, %swap3A_1347, %swap3A_1348] : memref<51x8x512xi32, #tpu.memory_space<vmem>>, vector<1x1x512xi32>
      %swap3A_1350 = vector.shape_cast %swap3A_1349 : vector<1x1x512xi32> to vector<512xi32>
      %swap3A_1351 = vector.shape_cast %add3A_1345 : vector<512xi32> to vector<1x1x512xi32>
      tpu.vector_store %arg3[%swap3A_1346, %swap3A_1347, %swap3A_1348], %swap3A_1351 {strides = array<i32>} : memref<51x8x512xi32, #tpu.memory_space<vmem>>, vector<1x1x512xi32>,
      %shift_left3A_1352 = arith.constant 5 : i32
      %shift_left3A_1353 = vector.broadcast %shift_left3A_1352 : i32 to vector<512xi32>
      %shift_left3A_1354 = arith.shli %add3A_72, %shift_left3A_1353 : vector<512xi32>
      %shift_left3A_1355 = arith.constant 5 : i32
      %shift_left3A_1356 = vector.broadcast %shift_left3A_1355 : i32 to vector<512xi32>
      %shift_left3A_1357 = arith.shli %add3A_74, %shift_left3A_1356 : vector<512xi32>
      %shift_left3A_1358 = arith.constant 5 : i32
      %shift_left3A_1359 = vector.broadcast %shift_left3A_1358 : i32 to vector<512xi32>
      %shift_left3A_1360 = arith.shli %add3A_76, %shift_left3A_1359 : vector<512xi32>
      %mul3A_1361 = arith.constant -1640531535 : i32
      %mul3A_1362 = vector.broadcast %mul3A_1361 : i32 to vector<512xi32>
      %mul3A_1363 = arith.muli %shift_left3A_1357, %mul3A_1362 : vector<512xi32>
      %xor3A_1364 = arith.xori %shift_left3A_1354, %mul3A_1363 : vector<512xi32>
      %mul3A_1365 = arith.constant 805459861 : i32
      %mul3A_1366 = vector.broadcast %mul3A_1365 : i32 to vector<512xi32>
      %mul3A_1367 = arith.muli %shift_left3A_1360, %mul3A_1366 : vector<512xi32>
      %xor3A_1368 = arith.xori %xor3A_1364, %mul3A_1367 : vector<512xi32>
      %and3A_1369 = arith.constant 524287 : i32
      %and3A_1370 = vector.broadcast %and3A_1369 : i32 to vector<512xi32>
      %and3A_1371 = arith.andi %xor3A_1368, %and3A_1370 : vector<512xi32>
      %add3A_1372 = arith.constant 5242880 : i32
      %add3A_1373 = vector.broadcast %add3A_1372 : i32 to vector<512xi32>
      %add3A_1374 = arith.addi %and3A_1371, %add3A_1373 : vector<512xi32>
      %swap3A_1375 = arith.constant 45 : index
      %swap3A_1376 = arith.index_cast %scan3A_62 : i32 to index
      %swap3A_1377 = arith.constant 0 : index
      %swap3A_1378 = vector.load %arg3[%swap3A_1375, %swap3A_1376, %swap3A_1377] : memref<51x8x512xi32, #tpu.memory_space<vmem>>, vector<1x1x512xi32>
      %swap3A_1379 = vector.shape_cast %swap3A_1378 : vector<1x1x512xi32> to vector<512xi32>
      %swap3A_1380 = vector.shape_cast %add3A_1374 : vector<512xi32> to vector<1x1x512xi32>
      tpu.vector_store %arg3[%swap3A_1375, %swap3A_1376, %swap3A_1377], %swap3A_1380 {strides = array<i32>} : memref<51x8x512xi32, #tpu.memory_space<vmem>>, vector<1x1x512xi32>,
      %shift_left3A_1381 = arith.constant 6 : i32
      %shift_left3A_1382 = vector.broadcast %shift_left3A_1381 : i32 to vector<512xi32>
      %shift_left3A_1383 = arith.shli %add3A_72, %shift_left3A_1382 : vector<512xi32>
      %shift_left3A_1384 = arith.constant 6 : i32
      %shift_left3A_1385 = vector.broadcast %shift_left3A_1384 : i32 to vector<512xi32>
      %shift_left3A_1386 = arith.shli %add3A_74, %shift_left3A_1385 : vector<512xi32>
      %shift_left3A_1387 = arith.constant 6 : i32
      %shift_left3A_1388 = vector.broadcast %shift_left3A_1387 : i32 to vector<512xi32>
      %shift_left3A_1389 = arith.shli %add3A_76, %shift_left3A_1388 : vector<512xi32>
      %mul3A_1390 = arith.constant -1640531535 : i32
      %mul3A_1391 = vector.broadcast %mul3A_1390 : i32 to vector<512xi32>
      %mul3A_1392 = arith.muli %shift_left3A_1386, %mul3A_1391 : vector<512xi32>
      %xor3A_1393 = arith.xori %shift_left3A_1383, %mul3A_1392 : vector<512xi32>
      %mul3A_1394 = arith.constant 805459861 : i32
      %mul3A_1395 = vector.broadcast %mul3A_1394 : i32 to vector<512xi32>
      %mul3A_1396 = arith.muli %shift_left3A_1389, %mul3A_1395 : vector<512xi32>
      %xor3A_1397 = arith.xori %xor3A_1393, %mul3A_1396 : vector<512xi32>
      %and3A_1398 = arith.constant 524287 : i32
      %and3A_1399 = vector.broadcast %and3A_1398 : i32 to vector<512xi32>
      %and3A_1400 = arith.andi %xor3A_1397, %and3A_1399 : vector<512xi32>
      %add3A_1401 = arith.constant 5767168 : i32
      %add3A_1402 = vector.broadcast %add3A_1401 : i32 to vector<512xi32>
      %add3A_1403 = arith.addi %and3A_1400, %add3A_1402 : vector<512xi32>
      %swap3A_1404 = arith.constant 46 : index
      %swap3A_1405 = arith.index_cast %scan3A_62 : i32 to index
      %swap3A_1406 = arith.constant 0 : index
      %swap3A_1407 = vector.load %arg3[%swap3A_1404, %swap3A_1405, %swap3A_1406] : memref<51x8x512xi32, #tpu.memory_space<vmem>>, vector<1x1x512xi32>
      %swap3A_1408 = vector.shape_cast %swap3A_1407 : vector<1x1x512xi32> to vector<512xi32>
      %swap3A_1409 = vector.shape_cast %add3A_1403 : vector<512xi32> to vector<1x1x512xi32>
      tpu.vector_store %arg3[%swap3A_1404, %swap3A_1405, %swap3A_1406], %swap3A_1409 {strides = array<i32>} : memref<51x8x512xi32, #tpu.memory_space<vmem>>, vector<1x1x512xi32>,
      %shift_left3A_1410 = arith.constant 7 : i32
      %shift_left3A_1411 = vector.broadcast %shift_left3A_1410 : i32 to vector<512xi32>
      %shift_left3A_1412 = arith.shli %add3A_72, %shift_left3A_1411 : vector<512xi32>
      %shift_left3A_1413 = arith.constant 7 : i32
      %shift_left3A_1414 = vector.broadcast %shift_left3A_1413 : i32 to vector<512xi32>
      %shift_left3A_1415 = arith.shli %add3A_74, %shift_left3A_1414 : vector<512xi32>
      %shift_left3A_1416 = arith.constant 7 : i32
      %shift_left3A_1417 = vector.broadcast %shift_left3A_1416 : i32 to vector<512xi32>
      %shift_left3A_1418 = arith.shli %add3A_76, %shift_left3A_1417 : vector<512xi32>
      %mul3A_1419 = arith.constant -1640531535 : i32
      %mul3A_1420 = vector.broadcast %mul3A_1419 : i32 to vector<512xi32>
      %mul3A_1421 = arith.muli %shift_left3A_1415, %mul3A_1420 : vector<512xi32>
      %xor3A_1422 = arith.xori %shift_left3A_1412, %mul3A_1421 : vector<512xi32>
      %mul3A_1423 = arith.constant 805459861 : i32
      %mul3A_1424 = vector.broadcast %mul3A_1423 : i32 to vector<512xi32>
      %mul3A_1425 = arith.muli %shift_left3A_1418, %mul3A_1424 : vector<512xi32>
      %xor3A_1426 = arith.xori %xor3A_1422, %mul3A_1425 : vector<512xi32>
      %and3A_1427 = arith.constant 524287 : i32
      %and3A_1428 = vector.broadcast %and3A_1427 : i32 to vector<512xi32>
      %and3A_1429 = arith.andi %xor3A_1426, %and3A_1428 : vector<512xi32>
      %add3A_1430 = arith.constant 6291456 : i32
      %add3A_1431 = vector.broadcast %add3A_1430 : i32 to vector<512xi32>
      %add3A_1432 = arith.addi %and3A_1429, %add3A_1431 : vector<512xi32>
      %swap3A_1433 = arith.constant 47 : index
      %swap3A_1434 = arith.index_cast %scan3A_62 : i32 to index
      %swap3A_1435 = arith.constant 0 : index
      %swap3A_1436 = vector.load %arg3[%swap3A_1433, %swap3A_1434, %swap3A_1435] : memref<51x8x512xi32, #tpu.memory_space<vmem>>, vector<1x1x512xi32>
      %swap3A_1437 = vector.shape_cast %swap3A_1436 : vector<1x1x512xi32> to vector<512xi32>
      %swap3A_1438 = vector.shape_cast %add3A_1432 : vector<512xi32> to vector<1x1x512xi32>
      tpu.vector_store %arg3[%swap3A_1433, %swap3A_1434, %swap3A_1435], %swap3A_1438 {strides = array<i32>} : memref<51x8x512xi32, #tpu.memory_space<vmem>>, vector<1x1x512xi32>,
      %shift_left3A_1439 = arith.constant 8 : i32
      %shift_left3A_1440 = vector.broadcast %shift_left3A_1439 : i32 to vector<512xi32>
      %shift_left3A_1441 = arith.shli %add3A_72, %shift_left3A_1440 : vector<512xi32>
      %shift_left3A_1442 = arith.constant 8 : i32
      %shift_left3A_1443 = vector.broadcast %shift_left3A_1442 : i32 to vector<512xi32>
      %shift_left3A_1444 = arith.shli %add3A_74, %shift_left3A_1443 : vector<512xi32>
      %shift_left3A_1445 = arith.constant 8 : i32
      %shift_left3A_1446 = vector.broadcast %shift_left3A_1445 : i32 to vector<512xi32>
      %shift_left3A_1447 = arith.shli %add3A_76, %shift_left3A_1446 : vector<512xi32>
      %mul3A_1448 = arith.constant -1640531535 : i32
      %mul3A_1449 = vector.broadcast %mul3A_1448 : i32 to vector<512xi32>
      %mul3A_1450 = arith.muli %shift_left3A_1444, %mul3A_1449 : vector<512xi32>
      %xor3A_1451 = arith.xori %shift_left3A_1441, %mul3A_1450 : vector<512xi32>
      %mul3A_1452 = arith.constant 805459861 : i32
      %mul3A_1453 = vector.broadcast %mul3A_1452 : i32 to vector<512xi32>
      %mul3A_1454 = arith.muli %shift_left3A_1447, %mul3A_1453 : vector<512xi32>
      %xor3A_1455 = arith.xori %xor3A_1451, %mul3A_1454 : vector<512xi32>
      %and3A_1456 = arith.constant 524287 : i32
      %and3A_1457 = vector.broadcast %and3A_1456 : i32 to vector<512xi32>
      %and3A_1458 = arith.andi %xor3A_1455, %and3A_1457 : vector<512xi32>
      %add3A_1459 = arith.constant 6815744 : i32
      %add3A_1460 = vector.broadcast %add3A_1459 : i32 to vector<512xi32>
      %add3A_1461 = arith.addi %and3A_1458, %add3A_1460 : vector<512xi32>
      %swap3A_1462 = arith.constant 48 : index
      %swap3A_1463 = arith.index_cast %scan3A_62 : i32 to index
      %swap3A_1464 = arith.constant 0 : index
      %swap3A_1465 = vector.load %arg3[%swap3A_1462, %swap3A_1463, %swap3A_1464] : memref<51x8x512xi32, #tpu.memory_space<vmem>>, vector<1x1x512xi32>
      %swap3A_1466 = vector.shape_cast %swap3A_1465 : vector<1x1x512xi32> to vector<512xi32>
      %swap3A_1467 = vector.shape_cast %add3A_1461 : vector<512xi32> to vector<1x1x512xi32>
      tpu.vector_store %arg3[%swap3A_1462, %swap3A_1463, %swap3A_1464], %swap3A_1467 {strides = array<i32>} : memref<51x8x512xi32, #tpu.memory_space<vmem>>, vector<1x1x512xi32>,
      %shift_left3A_1468 = arith.constant 9 : i32
      %shift_left3A_1469 = vector.broadcast %shift_left3A_1468 : i32 to vector<512xi32>
      %shift_left3A_1470 = arith.shli %add3A_72, %shift_left3A_1469 : vector<512xi32>
      %shift_left3A_1471 = arith.constant 9 : i32
      %shift_left3A_1472 = vector.broadcast %shift_left3A_1471 : i32 to vector<512xi32>
      %shift_left3A_1473 = arith.shli %add3A_74, %shift_left3A_1472 : vector<512xi32>
      %shift_left3A_1474 = arith.constant 9 : i32
      %shift_left3A_1475 = vector.broadcast %shift_left3A_1474 : i32 to vector<512xi32>
      %shift_left3A_1476 = arith.shli %add3A_76, %shift_left3A_1475 : vector<512xi32>
      %mul3A_1477 = arith.constant -1640531535 : i32
      %mul3A_1478 = vector.broadcast %mul3A_1477 : i32 to vector<512xi32>
      %mul3A_1479 = arith.muli %shift_left3A_1473, %mul3A_1478 : vector<512xi32>
      %xor3A_1480 = arith.xori %shift_left3A_1470, %mul3A_1479 : vector<512xi32>
      %mul3A_1481 = arith.constant 805459861 : i32
      %mul3A_1482 = vector.broadcast %mul3A_1481 : i32 to vector<512xi32>
      %mul3A_1483 = arith.muli %shift_left3A_1476, %mul3A_1482 : vector<512xi32>
      %xor3A_1484 = arith.xori %xor3A_1480, %mul3A_1483 : vector<512xi32>
      %and3A_1485 = arith.constant 524287 : i32
      %and3A_1486 = vector.broadcast %and3A_1485 : i32 to vector<512xi32>
      %and3A_1487 = arith.andi %xor3A_1484, %and3A_1486 : vector<512xi32>
      %add3A_1488 = arith.constant 7340032 : i32
      %add3A_1489 = vector.broadcast %add3A_1488 : i32 to vector<512xi32>
      %add3A_1490 = arith.addi %and3A_1487, %add3A_1489 : vector<512xi32>
      %swap3A_1491 = arith.constant 49 : index
      %swap3A_1492 = arith.index_cast %scan3A_62 : i32 to index
      %swap3A_1493 = arith.constant 0 : index
      %swap3A_1494 = vector.load %arg3[%swap3A_1491, %swap3A_1492, %swap3A_1493] : memref<51x8x512xi32, #tpu.memory_space<vmem>>, vector<1x1x512xi32>
      %swap3A_1495 = vector.shape_cast %swap3A_1494 : vector<1x1x512xi32> to vector<512xi32>
      %swap3A_1496 = vector.shape_cast %add3A_1490 : vector<512xi32> to vector<1x1x512xi32>
      tpu.vector_store %arg3[%swap3A_1491, %swap3A_1492, %swap3A_1493], %swap3A_1496 {strides = array<i32>} : memref<51x8x512xi32, #tpu.memory_space<vmem>>, vector<1x1x512xi32>,
      %shift_left3A_1497 = arith.constant 10 : i32
      %shift_left3A_1498 = vector.broadcast %shift_left3A_1497 : i32 to vector<512xi32>
      %shift_left3A_1499 = arith.shli %add3A_72, %shift_left3A_1498 : vector<512xi32>
      %shift_left3A_1500 = arith.constant 10 : i32
      %shift_left3A_1501 = vector.broadcast %shift_left3A_1500 : i32 to vector<512xi32>
      %shift_left3A_1502 = arith.shli %add3A_74, %shift_left3A_1501 : vector<512xi32>
      %shift_left3A_1503 = arith.constant 10 : i32
      %shift_left3A_1504 = vector.broadcast %shift_left3A_1503 : i32 to vector<512xi32>
      %shift_left3A_1505 = arith.shli %add3A_76, %shift_left3A_1504 : vector<512xi32>
      %mul3A_1506 = arith.constant -1640531535 : i32
      %mul3A_1507 = vector.broadcast %mul3A_1506 : i32 to vector<512xi32>
      %mul3A_1508 = arith.muli %shift_left3A_1502, %mul3A_1507 : vector<512xi32>
      %xor3A_1509 = arith.xori %shift_left3A_1499, %mul3A_1508 : vector<512xi32>
      %mul3A_1510 = arith.constant 805459861 : i32
      %mul3A_1511 = vector.broadcast %mul3A_1510 : i32 to vector<512xi32>
      %mul3A_1512 = arith.muli %shift_left3A_1505, %mul3A_1511 : vector<512xi32>
      %xor3A_1513 = arith.xori %xor3A_1509, %mul3A_1512 : vector<512xi32>
      %and3A_1514 = arith.constant 524287 : i32
      %and3A_1515 = vector.broadcast %and3A_1514 : i32 to vector<512xi32>
      %and3A_1516 = arith.andi %xor3A_1513, %and3A_1515 : vector<512xi32>
      %add3A_1517 = arith.constant 7864320 : i32
      %add3A_1518 = vector.broadcast %add3A_1517 : i32 to vector<512xi32>
      %add3A_1519 = arith.addi %and3A_1516, %add3A_1518 : vector<512xi32>
      %swap3A_1520 = arith.constant 50 : index
      %swap3A_1521 = arith.index_cast %scan3A_62 : i32 to index
      %swap3A_1522 = arith.constant 0 : index
      %swap3A_1523 = vector.load %arg3[%swap3A_1520, %swap3A_1521, %swap3A_1522] : memref<51x8x512xi32, #tpu.memory_space<vmem>>, vector<1x1x512xi32>
      %swap3A_1524 = vector.shape_cast %swap3A_1523 : vector<1x1x512xi32> to vector<512xi32>
      %swap3A_1525 = vector.shape_cast %add3A_1519 : vector<512xi32> to vector<1x1x512xi32>
      tpu.vector_store %arg3[%swap3A_1520, %swap3A_1521, %swap3A_1522], %swap3A_1525 {strides = array<i32>} : memref<51x8x512xi32, #tpu.memory_space<vmem>>, vector<1x1x512xi32>,
    }
    %scan3A_61 = arith.constant 8 : i32
    return
  }
  func.func @transform_0(%arg0: i32) -> (i32, i32) {
    %c0_i32 = arith.constant 0 : i32
    %c0_i32_0 = arith.constant 0 : i32
    return %arg0, %c0_i32 : i32, i32
  }
  func.func @transform_1(%arg0: i32) -> (i32, i32) {
    %c0_i32 = arith.constant 0 : i32
    %c0_i32_0 = arith.constant 0 : i32
    %c0_i32_1 = arith.constant 0 : i32
    return %c0_i32, %c0_i32_0 : i32, i32
  }
  func.func @transform_2(%arg0: i32) -> (i32, i32, i32) {
    %c0_i32 = arith.constant 0 : i32
    %c0_i32_0 = arith.constant 0 : i32
    %c0_i32_1 = arith.constant 0 : i32
    return %c0_i32, %c0_i32_0, %arg0 : i32, i32, i32
  }
}

module attributes {stable_mosaic.version = 14 : i64} {
  func.func @_mlp_kernel(%arg0: i32, %arg1: memref<512x3xf32, #tpu.memory_space<vmem>>, %arg2: memref<1x1xf32, #tpu.memory_space<vmem>>, %arg3: memref<2x51x8x512xf32, #tpu.memory_space<vmem>>, %arg4: memref<64x32xf32, #tpu.memory_space<vmem>>, %arg5: memref<64x64xf32, #tpu.memory_space<vmem>>, %arg6: memref<8x64xf32, #tpu.memory_space<vmem>>, %arg7: memref<8x512xf32, #tpu.memory_space<vmem>>) attributes {dimension_semantics = [#tpu.dimension_semantics<arbitrary>], iteration_bounds = array<i64: 256>, scalar_prefetch = 0 : i64, scratch_operands = 0 : i64, tpu.core_type = #tpu.core_type<tc>, window_params = [{transform_indices = @transform_0, window_bounds = array<i64: 512, 3>}, {pipeline_mode = #tpu.pipeline_mode<synchronous>, transform_indices = @transform_1, window_bounds = array<i64: 1, 1>}, {transform_indices = @transform_2, window_bounds = array<i64: 2, 51, 8, 512>}, {pipeline_mode = #tpu.pipeline_mode<synchronous>, transform_indices = @transform_3, window_bounds = array<i64: 64, 32>}, {pipeline_mode = #tpu.pipeline_mode<synchronous>, transform_indices = @transform_4, window_bounds = array<i64: 64, 64>}, {pipeline_mode = #tpu.pipeline_mode<synchronous>, transform_indices = @transform_5, window_bounds = array<i64: 8, 64>}, {transform_indices = @transform_6, window_bounds = array<i64: 8, 512>}]} {
    %get3A = arith.constant 0 : index
    %get3A_0 = arith.constant 0 : index
    %get3A_1 = vector.load %arg2[%get3A, %get3A_0] : memref<1x1xf32, #tpu.memory_space<vmem>>, vector<1x1xf32>
    %get3A_2 = vector.extract %get3A_1[0, 0] : f32 from vector<1x1xf32>
    %get3A_3 = arith.constant 0 : index
    %get3A_4 = arith.constant 0 : index
    %get3A_5 = vector.load %arg1[%get3A_3, %get3A_4] : memref<512x3xf32, #tpu.memory_space<vmem>>, vector<512x1xf32>
    %get3A_6 = vector.shape_cast %get3A_5 : vector<512x1xf32> to vector<512xf32>
    %add3A = vector.broadcast %get3A_2 : f32 to vector<512xf32>
    %add3A_7 = arith.addf %get3A_6, %add3A : vector<512xf32>
    %mul3A = arith.constant 2.000000e+00 : f32
    %mul3A_8 = arith.mulf %mul3A, %get3A_2 : f32
    %div3A = vector.broadcast %mul3A_8 : f32 to vector<512xf32>
    %div3A_9 = arith.divf %add3A_7, %div3A : vector<512xf32>
    %mul3A_10 = arith.constant 5.120000e+02 : f32
    %mul3A_11 = vector.broadcast %mul3A_10 : f32 to vector<512xf32>
    %mul3A_12 = arith.mulf %div3A_9, %mul3A_11 : vector<512xf32>
    %floor3A = math.floor %mul3A_12 : vector<512xf32>
    %jit3A = arith.constant 0.000000e+00 : f32
    %jit3A_13 = arith.constant 5.110000e+02 : f32
    %max3A = vector.broadcast %jit3A : f32 to vector<512xf32>
    %max3A_14 = arith.maximumf %max3A, %floor3A : vector<512xf32>
    %min3A = vector.broadcast %jit3A_13 : f32 to vector<512xf32>
    %min3A_15 = arith.minimumf %min3A, %max3A_14 : vector<512xf32>
    %convert_element_type3A = arith.fptosi %min3A_15 : vector<512xf32> to vector<512xi32>
    %get3A_16 = arith.constant 0 : index
    %get3A_17 = arith.constant 1 : index
    %get3A_18 = vector.load %arg1[%get3A_16, %get3A_17] : memref<512x3xf32, #tpu.memory_space<vmem>>, vector<512x1xf32>
    %get3A_19 = vector.shape_cast %get3A_18 : vector<512x1xf32> to vector<512xf32>
    %add3A_20 = vector.broadcast %get3A_2 : f32 to vector<512xf32>
    %add3A_21 = arith.addf %get3A_19, %add3A_20 : vector<512xf32>
    %mul3A_22 = arith.constant 2.000000e+00 : f32
    %mul3A_23 = arith.mulf %mul3A_22, %get3A_2 : f32
    %div3A_24 = vector.broadcast %mul3A_23 : f32 to vector<512xf32>
    %div3A_25 = arith.divf %add3A_21, %div3A_24 : vector<512xf32>
    %mul3A_26 = arith.constant 5.120000e+02 : f32
    %mul3A_27 = vector.broadcast %mul3A_26 : f32 to vector<512xf32>
    %mul3A_28 = arith.mulf %div3A_25, %mul3A_27 : vector<512xf32>
    %floor3A_29 = math.floor %mul3A_28 : vector<512xf32>
    %jit3A_30 = arith.constant 0.000000e+00 : f32
    %jit3A_31 = arith.constant 5.110000e+02 : f32
    %max3A_32 = vector.broadcast %jit3A_30 : f32 to vector<512xf32>
    %max3A_33 = arith.maximumf %max3A_32, %floor3A_29 : vector<512xf32>
    %min3A_34 = vector.broadcast %jit3A_31 : f32 to vector<512xf32>
    %min3A_35 = arith.minimumf %min3A_34, %max3A_33 : vector<512xf32>
    %convert_element_type3A_36 = arith.fptosi %min3A_35 : vector<512xf32> to vector<512xi32>
    %get3A_37 = arith.constant 0 : index
    %get3A_38 = arith.constant 2 : index
    %get3A_39 = vector.load %arg1[%get3A_37, %get3A_38] : memref<512x3xf32, #tpu.memory_space<vmem>>, vector<512x1xf32>
    %get3A_40 = vector.shape_cast %get3A_39 : vector<512x1xf32> to vector<512xf32>
    %add3A_41 = vector.broadcast %get3A_2 : f32 to vector<512xf32>
    %add3A_42 = arith.addf %get3A_40, %add3A_41 : vector<512xf32>
    %mul3A_43 = arith.constant 2.000000e+00 : f32
    %mul3A_44 = arith.mulf %mul3A_43, %get3A_2 : f32
    %div3A_45 = vector.broadcast %mul3A_44 : f32 to vector<512xf32>
    %div3A_46 = arith.divf %add3A_42, %div3A_45 : vector<512xf32>
    %mul3A_47 = arith.constant 5.120000e+02 : f32
    %mul3A_48 = vector.broadcast %mul3A_47 : f32 to vector<512xf32>
    %mul3A_49 = arith.mulf %div3A_46, %mul3A_48 : vector<512xf32>
    %floor3A_50 = math.floor %mul3A_49 : vector<512xf32>
    %jit3A_51 = arith.constant 0.000000e+00 : f32
    %jit3A_52 = arith.constant 5.110000e+02 : f32
    %max3A_53 = vector.broadcast %jit3A_51 : f32 to vector<512xf32>
    %max3A_54 = arith.maximumf %max3A_53, %floor3A_50 : vector<512xf32>
    %min3A_55 = vector.broadcast %jit3A_52 : f32 to vector<512xf32>
    %min3A_56 = arith.minimumf %min3A_55, %max3A_54 : vector<512xf32>
    %convert_element_type3A_57 = arith.fptosi %min3A_56 : vector<512xf32> to vector<512xi32>
    %convert_element_type3A_58 = arith.sitofp %convert_element_type3A : vector<512xi32> to vector<512xf32>
    %sub3A = arith.subf %mul3A_12, %convert_element_type3A_58 : vector<512xf32>
    %convert_element_type3A_59 = arith.sitofp %convert_element_type3A_36 : vector<512xi32> to vector<512xf32>
    %sub3A_60 = arith.subf %mul3A_28, %convert_element_type3A_59 : vector<512xf32>
    %convert_element_type3A_61 = arith.sitofp %convert_element_type3A_57 : vector<512xi32> to vector<512xf32>
    %sub3A_62 = arith.subf %mul3A_49, %convert_element_type3A_61 : vector<512xf32>
    %get3A_63 = arith.constant 0 : index
    %get3A_64 = arith.constant 0 : index
    %get3A_65 = vector.load %arg4[%get3A_63, %get3A_64] : memref<64x32xf32, #tpu.memory_space<vmem>>, vector<64x32xf32>
    %get3A_66 = arith.constant 0 : index
    %get3A_67 = arith.constant 0 : index
    %get3A_68 = vector.load %arg5[%get3A_66, %get3A_67] : memref<64x64xf32, #tpu.memory_space<vmem>>, vector<64x64xf32>
    %get3A_69 = arith.constant 0 : index
    %get3A_70 = arith.constant 0 : index
    %get3A_71 = vector.load %arg6[%get3A_69, %get3A_70] : memref<8x64xf32, #tpu.memory_space<vmem>>, vector<8x64xf32>
    %broadcast_in_dim3A = arith.constant 0.000000e+00 : f32
    %broadcast_in_dim3A_72 = vector.broadcast %broadcast_in_dim3A : f32 to vector<8x512xf32>
    %scan3A = arith.constant 0 : i32
    %scan3A_73 = arith.constant 8 : i32
    %scan3A_74 = arith.addi %scan3A, %scan3A_73 : i32
    %scan3A_75 = arith.constant 1 : i32
    %scan3A_76 = scf.for %scan3A_80 = %scan3A to %scan3A_74 step %scan3A_75 iter_args(%scan3A_81 = %broadcast_in_dim3A_72) -> (vector<8x512xf32>)  : i32 {
      %shift_right_arithmetic3A = arith.constant 2 : i32
      %shift_right_arithmetic3A_82 = arith.shrsi %scan3A_80, %shift_right_arithmetic3A : i32
      %and3A = arith.constant 1 : i32
      %and3A_83 = arith.andi %shift_right_arithmetic3A_82, %and3A : i32
      %shift_right_arithmetic3A_84 = arith.constant 1 : i32
      %shift_right_arithmetic3A_85 = arith.shrsi %scan3A_80, %shift_right_arithmetic3A_84 : i32
      %and3A_86 = arith.constant 1 : i32
      %and3A_87 = arith.andi %shift_right_arithmetic3A_85, %and3A_86 : i32
      %and3A_88 = arith.constant 1 : i32
      %and3A_89 = arith.andi %scan3A_80, %and3A_88 : i32
      %convert_element_type3A_90 = arith.sitofp %and3A_83 : i32 to f32
      %convert_element_type3A_91 = arith.sitofp %and3A_87 : i32 to f32
      %convert_element_type3A_92 = arith.sitofp %and3A_89 : i32 to f32
      %add3A_93 = vector.broadcast %and3A_83 : i32 to vector<512xi32>
      %add3A_94 = arith.addi %convert_element_type3A, %add3A_93 : vector<512xi32>
      %convert_element_type3A_95 = arith.sitofp %add3A_94 : vector<512xi32> to vector<512xf32>
      %add3A_96 = vector.broadcast %and3A_87 : i32 to vector<512xi32>
      %add3A_97 = arith.addi %convert_element_type3A_36, %add3A_96 : vector<512xi32>
      %convert_element_type3A_98 = arith.sitofp %add3A_97 : vector<512xi32> to vector<512xf32>
      %add3A_99 = vector.broadcast %and3A_89 : i32 to vector<512xi32>
      %add3A_100 = arith.addi %convert_element_type3A_57, %add3A_99 : vector<512xi32>
      %convert_element_type3A_101 = arith.sitofp %add3A_100 : vector<512xi32> to vector<512xf32>
      %mul3A_102 = arith.constant 3.125000e-02 : f32
      %mul3A_103 = vector.broadcast %mul3A_102 : f32 to vector<512xf32>
      %mul3A_104 = arith.mulf %convert_element_type3A_95, %mul3A_103 : vector<512xf32>
      %floor3A_105 = math.floor %mul3A_104 : vector<512xf32>
      %sub3A_106 = arith.subf %mul3A_104, %floor3A_105 : vector<512xf32>
      %mul3A_107 = arith.constant 3.125000e-02 : f32
      %mul3A_108 = vector.broadcast %mul3A_107 : f32 to vector<512xf32>
      %mul3A_109 = arith.mulf %convert_element_type3A_98, %mul3A_108 : vector<512xf32>
      %floor3A_110 = math.floor %mul3A_109 : vector<512xf32>
      %sub3A_111 = arith.subf %mul3A_109, %floor3A_110 : vector<512xf32>
      %mul3A_112 = arith.constant 3.125000e-02 : f32
      %mul3A_113 = vector.broadcast %mul3A_112 : f32 to vector<512xf32>
      %mul3A_114 = arith.mulf %convert_element_type3A_101, %mul3A_113 : vector<512xf32>
      %floor3A_115 = math.floor %mul3A_114 : vector<512xf32>
      %sub3A_116 = arith.subf %mul3A_114, %floor3A_115 : vector<512xf32>
      %broadcast_in_dim3A_117 = arith.constant 0.000000e+00 : f32
      %broadcast_in_dim3A_118 = vector.broadcast %broadcast_in_dim3A_117 : f32 to vector<512xf32>
      %broadcast_in_dim3A_119 = arith.constant 0.000000e+00 : f32
      %broadcast_in_dim3A_120 = vector.broadcast %broadcast_in_dim3A_119 : f32 to vector<512xf32>
      %sub3A_121 = arith.constant 1.000000e+00 : f32
      %sub3A_122 = vector.broadcast %sub3A_121 : f32 to vector<512xf32>
      %sub3A_123 = arith.subf %sub3A_122, %sub3A_106 : vector<512xf32>
      %sub3A_124 = arith.constant 1.000000e+00 : f32
      %sub3A_125 = vector.broadcast %sub3A_124 : f32 to vector<512xf32>
      %sub3A_126 = arith.subf %sub3A_125, %sub3A_111 : vector<512xf32>
      %sub3A_127 = arith.constant 1.000000e+00 : f32
      %sub3A_128 = vector.broadcast %sub3A_127 : f32 to vector<512xf32>
      %sub3A_129 = arith.subf %sub3A_128, %sub3A_116 : vector<512xf32>
      %mul3A_130 = arith.mulf %sub3A_123, %sub3A_126 : vector<512xf32>
      %mul3A_131 = arith.mulf %mul3A_130, %sub3A_129 : vector<512xf32>
      %get3A_132 = arith.constant 0 : index
      %get3A_133 = arith.constant 0 : index
      %get3A_134 = arith.index_cast %scan3A_80 : i32 to index
      %get3A_135 = arith.constant 0 : index
      %get3A_136 = vector.load %arg3[%get3A_132, %get3A_133, %get3A_134, %get3A_135] : memref<2x51x8x512xf32, #tpu.memory_space<vmem>>, vector<1x1x1x512xf32>
      %get3A_137 = vector.shape_cast %get3A_136 : vector<1x1x1x512xf32> to vector<512xf32>
      %mul3A_138 = arith.mulf %mul3A_131, %get3A_137 : vector<512xf32>
      %add3A_139 = arith.addf %broadcast_in_dim3A_118, %mul3A_138 : vector<512xf32>
      %get3A_140 = arith.constant 1 : index
      %get3A_141 = arith.constant 0 : index
      %get3A_142 = arith.index_cast %scan3A_80 : i32 to index
      %get3A_143 = arith.constant 0 : index
      %get3A_144 = vector.load %arg3[%get3A_140, %get3A_141, %get3A_142, %get3A_143] : memref<2x51x8x512xf32, #tpu.memory_space<vmem>>, vector<1x1x1x512xf32>
      %get3A_145 = vector.shape_cast %get3A_144 : vector<1x1x1x512xf32> to vector<512xf32>
      %mul3A_146 = arith.mulf %mul3A_131, %get3A_145 : vector<512xf32>
      %add3A_147 = arith.addf %broadcast_in_dim3A_120, %mul3A_146 : vector<512xf32>
      %sub3A_148 = arith.constant 1.000000e+00 : f32
      %sub3A_149 = vector.broadcast %sub3A_148 : f32 to vector<512xf32>
      %sub3A_150 = arith.subf %sub3A_149, %sub3A_106 : vector<512xf32>
      %sub3A_151 = arith.constant 1.000000e+00 : f32
      %sub3A_152 = vector.broadcast %sub3A_151 : f32 to vector<512xf32>
      %sub3A_153 = arith.subf %sub3A_152, %sub3A_111 : vector<512xf32>
      %mul3A_154 = arith.mulf %sub3A_150, %sub3A_153 : vector<512xf32>
      %mul3A_155 = arith.mulf %mul3A_154, %sub3A_116 : vector<512xf32>
      %get3A_156 = arith.constant 0 : index
      %get3A_157 = arith.constant 1 : index
      %get3A_158 = arith.index_cast %scan3A_80 : i32 to index
      %get3A_159 = arith.constant 0 : index
      %get3A_160 = vector.load %arg3[%get3A_156, %get3A_157, %get3A_158, %get3A_159] : memref<2x51x8x512xf32, #tpu.memory_space<vmem>>, vector<1x1x1x512xf32>
      %get3A_161 = vector.shape_cast %get3A_160 : vector<1x1x1x512xf32> to vector<512xf32>
      %mul3A_162 = arith.mulf %mul3A_155, %get3A_161 : vector<512xf32>
      %add3A_163 = arith.addf %add3A_139, %mul3A_162 : vector<512xf32>
      %get3A_164 = arith.constant 1 : index
      %get3A_165 = arith.constant 1 : index
      %get3A_166 = arith.index_cast %scan3A_80 : i32 to index
      %get3A_167 = arith.constant 0 : index
      %get3A_168 = vector.load %arg3[%get3A_164, %get3A_165, %get3A_166, %get3A_167] : memref<2x51x8x512xf32, #tpu.memory_space<vmem>>, vector<1x1x1x512xf32>
      %get3A_169 = vector.shape_cast %get3A_168 : vector<1x1x1x512xf32> to vector<512xf32>
      %mul3A_170 = arith.mulf %mul3A_155, %get3A_169 : vector<512xf32>
      %add3A_171 = arith.addf %add3A_147, %mul3A_170 : vector<512xf32>
      %sub3A_172 = arith.constant 1.000000e+00 : f32
      %sub3A_173 = vector.broadcast %sub3A_172 : f32 to vector<512xf32>
      %sub3A_174 = arith.subf %sub3A_173, %sub3A_106 : vector<512xf32>
      %sub3A_175 = arith.constant 1.000000e+00 : f32
      %sub3A_176 = vector.broadcast %sub3A_175 : f32 to vector<512xf32>
      %sub3A_177 = arith.subf %sub3A_176, %sub3A_116 : vector<512xf32>
      %mul3A_178 = arith.mulf %sub3A_174, %sub3A_111 : vector<512xf32>
      %mul3A_179 = arith.mulf %mul3A_178, %sub3A_177 : vector<512xf32>
      %get3A_180 = arith.constant 0 : index
      %get3A_181 = arith.constant 2 : index
      %get3A_182 = arith.index_cast %scan3A_80 : i32 to index
      %get3A_183 = arith.constant 0 : index
      %get3A_184 = vector.load %arg3[%get3A_180, %get3A_181, %get3A_182, %get3A_183] : memref<2x51x8x512xf32, #tpu.memory_space<vmem>>, vector<1x1x1x512xf32>
      %get3A_185 = vector.shape_cast %get3A_184 : vector<1x1x1x512xf32> to vector<512xf32>
      %mul3A_186 = arith.mulf %mul3A_179, %get3A_185 : vector<512xf32>
      %add3A_187 = arith.addf %add3A_163, %mul3A_186 : vector<512xf32>
      %get3A_188 = arith.constant 1 : index
      %get3A_189 = arith.constant 2 : index
      %get3A_190 = arith.index_cast %scan3A_80 : i32 to index
      %get3A_191 = arith.constant 0 : index
      %get3A_192 = vector.load %arg3[%get3A_188, %get3A_189, %get3A_190, %get3A_191] : memref<2x51x8x512xf32, #tpu.memory_space<vmem>>, vector<1x1x1x512xf32>
      %get3A_193 = vector.shape_cast %get3A_192 : vector<1x1x1x512xf32> to vector<512xf32>
      %mul3A_194 = arith.mulf %mul3A_179, %get3A_193 : vector<512xf32>
      %add3A_195 = arith.addf %add3A_171, %mul3A_194 : vector<512xf32>
      %sub3A_196 = arith.constant 1.000000e+00 : f32
      %sub3A_197 = vector.broadcast %sub3A_196 : f32 to vector<512xf32>
      %sub3A_198 = arith.subf %sub3A_197, %sub3A_106 : vector<512xf32>
      %mul3A_199 = arith.mulf %sub3A_198, %sub3A_111 : vector<512xf32>
      %mul3A_200 = arith.mulf %mul3A_199, %sub3A_116 : vector<512xf32>
      %get3A_201 = arith.constant 0 : index
      %get3A_202 = arith.constant 3 : index
      %get3A_203 = arith.index_cast %scan3A_80 : i32 to index
      %get3A_204 = arith.constant 0 : index
      %get3A_205 = vector.load %arg3[%get3A_201, %get3A_202, %get3A_203, %get3A_204] : memref<2x51x8x512xf32, #tpu.memory_space<vmem>>, vector<1x1x1x512xf32>
      %get3A_206 = vector.shape_cast %get3A_205 : vector<1x1x1x512xf32> to vector<512xf32>
      %mul3A_207 = arith.mulf %mul3A_200, %get3A_206 : vector<512xf32>
      %add3A_208 = arith.addf %add3A_187, %mul3A_207 : vector<512xf32>
      %get3A_209 = arith.constant 1 : index
      %get3A_210 = arith.constant 3 : index
      %get3A_211 = arith.index_cast %scan3A_80 : i32 to index
      %get3A_212 = arith.constant 0 : index
      %get3A_213 = vector.load %arg3[%get3A_209, %get3A_210, %get3A_211, %get3A_212] : memref<2x51x8x512xf32, #tpu.memory_space<vmem>>, vector<1x1x1x512xf32>
      %get3A_214 = vector.shape_cast %get3A_213 : vector<1x1x1x512xf32> to vector<512xf32>
      %mul3A_215 = arith.mulf %mul3A_200, %get3A_214 : vector<512xf32>
      %add3A_216 = arith.addf %add3A_195, %mul3A_215 : vector<512xf32>
      %sub3A_217 = arith.constant 1.000000e+00 : f32
      %sub3A_218 = vector.broadcast %sub3A_217 : f32 to vector<512xf32>
      %sub3A_219 = arith.subf %sub3A_218, %sub3A_111 : vector<512xf32>
      %sub3A_220 = arith.constant 1.000000e+00 : f32
      %sub3A_221 = vector.broadcast %sub3A_220 : f32 to vector<512xf32>
      %sub3A_222 = arith.subf %sub3A_221, %sub3A_116 : vector<512xf32>
      %mul3A_223 = arith.mulf %sub3A_106, %sub3A_219 : vector<512xf32>
      %mul3A_224 = arith.mulf %mul3A_223, %sub3A_222 : vector<512xf32>
      %get3A_225 = arith.constant 0 : index
      %get3A_226 = arith.constant 4 : index
      %get3A_227 = arith.index_cast %scan3A_80 : i32 to index
      %get3A_228 = arith.constant 0 : index
      %get3A_229 = vector.load %arg3[%get3A_225, %get3A_226, %get3A_227, %get3A_228] : memref<2x51x8x512xf32, #tpu.memory_space<vmem>>, vector<1x1x1x512xf32>
      %get3A_230 = vector.shape_cast %get3A_229 : vector<1x1x1x512xf32> to vector<512xf32>
      %mul3A_231 = arith.mulf %mul3A_224, %get3A_230 : vector<512xf32>
      %add3A_232 = arith.addf %add3A_208, %mul3A_231 : vector<512xf32>
      %get3A_233 = arith.constant 1 : index
      %get3A_234 = arith.constant 4 : index
      %get3A_235 = arith.index_cast %scan3A_80 : i32 to index
      %get3A_236 = arith.constant 0 : index
      %get3A_237 = vector.load %arg3[%get3A_233, %get3A_234, %get3A_235, %get3A_236] : memref<2x51x8x512xf32, #tpu.memory_space<vmem>>, vector<1x1x1x512xf32>
      %get3A_238 = vector.shape_cast %get3A_237 : vector<1x1x1x512xf32> to vector<512xf32>
      %mul3A_239 = arith.mulf %mul3A_224, %get3A_238 : vector<512xf32>
      %add3A_240 = arith.addf %add3A_216, %mul3A_239 : vector<512xf32>
      %sub3A_241 = arith.constant 1.000000e+00 : f32
      %sub3A_242 = vector.broadcast %sub3A_241 : f32 to vector<512xf32>
      %sub3A_243 = arith.subf %sub3A_242, %sub3A_111 : vector<512xf32>
      %mul3A_244 = arith.mulf %sub3A_106, %sub3A_243 : vector<512xf32>
      %mul3A_245 = arith.mulf %mul3A_244, %sub3A_116 : vector<512xf32>
      %get3A_246 = arith.constant 0 : index
      %get3A_247 = arith.constant 5 : index
      %get3A_248 = arith.index_cast %scan3A_80 : i32 to index
      %get3A_249 = arith.constant 0 : index
      %get3A_250 = vector.load %arg3[%get3A_246, %get3A_247, %get3A_248, %get3A_249] : memref<2x51x8x512xf32, #tpu.memory_space<vmem>>, vector<1x1x1x512xf32>
      %get3A_251 = vector.shape_cast %get3A_250 : vector<1x1x1x512xf32> to vector<512xf32>
      %mul3A_252 = arith.mulf %mul3A_245, %get3A_251 : vector<512xf32>
      %add3A_253 = arith.addf %add3A_232, %mul3A_252 : vector<512xf32>
      %get3A_254 = arith.constant 1 : index
      %get3A_255 = arith.constant 5 : index
      %get3A_256 = arith.index_cast %scan3A_80 : i32 to index
      %get3A_257 = arith.constant 0 : index
      %get3A_258 = vector.load %arg3[%get3A_254, %get3A_255, %get3A_256, %get3A_257] : memref<2x51x8x512xf32, #tpu.memory_space<vmem>>, vector<1x1x1x512xf32>
      %get3A_259 = vector.shape_cast %get3A_258 : vector<1x1x1x512xf32> to vector<512xf32>
      %mul3A_260 = arith.mulf %mul3A_245, %get3A_259 : vector<512xf32>
      %add3A_261 = arith.addf %add3A_240, %mul3A_260 : vector<512xf32>
      %sub3A_262 = arith.constant 1.000000e+00 : f32
      %sub3A_263 = vector.broadcast %sub3A_262 : f32 to vector<512xf32>
      %sub3A_264 = arith.subf %sub3A_263, %sub3A_116 : vector<512xf32>
      %mul3A_265 = arith.mulf %sub3A_106, %sub3A_111 : vector<512xf32>
      %mul3A_266 = arith.mulf %mul3A_265, %sub3A_264 : vector<512xf32>
      %get3A_267 = arith.constant 0 : index
      %get3A_268 = arith.constant 6 : index
      %get3A_269 = arith.index_cast %scan3A_80 : i32 to index
      %get3A_270 = arith.constant 0 : index
      %get3A_271 = vector.load %arg3[%get3A_267, %get3A_268, %get3A_269, %get3A_270] : memref<2x51x8x512xf32, #tpu.memory_space<vmem>>, vector<1x1x1x512xf32>
      %get3A_272 = vector.shape_cast %get3A_271 : vector<1x1x1x512xf32> to vector<512xf32>
      %mul3A_273 = arith.mulf %mul3A_266, %get3A_272 : vector<512xf32>
      %add3A_274 = arith.addf %add3A_253, %mul3A_273 : vector<512xf32>
      %get3A_275 = arith.constant 1 : index
      %get3A_276 = arith.constant 6 : index
      %get3A_277 = arith.index_cast %scan3A_80 : i32 to index
      %get3A_278 = arith.constant 0 : index
      %get3A_279 = vector.load %arg3[%get3A_275, %get3A_276, %get3A_277, %get3A_278] : memref<2x51x8x512xf32, #tpu.memory_space<vmem>>, vector<1x1x1x512xf32>
      %get3A_280 = vector.shape_cast %get3A_279 : vector<1x1x1x512xf32> to vector<512xf32>
      %mul3A_281 = arith.mulf %mul3A_266, %get3A_280 : vector<512xf32>
      %add3A_282 = arith.addf %add3A_261, %mul3A_281 : vector<512xf32>
      %mul3A_283 = arith.mulf %sub3A_106, %sub3A_111 : vector<512xf32>
      %mul3A_284 = arith.mulf %mul3A_283, %sub3A_116 : vector<512xf32>
      %get3A_285 = arith.constant 0 : index
      %get3A_286 = arith.constant 7 : index
      %get3A_287 = arith.index_cast %scan3A_80 : i32 to index
      %get3A_288 = arith.constant 0 : index
      %get3A_289 = vector.load %arg3[%get3A_285, %get3A_286, %get3A_287, %get3A_288] : memref<2x51x8x512xf32, #tpu.memory_space<vmem>>, vector<1x1x1x512xf32>
      %get3A_290 = vector.shape_cast %get3A_289 : vector<1x1x1x512xf32> to vector<512xf32>
      %mul3A_291 = arith.mulf %mul3A_284, %get3A_290 : vector<512xf32>
      %add3A_292 = arith.addf %add3A_274, %mul3A_291 : vector<512xf32>
      %get3A_293 = arith.constant 1 : index
      %get3A_294 = arith.constant 7 : index
      %get3A_295 = arith.index_cast %scan3A_80 : i32 to index
      %get3A_296 = arith.constant 0 : index
      %get3A_297 = vector.load %arg3[%get3A_293, %get3A_294, %get3A_295, %get3A_296] : memref<2x51x8x512xf32, #tpu.memory_space<vmem>>, vector<1x1x1x512xf32>
      %get3A_298 = vector.shape_cast %get3A_297 : vector<1x1x1x512xf32> to vector<512xf32>
      %mul3A_299 = arith.mulf %mul3A_284, %get3A_298 : vector<512xf32>
      %add3A_300 = arith.addf %add3A_282, %mul3A_299 : vector<512xf32>
      %mul3A_301 = arith.constant 6.250000e-02 : f32
      %mul3A_302 = vector.broadcast %mul3A_301 : f32 to vector<512xf32>
      %mul3A_303 = arith.mulf %convert_element_type3A_95, %mul3A_302 : vector<512xf32>
      %floor3A_304 = math.floor %mul3A_303 : vector<512xf32>
      %sub3A_305 = arith.subf %mul3A_303, %floor3A_304 : vector<512xf32>
      %mul3A_306 = arith.constant 6.250000e-02 : f32
      %mul3A_307 = vector.broadcast %mul3A_306 : f32 to vector<512xf32>
      %mul3A_308 = arith.mulf %convert_element_type3A_98, %mul3A_307 : vector<512xf32>
      %floor3A_309 = math.floor %mul3A_308 : vector<512xf32>
      %sub3A_310 = arith.subf %mul3A_308, %floor3A_309 : vector<512xf32>
      %mul3A_311 = arith.constant 6.250000e-02 : f32
      %mul3A_312 = vector.broadcast %mul3A_311 : f32 to vector<512xf32>
      %mul3A_313 = arith.mulf %convert_element_type3A_101, %mul3A_312 : vector<512xf32>
      %floor3A_314 = math.floor %mul3A_313 : vector<512xf32>
      %sub3A_315 = arith.subf %mul3A_313, %floor3A_314 : vector<512xf32>
      %broadcast_in_dim3A_316 = arith.constant 0.000000e+00 : f32
      %broadcast_in_dim3A_317 = vector.broadcast %broadcast_in_dim3A_316 : f32 to vector<512xf32>
      %broadcast_in_dim3A_318 = arith.constant 0.000000e+00 : f32
      %broadcast_in_dim3A_319 = vector.broadcast %broadcast_in_dim3A_318 : f32 to vector<512xf32>
      %sub3A_320 = arith.constant 1.000000e+00 : f32
      %sub3A_321 = vector.broadcast %sub3A_320 : f32 to vector<512xf32>
      %sub3A_322 = arith.subf %sub3A_321, %sub3A_305 : vector<512xf32>
      %sub3A_323 = arith.constant 1.000000e+00 : f32
      %sub3A_324 = vector.broadcast %sub3A_323 : f32 to vector<512xf32>
      %sub3A_325 = arith.subf %sub3A_324, %sub3A_310 : vector<512xf32>
      %sub3A_326 = arith.constant 1.000000e+00 : f32
      %sub3A_327 = vector.broadcast %sub3A_326 : f32 to vector<512xf32>
      %sub3A_328 = arith.subf %sub3A_327, %sub3A_315 : vector<512xf32>
      %mul3A_329 = arith.mulf %sub3A_322, %sub3A_325 : vector<512xf32>
      %mul3A_330 = arith.mulf %mul3A_329, %sub3A_328 : vector<512xf32>
      %get3A_331 = arith.constant 0 : index
      %get3A_332 = arith.constant 8 : index
      %get3A_333 = arith.index_cast %scan3A_80 : i32 to index
      %get3A_334 = arith.constant 0 : index
      %get3A_335 = vector.load %arg3[%get3A_331, %get3A_332, %get3A_333, %get3A_334] : memref<2x51x8x512xf32, #tpu.memory_space<vmem>>, vector<1x1x1x512xf32>
      %get3A_336 = vector.shape_cast %get3A_335 : vector<1x1x1x512xf32> to vector<512xf32>
      %mul3A_337 = arith.mulf %mul3A_330, %get3A_336 : vector<512xf32>
      %add3A_338 = arith.addf %broadcast_in_dim3A_317, %mul3A_337 : vector<512xf32>
      %get3A_339 = arith.constant 1 : index
      %get3A_340 = arith.constant 8 : index
      %get3A_341 = arith.index_cast %scan3A_80 : i32 to index
      %get3A_342 = arith.constant 0 : index
      %get3A_343 = vector.load %arg3[%get3A_339, %get3A_340, %get3A_341, %get3A_342] : memref<2x51x8x512xf32, #tpu.memory_space<vmem>>, vector<1x1x1x512xf32>
      %get3A_344 = vector.shape_cast %get3A_343 : vector<1x1x1x512xf32> to vector<512xf32>
      %mul3A_345 = arith.mulf %mul3A_330, %get3A_344 : vector<512xf32>
      %add3A_346 = arith.addf %broadcast_in_dim3A_319, %mul3A_345 : vector<512xf32>
      %sub3A_347 = arith.constant 1.000000e+00 : f32
      %sub3A_348 = vector.broadcast %sub3A_347 : f32 to vector<512xf32>
      %sub3A_349 = arith.subf %sub3A_348, %sub3A_305 : vector<512xf32>
      %sub3A_350 = arith.constant 1.000000e+00 : f32
      %sub3A_351 = vector.broadcast %sub3A_350 : f32 to vector<512xf32>
      %sub3A_352 = arith.subf %sub3A_351, %sub3A_310 : vector<512xf32>
      %mul3A_353 = arith.mulf %sub3A_349, %sub3A_352 : vector<512xf32>
      %mul3A_354 = arith.mulf %mul3A_353, %sub3A_315 : vector<512xf32>
      %get3A_355 = arith.constant 0 : index
      %get3A_356 = arith.constant 9 : index
      %get3A_357 = arith.index_cast %scan3A_80 : i32 to index
      %get3A_358 = arith.constant 0 : index
      %get3A_359 = vector.load %arg3[%get3A_355, %get3A_356, %get3A_357, %get3A_358] : memref<2x51x8x512xf32, #tpu.memory_space<vmem>>, vector<1x1x1x512xf32>
      %get3A_360 = vector.shape_cast %get3A_359 : vector<1x1x1x512xf32> to vector<512xf32>
      %mul3A_361 = arith.mulf %mul3A_354, %get3A_360 : vector<512xf32>
      %add3A_362 = arith.addf %add3A_338, %mul3A_361 : vector<512xf32>
      %get3A_363 = arith.constant 1 : index
      %get3A_364 = arith.constant 9 : index
      %get3A_365 = arith.index_cast %scan3A_80 : i32 to index
      %get3A_366 = arith.constant 0 : index
      %get3A_367 = vector.load %arg3[%get3A_363, %get3A_364, %get3A_365, %get3A_366] : memref<2x51x8x512xf32, #tpu.memory_space<vmem>>, vector<1x1x1x512xf32>
      %get3A_368 = vector.shape_cast %get3A_367 : vector<1x1x1x512xf32> to vector<512xf32>
      %mul3A_369 = arith.mulf %mul3A_354, %get3A_368 : vector<512xf32>
      %add3A_370 = arith.addf %add3A_346, %mul3A_369 : vector<512xf32>
      %sub3A_371 = arith.constant 1.000000e+00 : f32
      %sub3A_372 = vector.broadcast %sub3A_371 : f32 to vector<512xf32>
      %sub3A_373 = arith.subf %sub3A_372, %sub3A_305 : vector<512xf32>
      %sub3A_374 = arith.constant 1.000000e+00 : f32
      %sub3A_375 = vector.broadcast %sub3A_374 : f32 to vector<512xf32>
      %sub3A_376 = arith.subf %sub3A_375, %sub3A_315 : vector<512xf32>
      %mul3A_377 = arith.mulf %sub3A_373, %sub3A_310 : vector<512xf32>
      %mul3A_378 = arith.mulf %mul3A_377, %sub3A_376 : vector<512xf32>
      %get3A_379 = arith.constant 0 : index
      %get3A_380 = arith.constant 10 : index
      %get3A_381 = arith.index_cast %scan3A_80 : i32 to index
      %get3A_382 = arith.constant 0 : index
      %get3A_383 = vector.load %arg3[%get3A_379, %get3A_380, %get3A_381, %get3A_382] : memref<2x51x8x512xf32, #tpu.memory_space<vmem>>, vector<1x1x1x512xf32>
      %get3A_384 = vector.shape_cast %get3A_383 : vector<1x1x1x512xf32> to vector<512xf32>
      %mul3A_385 = arith.mulf %mul3A_378, %get3A_384 : vector<512xf32>
      %add3A_386 = arith.addf %add3A_362, %mul3A_385 : vector<512xf32>
      %get3A_387 = arith.constant 1 : index
      %get3A_388 = arith.constant 10 : index
      %get3A_389 = arith.index_cast %scan3A_80 : i32 to index
      %get3A_390 = arith.constant 0 : index
      %get3A_391 = vector.load %arg3[%get3A_387, %get3A_388, %get3A_389, %get3A_390] : memref<2x51x8x512xf32, #tpu.memory_space<vmem>>, vector<1x1x1x512xf32>
      %get3A_392 = vector.shape_cast %get3A_391 : vector<1x1x1x512xf32> to vector<512xf32>
      %mul3A_393 = arith.mulf %mul3A_378, %get3A_392 : vector<512xf32>
      %add3A_394 = arith.addf %add3A_370, %mul3A_393 : vector<512xf32>
      %sub3A_395 = arith.constant 1.000000e+00 : f32
      %sub3A_396 = vector.broadcast %sub3A_395 : f32 to vector<512xf32>
      %sub3A_397 = arith.subf %sub3A_396, %sub3A_305 : vector<512xf32>
      %mul3A_398 = arith.mulf %sub3A_397, %sub3A_310 : vector<512xf32>
      %mul3A_399 = arith.mulf %mul3A_398, %sub3A_315 : vector<512xf32>
      %get3A_400 = arith.constant 0 : index
      %get3A_401 = arith.constant 11 : index
      %get3A_402 = arith.index_cast %scan3A_80 : i32 to index
      %get3A_403 = arith.constant 0 : index
      %get3A_404 = vector.load %arg3[%get3A_400, %get3A_401, %get3A_402, %get3A_403] : memref<2x51x8x512xf32, #tpu.memory_space<vmem>>, vector<1x1x1x512xf32>
      %get3A_405 = vector.shape_cast %get3A_404 : vector<1x1x1x512xf32> to vector<512xf32>
      %mul3A_406 = arith.mulf %mul3A_399, %get3A_405 : vector<512xf32>
      %add3A_407 = arith.addf %add3A_386, %mul3A_406 : vector<512xf32>
      %get3A_408 = arith.constant 1 : index
      %get3A_409 = arith.constant 11 : index
      %get3A_410 = arith.index_cast %scan3A_80 : i32 to index
      %get3A_411 = arith.constant 0 : index
      %get3A_412 = vector.load %arg3[%get3A_408, %get3A_409, %get3A_410, %get3A_411] : memref<2x51x8x512xf32, #tpu.memory_space<vmem>>, vector<1x1x1x512xf32>
      %get3A_413 = vector.shape_cast %get3A_412 : vector<1x1x1x512xf32> to vector<512xf32>
      %mul3A_414 = arith.mulf %mul3A_399, %get3A_413 : vector<512xf32>
      %add3A_415 = arith.addf %add3A_394, %mul3A_414 : vector<512xf32>
      %sub3A_416 = arith.constant 1.000000e+00 : f32
      %sub3A_417 = vector.broadcast %sub3A_416 : f32 to vector<512xf32>
      %sub3A_418 = arith.subf %sub3A_417, %sub3A_310 : vector<512xf32>
      %sub3A_419 = arith.constant 1.000000e+00 : f32
      %sub3A_420 = vector.broadcast %sub3A_419 : f32 to vector<512xf32>
      %sub3A_421 = arith.subf %sub3A_420, %sub3A_315 : vector<512xf32>
      %mul3A_422 = arith.mulf %sub3A_305, %sub3A_418 : vector<512xf32>
      %mul3A_423 = arith.mulf %mul3A_422, %sub3A_421 : vector<512xf32>
      %get3A_424 = arith.constant 0 : index
      %get3A_425 = arith.constant 12 : index
      %get3A_426 = arith.index_cast %scan3A_80 : i32 to index
      %get3A_427 = arith.constant 0 : index
      %get3A_428 = vector.load %arg3[%get3A_424, %get3A_425, %get3A_426, %get3A_427] : memref<2x51x8x512xf32, #tpu.memory_space<vmem>>, vector<1x1x1x512xf32>
      %get3A_429 = vector.shape_cast %get3A_428 : vector<1x1x1x512xf32> to vector<512xf32>
      %mul3A_430 = arith.mulf %mul3A_423, %get3A_429 : vector<512xf32>
      %add3A_431 = arith.addf %add3A_407, %mul3A_430 : vector<512xf32>
      %get3A_432 = arith.constant 1 : index
      %get3A_433 = arith.constant 12 : index
      %get3A_434 = arith.index_cast %scan3A_80 : i32 to index
      %get3A_435 = arith.constant 0 : index
      %get3A_436 = vector.load %arg3[%get3A_432, %get3A_433, %get3A_434, %get3A_435] : memref<2x51x8x512xf32, #tpu.memory_space<vmem>>, vector<1x1x1x512xf32>
      %get3A_437 = vector.shape_cast %get3A_436 : vector<1x1x1x512xf32> to vector<512xf32>
      %mul3A_438 = arith.mulf %mul3A_423, %get3A_437 : vector<512xf32>
      %add3A_439 = arith.addf %add3A_415, %mul3A_438 : vector<512xf32>
      %sub3A_440 = arith.constant 1.000000e+00 : f32
      %sub3A_441 = vector.broadcast %sub3A_440 : f32 to vector<512xf32>
      %sub3A_442 = arith.subf %sub3A_441, %sub3A_310 : vector<512xf32>
      %mul3A_443 = arith.mulf %sub3A_305, %sub3A_442 : vector<512xf32>
      %mul3A_444 = arith.mulf %mul3A_443, %sub3A_315 : vector<512xf32>
      %get3A_445 = arith.constant 0 : index
      %get3A_446 = arith.constant 13 : index
      %get3A_447 = arith.index_cast %scan3A_80 : i32 to index
      %get3A_448 = arith.constant 0 : index
      %get3A_449 = vector.load %arg3[%get3A_445, %get3A_446, %get3A_447, %get3A_448] : memref<2x51x8x512xf32, #tpu.memory_space<vmem>>, vector<1x1x1x512xf32>
      %get3A_450 = vector.shape_cast %get3A_449 : vector<1x1x1x512xf32> to vector<512xf32>
      %mul3A_451 = arith.mulf %mul3A_444, %get3A_450 : vector<512xf32>
      %add3A_452 = arith.addf %add3A_431, %mul3A_451 : vector<512xf32>
      %get3A_453 = arith.constant 1 : index
      %get3A_454 = arith.constant 13 : index
      %get3A_455 = arith.index_cast %scan3A_80 : i32 to index
      %get3A_456 = arith.constant 0 : index
      %get3A_457 = vector.load %arg3[%get3A_453, %get3A_454, %get3A_455, %get3A_456] : memref<2x51x8x512xf32, #tpu.memory_space<vmem>>, vector<1x1x1x512xf32>
      %get3A_458 = vector.shape_cast %get3A_457 : vector<1x1x1x512xf32> to vector<512xf32>
      %mul3A_459 = arith.mulf %mul3A_444, %get3A_458 : vector<512xf32>
      %add3A_460 = arith.addf %add3A_439, %mul3A_459 : vector<512xf32>
      %sub3A_461 = arith.constant 1.000000e+00 : f32
      %sub3A_462 = vector.broadcast %sub3A_461 : f32 to vector<512xf32>
      %sub3A_463 = arith.subf %sub3A_462, %sub3A_315 : vector<512xf32>
      %mul3A_464 = arith.mulf %sub3A_305, %sub3A_310 : vector<512xf32>
      %mul3A_465 = arith.mulf %mul3A_464, %sub3A_463 : vector<512xf32>
      %get3A_466 = arith.constant 0 : index
      %get3A_467 = arith.constant 14 : index
      %get3A_468 = arith.index_cast %scan3A_80 : i32 to index
      %get3A_469 = arith.constant 0 : index
      %get3A_470 = vector.load %arg3[%get3A_466, %get3A_467, %get3A_468, %get3A_469] : memref<2x51x8x512xf32, #tpu.memory_space<vmem>>, vector<1x1x1x512xf32>
      %get3A_471 = vector.shape_cast %get3A_470 : vector<1x1x1x512xf32> to vector<512xf32>
      %mul3A_472 = arith.mulf %mul3A_465, %get3A_471 : vector<512xf32>
      %add3A_473 = arith.addf %add3A_452, %mul3A_472 : vector<512xf32>
      %get3A_474 = arith.constant 1 : index
      %get3A_475 = arith.constant 14 : index
      %get3A_476 = arith.index_cast %scan3A_80 : i32 to index
      %get3A_477 = arith.constant 0 : index
      %get3A_478 = vector.load %arg3[%get3A_474, %get3A_475, %get3A_476, %get3A_477] : memref<2x51x8x512xf32, #tpu.memory_space<vmem>>, vector<1x1x1x512xf32>
      %get3A_479 = vector.shape_cast %get3A_478 : vector<1x1x1x512xf32> to vector<512xf32>
      %mul3A_480 = arith.mulf %mul3A_465, %get3A_479 : vector<512xf32>
      %add3A_481 = arith.addf %add3A_460, %mul3A_480 : vector<512xf32>
      %mul3A_482 = arith.mulf %sub3A_305, %sub3A_310 : vector<512xf32>
      %mul3A_483 = arith.mulf %mul3A_482, %sub3A_315 : vector<512xf32>
      %get3A_484 = arith.constant 0 : index
      %get3A_485 = arith.constant 15 : index
      %get3A_486 = arith.index_cast %scan3A_80 : i32 to index
      %get3A_487 = arith.constant 0 : index
      %get3A_488 = vector.load %arg3[%get3A_484, %get3A_485, %get3A_486, %get3A_487] : memref<2x51x8x512xf32, #tpu.memory_space<vmem>>, vector<1x1x1x512xf32>
      %get3A_489 = vector.shape_cast %get3A_488 : vector<1x1x1x512xf32> to vector<512xf32>
      %mul3A_490 = arith.mulf %mul3A_483, %get3A_489 : vector<512xf32>
      %add3A_491 = arith.addf %add3A_473, %mul3A_490 : vector<512xf32>
      %get3A_492 = arith.constant 1 : index
      %get3A_493 = arith.constant 15 : index
      %get3A_494 = arith.index_cast %scan3A_80 : i32 to index
      %get3A_495 = arith.constant 0 : index
      %get3A_496 = vector.load %arg3[%get3A_492, %get3A_493, %get3A_494, %get3A_495] : memref<2x51x8x512xf32, #tpu.memory_space<vmem>>, vector<1x1x1x512xf32>
      %get3A_497 = vector.shape_cast %get3A_496 : vector<1x1x1x512xf32> to vector<512xf32>
      %mul3A_498 = arith.mulf %mul3A_483, %get3A_497 : vector<512xf32>
      %add3A_499 = arith.addf %add3A_481, %mul3A_498 : vector<512xf32>
      %mul3A_500 = arith.constant 1.250000e-01 : f32
      %mul3A_501 = vector.broadcast %mul3A_500 : f32 to vector<512xf32>
      %mul3A_502 = arith.mulf %convert_element_type3A_95, %mul3A_501 : vector<512xf32>
      %floor3A_503 = math.floor %mul3A_502 : vector<512xf32>
      %sub3A_504 = arith.subf %mul3A_502, %floor3A_503 : vector<512xf32>
      %mul3A_505 = arith.constant 1.250000e-01 : f32
      %mul3A_506 = vector.broadcast %mul3A_505 : f32 to vector<512xf32>
      %mul3A_507 = arith.mulf %convert_element_type3A_98, %mul3A_506 : vector<512xf32>
      %floor3A_508 = math.floor %mul3A_507 : vector<512xf32>
      %sub3A_509 = arith.subf %mul3A_507, %floor3A_508 : vector<512xf32>
      %mul3A_510 = arith.constant 1.250000e-01 : f32
      %mul3A_511 = vector.broadcast %mul3A_510 : f32 to vector<512xf32>
      %mul3A_512 = arith.mulf %convert_element_type3A_101, %mul3A_511 : vector<512xf32>
      %floor3A_513 = math.floor %mul3A_512 : vector<512xf32>
      %sub3A_514 = arith.subf %mul3A_512, %floor3A_513 : vector<512xf32>
      %broadcast_in_dim3A_515 = arith.constant 0.000000e+00 : f32
      %broadcast_in_dim3A_516 = vector.broadcast %broadcast_in_dim3A_515 : f32 to vector<512xf32>
      %broadcast_in_dim3A_517 = arith.constant 0.000000e+00 : f32
      %broadcast_in_dim3A_518 = vector.broadcast %broadcast_in_dim3A_517 : f32 to vector<512xf32>
      %sub3A_519 = arith.constant 1.000000e+00 : f32
      %sub3A_520 = vector.broadcast %sub3A_519 : f32 to vector<512xf32>
      %sub3A_521 = arith.subf %sub3A_520, %sub3A_504 : vector<512xf32>
      %sub3A_522 = arith.constant 1.000000e+00 : f32
      %sub3A_523 = vector.broadcast %sub3A_522 : f32 to vector<512xf32>
      %sub3A_524 = arith.subf %sub3A_523, %sub3A_509 : vector<512xf32>
      %sub3A_525 = arith.constant 1.000000e+00 : f32
      %sub3A_526 = vector.broadcast %sub3A_525 : f32 to vector<512xf32>
      %sub3A_527 = arith.subf %sub3A_526, %sub3A_514 : vector<512xf32>
      %mul3A_528 = arith.mulf %sub3A_521, %sub3A_524 : vector<512xf32>
      %mul3A_529 = arith.mulf %mul3A_528, %sub3A_527 : vector<512xf32>
      %get3A_530 = arith.constant 0 : index
      %get3A_531 = arith.constant 16 : index
      %get3A_532 = arith.index_cast %scan3A_80 : i32 to index
      %get3A_533 = arith.constant 0 : index
      %get3A_534 = vector.load %arg3[%get3A_530, %get3A_531, %get3A_532, %get3A_533] : memref<2x51x8x512xf32, #tpu.memory_space<vmem>>, vector<1x1x1x512xf32>
      %get3A_535 = vector.shape_cast %get3A_534 : vector<1x1x1x512xf32> to vector<512xf32>
      %mul3A_536 = arith.mulf %mul3A_529, %get3A_535 : vector<512xf32>
      %add3A_537 = arith.addf %broadcast_in_dim3A_516, %mul3A_536 : vector<512xf32>
      %get3A_538 = arith.constant 1 : index
      %get3A_539 = arith.constant 16 : index
      %get3A_540 = arith.index_cast %scan3A_80 : i32 to index
      %get3A_541 = arith.constant 0 : index
      %get3A_542 = vector.load %arg3[%get3A_538, %get3A_539, %get3A_540, %get3A_541] : memref<2x51x8x512xf32, #tpu.memory_space<vmem>>, vector<1x1x1x512xf32>
      %get3A_543 = vector.shape_cast %get3A_542 : vector<1x1x1x512xf32> to vector<512xf32>
      %mul3A_544 = arith.mulf %mul3A_529, %get3A_543 : vector<512xf32>
      %add3A_545 = arith.addf %broadcast_in_dim3A_518, %mul3A_544 : vector<512xf32>
      %sub3A_546 = arith.constant 1.000000e+00 : f32
      %sub3A_547 = vector.broadcast %sub3A_546 : f32 to vector<512xf32>
      %sub3A_548 = arith.subf %sub3A_547, %sub3A_504 : vector<512xf32>
      %sub3A_549 = arith.constant 1.000000e+00 : f32
      %sub3A_550 = vector.broadcast %sub3A_549 : f32 to vector<512xf32>
      %sub3A_551 = arith.subf %sub3A_550, %sub3A_509 : vector<512xf32>
      %mul3A_552 = arith.mulf %sub3A_548, %sub3A_551 : vector<512xf32>
      %mul3A_553 = arith.mulf %mul3A_552, %sub3A_514 : vector<512xf32>
      %get3A_554 = arith.constant 0 : index
      %get3A_555 = arith.constant 17 : index
      %get3A_556 = arith.index_cast %scan3A_80 : i32 to index
      %get3A_557 = arith.constant 0 : index
      %get3A_558 = vector.load %arg3[%get3A_554, %get3A_555, %get3A_556, %get3A_557] : memref<2x51x8x512xf32, #tpu.memory_space<vmem>>, vector<1x1x1x512xf32>
      %get3A_559 = vector.shape_cast %get3A_558 : vector<1x1x1x512xf32> to vector<512xf32>
      %mul3A_560 = arith.mulf %mul3A_553, %get3A_559 : vector<512xf32>
      %add3A_561 = arith.addf %add3A_537, %mul3A_560 : vector<512xf32>
      %get3A_562 = arith.constant 1 : index
      %get3A_563 = arith.constant 17 : index
      %get3A_564 = arith.index_cast %scan3A_80 : i32 to index
      %get3A_565 = arith.constant 0 : index
      %get3A_566 = vector.load %arg3[%get3A_562, %get3A_563, %get3A_564, %get3A_565] : memref<2x51x8x512xf32, #tpu.memory_space<vmem>>, vector<1x1x1x512xf32>
      %get3A_567 = vector.shape_cast %get3A_566 : vector<1x1x1x512xf32> to vector<512xf32>
      %mul3A_568 = arith.mulf %mul3A_553, %get3A_567 : vector<512xf32>
      %add3A_569 = arith.addf %add3A_545, %mul3A_568 : vector<512xf32>
      %sub3A_570 = arith.constant 1.000000e+00 : f32
      %sub3A_571 = vector.broadcast %sub3A_570 : f32 to vector<512xf32>
      %sub3A_572 = arith.subf %sub3A_571, %sub3A_504 : vector<512xf32>
      %sub3A_573 = arith.constant 1.000000e+00 : f32
      %sub3A_574 = vector.broadcast %sub3A_573 : f32 to vector<512xf32>
      %sub3A_575 = arith.subf %sub3A_574, %sub3A_514 : vector<512xf32>
      %mul3A_576 = arith.mulf %sub3A_572, %sub3A_509 : vector<512xf32>
      %mul3A_577 = arith.mulf %mul3A_576, %sub3A_575 : vector<512xf32>
      %get3A_578 = arith.constant 0 : index
      %get3A_579 = arith.constant 18 : index
      %get3A_580 = arith.index_cast %scan3A_80 : i32 to index
      %get3A_581 = arith.constant 0 : index
      %get3A_582 = vector.load %arg3[%get3A_578, %get3A_579, %get3A_580, %get3A_581] : memref<2x51x8x512xf32, #tpu.memory_space<vmem>>, vector<1x1x1x512xf32>
      %get3A_583 = vector.shape_cast %get3A_582 : vector<1x1x1x512xf32> to vector<512xf32>
      %mul3A_584 = arith.mulf %mul3A_577, %get3A_583 : vector<512xf32>
      %add3A_585 = arith.addf %add3A_561, %mul3A_584 : vector<512xf32>
      %get3A_586 = arith.constant 1 : index
      %get3A_587 = arith.constant 18 : index
      %get3A_588 = arith.index_cast %scan3A_80 : i32 to index
      %get3A_589 = arith.constant 0 : index
      %get3A_590 = vector.load %arg3[%get3A_586, %get3A_587, %get3A_588, %get3A_589] : memref<2x51x8x512xf32, #tpu.memory_space<vmem>>, vector<1x1x1x512xf32>
      %get3A_591 = vector.shape_cast %get3A_590 : vector<1x1x1x512xf32> to vector<512xf32>
      %mul3A_592 = arith.mulf %mul3A_577, %get3A_591 : vector<512xf32>
      %add3A_593 = arith.addf %add3A_569, %mul3A_592 : vector<512xf32>
      %sub3A_594 = arith.constant 1.000000e+00 : f32
      %sub3A_595 = vector.broadcast %sub3A_594 : f32 to vector<512xf32>
      %sub3A_596 = arith.subf %sub3A_595, %sub3A_504 : vector<512xf32>
      %mul3A_597 = arith.mulf %sub3A_596, %sub3A_509 : vector<512xf32>
      %mul3A_598 = arith.mulf %mul3A_597, %sub3A_514 : vector<512xf32>
      %get3A_599 = arith.constant 0 : index
      %get3A_600 = arith.constant 19 : index
      %get3A_601 = arith.index_cast %scan3A_80 : i32 to index
      %get3A_602 = arith.constant 0 : index
      %get3A_603 = vector.load %arg3[%get3A_599, %get3A_600, %get3A_601, %get3A_602] : memref<2x51x8x512xf32, #tpu.memory_space<vmem>>, vector<1x1x1x512xf32>
      %get3A_604 = vector.shape_cast %get3A_603 : vector<1x1x1x512xf32> to vector<512xf32>
      %mul3A_605 = arith.mulf %mul3A_598, %get3A_604 : vector<512xf32>
      %add3A_606 = arith.addf %add3A_585, %mul3A_605 : vector<512xf32>
      %get3A_607 = arith.constant 1 : index
      %get3A_608 = arith.constant 19 : index
      %get3A_609 = arith.index_cast %scan3A_80 : i32 to index
      %get3A_610 = arith.constant 0 : index
      %get3A_611 = vector.load %arg3[%get3A_607, %get3A_608, %get3A_609, %get3A_610] : memref<2x51x8x512xf32, #tpu.memory_space<vmem>>, vector<1x1x1x512xf32>
      %get3A_612 = vector.shape_cast %get3A_611 : vector<1x1x1x512xf32> to vector<512xf32>
      %mul3A_613 = arith.mulf %mul3A_598, %get3A_612 : vector<512xf32>
      %add3A_614 = arith.addf %add3A_593, %mul3A_613 : vector<512xf32>
      %sub3A_615 = arith.constant 1.000000e+00 : f32
      %sub3A_616 = vector.broadcast %sub3A_615 : f32 to vector<512xf32>
      %sub3A_617 = arith.subf %sub3A_616, %sub3A_509 : vector<512xf32>
      %sub3A_618 = arith.constant 1.000000e+00 : f32
      %sub3A_619 = vector.broadcast %sub3A_618 : f32 to vector<512xf32>
      %sub3A_620 = arith.subf %sub3A_619, %sub3A_514 : vector<512xf32>
      %mul3A_621 = arith.mulf %sub3A_504, %sub3A_617 : vector<512xf32>
      %mul3A_622 = arith.mulf %mul3A_621, %sub3A_620 : vector<512xf32>
      %get3A_623 = arith.constant 0 : index
      %get3A_624 = arith.constant 20 : index
      %get3A_625 = arith.index_cast %scan3A_80 : i32 to index
      %get3A_626 = arith.constant 0 : index
      %get3A_627 = vector.load %arg3[%get3A_623, %get3A_624, %get3A_625, %get3A_626] : memref<2x51x8x512xf32, #tpu.memory_space<vmem>>, vector<1x1x1x512xf32>
      %get3A_628 = vector.shape_cast %get3A_627 : vector<1x1x1x512xf32> to vector<512xf32>
      %mul3A_629 = arith.mulf %mul3A_622, %get3A_628 : vector<512xf32>
      %add3A_630 = arith.addf %add3A_606, %mul3A_629 : vector<512xf32>
      %get3A_631 = arith.constant 1 : index
      %get3A_632 = arith.constant 20 : index
      %get3A_633 = arith.index_cast %scan3A_80 : i32 to index
      %get3A_634 = arith.constant 0 : index
      %get3A_635 = vector.load %arg3[%get3A_631, %get3A_632, %get3A_633, %get3A_634] : memref<2x51x8x512xf32, #tpu.memory_space<vmem>>, vector<1x1x1x512xf32>
      %get3A_636 = vector.shape_cast %get3A_635 : vector<1x1x1x512xf32> to vector<512xf32>
      %mul3A_637 = arith.mulf %mul3A_622, %get3A_636 : vector<512xf32>
      %add3A_638 = arith.addf %add3A_614, %mul3A_637 : vector<512xf32>
      %sub3A_639 = arith.constant 1.000000e+00 : f32
      %sub3A_640 = vector.broadcast %sub3A_639 : f32 to vector<512xf32>
      %sub3A_641 = arith.subf %sub3A_640, %sub3A_509 : vector<512xf32>
      %mul3A_642 = arith.mulf %sub3A_504, %sub3A_641 : vector<512xf32>
      %mul3A_643 = arith.mulf %mul3A_642, %sub3A_514 : vector<512xf32>
      %get3A_644 = arith.constant 0 : index
      %get3A_645 = arith.constant 21 : index
      %get3A_646 = arith.index_cast %scan3A_80 : i32 to index
      %get3A_647 = arith.constant 0 : index
      %get3A_648 = vector.load %arg3[%get3A_644, %get3A_645, %get3A_646, %get3A_647] : memref<2x51x8x512xf32, #tpu.memory_space<vmem>>, vector<1x1x1x512xf32>
      %get3A_649 = vector.shape_cast %get3A_648 : vector<1x1x1x512xf32> to vector<512xf32>
      %mul3A_650 = arith.mulf %mul3A_643, %get3A_649 : vector<512xf32>
      %add3A_651 = arith.addf %add3A_630, %mul3A_650 : vector<512xf32>
      %get3A_652 = arith.constant 1 : index
      %get3A_653 = arith.constant 21 : index
      %get3A_654 = arith.index_cast %scan3A_80 : i32 to index
      %get3A_655 = arith.constant 0 : index
      %get3A_656 = vector.load %arg3[%get3A_652, %get3A_653, %get3A_654, %get3A_655] : memref<2x51x8x512xf32, #tpu.memory_space<vmem>>, vector<1x1x1x512xf32>
      %get3A_657 = vector.shape_cast %get3A_656 : vector<1x1x1x512xf32> to vector<512xf32>
      %mul3A_658 = arith.mulf %mul3A_643, %get3A_657 : vector<512xf32>
      %add3A_659 = arith.addf %add3A_638, %mul3A_658 : vector<512xf32>
      %sub3A_660 = arith.constant 1.000000e+00 : f32
      %sub3A_661 = vector.broadcast %sub3A_660 : f32 to vector<512xf32>
      %sub3A_662 = arith.subf %sub3A_661, %sub3A_514 : vector<512xf32>
      %mul3A_663 = arith.mulf %sub3A_504, %sub3A_509 : vector<512xf32>
      %mul3A_664 = arith.mulf %mul3A_663, %sub3A_662 : vector<512xf32>
      %get3A_665 = arith.constant 0 : index
      %get3A_666 = arith.constant 22 : index
      %get3A_667 = arith.index_cast %scan3A_80 : i32 to index
      %get3A_668 = arith.constant 0 : index
      %get3A_669 = vector.load %arg3[%get3A_665, %get3A_666, %get3A_667, %get3A_668] : memref<2x51x8x512xf32, #tpu.memory_space<vmem>>, vector<1x1x1x512xf32>
      %get3A_670 = vector.shape_cast %get3A_669 : vector<1x1x1x512xf32> to vector<512xf32>
      %mul3A_671 = arith.mulf %mul3A_664, %get3A_670 : vector<512xf32>
      %add3A_672 = arith.addf %add3A_651, %mul3A_671 : vector<512xf32>
      %get3A_673 = arith.constant 1 : index
      %get3A_674 = arith.constant 22 : index
      %get3A_675 = arith.index_cast %scan3A_80 : i32 to index
      %get3A_676 = arith.constant 0 : index
      %get3A_677 = vector.load %arg3[%get3A_673, %get3A_674, %get3A_675, %get3A_676] : memref<2x51x8x512xf32, #tpu.memory_space<vmem>>, vector<1x1x1x512xf32>
      %get3A_678 = vector.shape_cast %get3A_677 : vector<1x1x1x512xf32> to vector<512xf32>
      %mul3A_679 = arith.mulf %mul3A_664, %get3A_678 : vector<512xf32>
      %add3A_680 = arith.addf %add3A_659, %mul3A_679 : vector<512xf32>
      %mul3A_681 = arith.mulf %sub3A_504, %sub3A_509 : vector<512xf32>
      %mul3A_682 = arith.mulf %mul3A_681, %sub3A_514 : vector<512xf32>
      %get3A_683 = arith.constant 0 : index
      %get3A_684 = arith.constant 23 : index
      %get3A_685 = arith.index_cast %scan3A_80 : i32 to index
      %get3A_686 = arith.constant 0 : index
      %get3A_687 = vector.load %arg3[%get3A_683, %get3A_684, %get3A_685, %get3A_686] : memref<2x51x8x512xf32, #tpu.memory_space<vmem>>, vector<1x1x1x512xf32>
      %get3A_688 = vector.shape_cast %get3A_687 : vector<1x1x1x512xf32> to vector<512xf32>
      %mul3A_689 = arith.mulf %mul3A_682, %get3A_688 : vector<512xf32>
      %add3A_690 = arith.addf %add3A_672, %mul3A_689 : vector<512xf32>
      %get3A_691 = arith.constant 1 : index
      %get3A_692 = arith.constant 23 : index
      %get3A_693 = arith.index_cast %scan3A_80 : i32 to index
      %get3A_694 = arith.constant 0 : index
      %get3A_695 = vector.load %arg3[%get3A_691, %get3A_692, %get3A_693, %get3A_694] : memref<2x51x8x512xf32, #tpu.memory_space<vmem>>, vector<1x1x1x512xf32>
      %get3A_696 = vector.shape_cast %get3A_695 : vector<1x1x1x512xf32> to vector<512xf32>
      %mul3A_697 = arith.mulf %mul3A_682, %get3A_696 : vector<512xf32>
      %add3A_698 = arith.addf %add3A_680, %mul3A_697 : vector<512xf32>
      %mul3A_699 = arith.constant 2.500000e-01 : f32
      %mul3A_700 = vector.broadcast %mul3A_699 : f32 to vector<512xf32>
      %mul3A_701 = arith.mulf %convert_element_type3A_95, %mul3A_700 : vector<512xf32>
      %floor3A_702 = math.floor %mul3A_701 : vector<512xf32>
      %sub3A_703 = arith.subf %mul3A_701, %floor3A_702 : vector<512xf32>
      %mul3A_704 = arith.constant 2.500000e-01 : f32
      %mul3A_705 = vector.broadcast %mul3A_704 : f32 to vector<512xf32>
      %mul3A_706 = arith.mulf %convert_element_type3A_98, %mul3A_705 : vector<512xf32>
      %floor3A_707 = math.floor %mul3A_706 : vector<512xf32>
      %sub3A_708 = arith.subf %mul3A_706, %floor3A_707 : vector<512xf32>
      %mul3A_709 = arith.constant 2.500000e-01 : f32
      %mul3A_710 = vector.broadcast %mul3A_709 : f32 to vector<512xf32>
      %mul3A_711 = arith.mulf %convert_element_type3A_101, %mul3A_710 : vector<512xf32>
      %floor3A_712 = math.floor %mul3A_711 : vector<512xf32>
      %sub3A_713 = arith.subf %mul3A_711, %floor3A_712 : vector<512xf32>
      %broadcast_in_dim3A_714 = arith.constant 0.000000e+00 : f32
      %broadcast_in_dim3A_715 = vector.broadcast %broadcast_in_dim3A_714 : f32 to vector<512xf32>
      %broadcast_in_dim3A_716 = arith.constant 0.000000e+00 : f32
      %broadcast_in_dim3A_717 = vector.broadcast %broadcast_in_dim3A_716 : f32 to vector<512xf32>
      %sub3A_718 = arith.constant 1.000000e+00 : f32
      %sub3A_719 = vector.broadcast %sub3A_718 : f32 to vector<512xf32>
      %sub3A_720 = arith.subf %sub3A_719, %sub3A_703 : vector<512xf32>
      %sub3A_721 = arith.constant 1.000000e+00 : f32
      %sub3A_722 = vector.broadcast %sub3A_721 : f32 to vector<512xf32>
      %sub3A_723 = arith.subf %sub3A_722, %sub3A_708 : vector<512xf32>
      %sub3A_724 = arith.constant 1.000000e+00 : f32
      %sub3A_725 = vector.broadcast %sub3A_724 : f32 to vector<512xf32>
      %sub3A_726 = arith.subf %sub3A_725, %sub3A_713 : vector<512xf32>
      %mul3A_727 = arith.mulf %sub3A_720, %sub3A_723 : vector<512xf32>
      %mul3A_728 = arith.mulf %mul3A_727, %sub3A_726 : vector<512xf32>
      %get3A_729 = arith.constant 0 : index
      %get3A_730 = arith.constant 24 : index
      %get3A_731 = arith.index_cast %scan3A_80 : i32 to index
      %get3A_732 = arith.constant 0 : index
      %get3A_733 = vector.load %arg3[%get3A_729, %get3A_730, %get3A_731, %get3A_732] : memref<2x51x8x512xf32, #tpu.memory_space<vmem>>, vector<1x1x1x512xf32>
      %get3A_734 = vector.shape_cast %get3A_733 : vector<1x1x1x512xf32> to vector<512xf32>
      %mul3A_735 = arith.mulf %mul3A_728, %get3A_734 : vector<512xf32>
      %add3A_736 = arith.addf %broadcast_in_dim3A_715, %mul3A_735 : vector<512xf32>
      %get3A_737 = arith.constant 1 : index
      %get3A_738 = arith.constant 24 : index
      %get3A_739 = arith.index_cast %scan3A_80 : i32 to index
      %get3A_740 = arith.constant 0 : index
      %get3A_741 = vector.load %arg3[%get3A_737, %get3A_738, %get3A_739, %get3A_740] : memref<2x51x8x512xf32, #tpu.memory_space<vmem>>, vector<1x1x1x512xf32>
      %get3A_742 = vector.shape_cast %get3A_741 : vector<1x1x1x512xf32> to vector<512xf32>
      %mul3A_743 = arith.mulf %mul3A_728, %get3A_742 : vector<512xf32>
      %add3A_744 = arith.addf %broadcast_in_dim3A_717, %mul3A_743 : vector<512xf32>
      %sub3A_745 = arith.constant 1.000000e+00 : f32
      %sub3A_746 = vector.broadcast %sub3A_745 : f32 to vector<512xf32>
      %sub3A_747 = arith.subf %sub3A_746, %sub3A_703 : vector<512xf32>
      %sub3A_748 = arith.constant 1.000000e+00 : f32
      %sub3A_749 = vector.broadcast %sub3A_748 : f32 to vector<512xf32>
      %sub3A_750 = arith.subf %sub3A_749, %sub3A_708 : vector<512xf32>
      %mul3A_751 = arith.mulf %sub3A_747, %sub3A_750 : vector<512xf32>
      %mul3A_752 = arith.mulf %mul3A_751, %sub3A_713 : vector<512xf32>
      %get3A_753 = arith.constant 0 : index
      %get3A_754 = arith.constant 25 : index
      %get3A_755 = arith.index_cast %scan3A_80 : i32 to index
      %get3A_756 = arith.constant 0 : index
      %get3A_757 = vector.load %arg3[%get3A_753, %get3A_754, %get3A_755, %get3A_756] : memref<2x51x8x512xf32, #tpu.memory_space<vmem>>, vector<1x1x1x512xf32>
      %get3A_758 = vector.shape_cast %get3A_757 : vector<1x1x1x512xf32> to vector<512xf32>
      %mul3A_759 = arith.mulf %mul3A_752, %get3A_758 : vector<512xf32>
      %add3A_760 = arith.addf %add3A_736, %mul3A_759 : vector<512xf32>
      %get3A_761 = arith.constant 1 : index
      %get3A_762 = arith.constant 25 : index
      %get3A_763 = arith.index_cast %scan3A_80 : i32 to index
      %get3A_764 = arith.constant 0 : index
      %get3A_765 = vector.load %arg3[%get3A_761, %get3A_762, %get3A_763, %get3A_764] : memref<2x51x8x512xf32, #tpu.memory_space<vmem>>, vector<1x1x1x512xf32>
      %get3A_766 = vector.shape_cast %get3A_765 : vector<1x1x1x512xf32> to vector<512xf32>
      %mul3A_767 = arith.mulf %mul3A_752, %get3A_766 : vector<512xf32>
      %add3A_768 = arith.addf %add3A_744, %mul3A_767 : vector<512xf32>
      %sub3A_769 = arith.constant 1.000000e+00 : f32
      %sub3A_770 = vector.broadcast %sub3A_769 : f32 to vector<512xf32>
      %sub3A_771 = arith.subf %sub3A_770, %sub3A_703 : vector<512xf32>
      %sub3A_772 = arith.constant 1.000000e+00 : f32
      %sub3A_773 = vector.broadcast %sub3A_772 : f32 to vector<512xf32>
      %sub3A_774 = arith.subf %sub3A_773, %sub3A_713 : vector<512xf32>
      %mul3A_775 = arith.mulf %sub3A_771, %sub3A_708 : vector<512xf32>
      %mul3A_776 = arith.mulf %mul3A_775, %sub3A_774 : vector<512xf32>
      %get3A_777 = arith.constant 0 : index
      %get3A_778 = arith.constant 26 : index
      %get3A_779 = arith.index_cast %scan3A_80 : i32 to index
      %get3A_780 = arith.constant 0 : index
      %get3A_781 = vector.load %arg3[%get3A_777, %get3A_778, %get3A_779, %get3A_780] : memref<2x51x8x512xf32, #tpu.memory_space<vmem>>, vector<1x1x1x512xf32>
      %get3A_782 = vector.shape_cast %get3A_781 : vector<1x1x1x512xf32> to vector<512xf32>
      %mul3A_783 = arith.mulf %mul3A_776, %get3A_782 : vector<512xf32>
      %add3A_784 = arith.addf %add3A_760, %mul3A_783 : vector<512xf32>
      %get3A_785 = arith.constant 1 : index
      %get3A_786 = arith.constant 26 : index
      %get3A_787 = arith.index_cast %scan3A_80 : i32 to index
      %get3A_788 = arith.constant 0 : index
      %get3A_789 = vector.load %arg3[%get3A_785, %get3A_786, %get3A_787, %get3A_788] : memref<2x51x8x512xf32, #tpu.memory_space<vmem>>, vector<1x1x1x512xf32>
      %get3A_790 = vector.shape_cast %get3A_789 : vector<1x1x1x512xf32> to vector<512xf32>
      %mul3A_791 = arith.mulf %mul3A_776, %get3A_790 : vector<512xf32>
      %add3A_792 = arith.addf %add3A_768, %mul3A_791 : vector<512xf32>
      %sub3A_793 = arith.constant 1.000000e+00 : f32
      %sub3A_794 = vector.broadcast %sub3A_793 : f32 to vector<512xf32>
      %sub3A_795 = arith.subf %sub3A_794, %sub3A_703 : vector<512xf32>
      %mul3A_796 = arith.mulf %sub3A_795, %sub3A_708 : vector<512xf32>
      %mul3A_797 = arith.mulf %mul3A_796, %sub3A_713 : vector<512xf32>
      %get3A_798 = arith.constant 0 : index
      %get3A_799 = arith.constant 27 : index
      %get3A_800 = arith.index_cast %scan3A_80 : i32 to index
      %get3A_801 = arith.constant 0 : index
      %get3A_802 = vector.load %arg3[%get3A_798, %get3A_799, %get3A_800, %get3A_801] : memref<2x51x8x512xf32, #tpu.memory_space<vmem>>, vector<1x1x1x512xf32>
      %get3A_803 = vector.shape_cast %get3A_802 : vector<1x1x1x512xf32> to vector<512xf32>
      %mul3A_804 = arith.mulf %mul3A_797, %get3A_803 : vector<512xf32>
      %add3A_805 = arith.addf %add3A_784, %mul3A_804 : vector<512xf32>
      %get3A_806 = arith.constant 1 : index
      %get3A_807 = arith.constant 27 : index
      %get3A_808 = arith.index_cast %scan3A_80 : i32 to index
      %get3A_809 = arith.constant 0 : index
      %get3A_810 = vector.load %arg3[%get3A_806, %get3A_807, %get3A_808, %get3A_809] : memref<2x51x8x512xf32, #tpu.memory_space<vmem>>, vector<1x1x1x512xf32>
      %get3A_811 = vector.shape_cast %get3A_810 : vector<1x1x1x512xf32> to vector<512xf32>
      %mul3A_812 = arith.mulf %mul3A_797, %get3A_811 : vector<512xf32>
      %add3A_813 = arith.addf %add3A_792, %mul3A_812 : vector<512xf32>
      %sub3A_814 = arith.constant 1.000000e+00 : f32
      %sub3A_815 = vector.broadcast %sub3A_814 : f32 to vector<512xf32>
      %sub3A_816 = arith.subf %sub3A_815, %sub3A_708 : vector<512xf32>
      %sub3A_817 = arith.constant 1.000000e+00 : f32
      %sub3A_818 = vector.broadcast %sub3A_817 : f32 to vector<512xf32>
      %sub3A_819 = arith.subf %sub3A_818, %sub3A_713 : vector<512xf32>
      %mul3A_820 = arith.mulf %sub3A_703, %sub3A_816 : vector<512xf32>
      %mul3A_821 = arith.mulf %mul3A_820, %sub3A_819 : vector<512xf32>
      %get3A_822 = arith.constant 0 : index
      %get3A_823 = arith.constant 28 : index
      %get3A_824 = arith.index_cast %scan3A_80 : i32 to index
      %get3A_825 = arith.constant 0 : index
      %get3A_826 = vector.load %arg3[%get3A_822, %get3A_823, %get3A_824, %get3A_825] : memref<2x51x8x512xf32, #tpu.memory_space<vmem>>, vector<1x1x1x512xf32>
      %get3A_827 = vector.shape_cast %get3A_826 : vector<1x1x1x512xf32> to vector<512xf32>
      %mul3A_828 = arith.mulf %mul3A_821, %get3A_827 : vector<512xf32>
      %add3A_829 = arith.addf %add3A_805, %mul3A_828 : vector<512xf32>
      %get3A_830 = arith.constant 1 : index
      %get3A_831 = arith.constant 28 : index
      %get3A_832 = arith.index_cast %scan3A_80 : i32 to index
      %get3A_833 = arith.constant 0 : index
      %get3A_834 = vector.load %arg3[%get3A_830, %get3A_831, %get3A_832, %get3A_833] : memref<2x51x8x512xf32, #tpu.memory_space<vmem>>, vector<1x1x1x512xf32>
      %get3A_835 = vector.shape_cast %get3A_834 : vector<1x1x1x512xf32> to vector<512xf32>
      %mul3A_836 = arith.mulf %mul3A_821, %get3A_835 : vector<512xf32>
      %add3A_837 = arith.addf %add3A_813, %mul3A_836 : vector<512xf32>
      %sub3A_838 = arith.constant 1.000000e+00 : f32
      %sub3A_839 = vector.broadcast %sub3A_838 : f32 to vector<512xf32>
      %sub3A_840 = arith.subf %sub3A_839, %sub3A_708 : vector<512xf32>
      %mul3A_841 = arith.mulf %sub3A_703, %sub3A_840 : vector<512xf32>
      %mul3A_842 = arith.mulf %mul3A_841, %sub3A_713 : vector<512xf32>
      %get3A_843 = arith.constant 0 : index
      %get3A_844 = arith.constant 29 : index
      %get3A_845 = arith.index_cast %scan3A_80 : i32 to index
      %get3A_846 = arith.constant 0 : index
      %get3A_847 = vector.load %arg3[%get3A_843, %get3A_844, %get3A_845, %get3A_846] : memref<2x51x8x512xf32, #tpu.memory_space<vmem>>, vector<1x1x1x512xf32>
      %get3A_848 = vector.shape_cast %get3A_847 : vector<1x1x1x512xf32> to vector<512xf32>
      %mul3A_849 = arith.mulf %mul3A_842, %get3A_848 : vector<512xf32>
      %add3A_850 = arith.addf %add3A_829, %mul3A_849 : vector<512xf32>
      %get3A_851 = arith.constant 1 : index
      %get3A_852 = arith.constant 29 : index
      %get3A_853 = arith.index_cast %scan3A_80 : i32 to index
      %get3A_854 = arith.constant 0 : index
      %get3A_855 = vector.load %arg3[%get3A_851, %get3A_852, %get3A_853, %get3A_854] : memref<2x51x8x512xf32, #tpu.memory_space<vmem>>, vector<1x1x1x512xf32>
      %get3A_856 = vector.shape_cast %get3A_855 : vector<1x1x1x512xf32> to vector<512xf32>
      %mul3A_857 = arith.mulf %mul3A_842, %get3A_856 : vector<512xf32>
      %add3A_858 = arith.addf %add3A_837, %mul3A_857 : vector<512xf32>
      %sub3A_859 = arith.constant 1.000000e+00 : f32
      %sub3A_860 = vector.broadcast %sub3A_859 : f32 to vector<512xf32>
      %sub3A_861 = arith.subf %sub3A_860, %sub3A_713 : vector<512xf32>
      %mul3A_862 = arith.mulf %sub3A_703, %sub3A_708 : vector<512xf32>
      %mul3A_863 = arith.mulf %mul3A_862, %sub3A_861 : vector<512xf32>
      %get3A_864 = arith.constant 0 : index
      %get3A_865 = arith.constant 30 : index
      %get3A_866 = arith.index_cast %scan3A_80 : i32 to index
      %get3A_867 = arith.constant 0 : index
      %get3A_868 = vector.load %arg3[%get3A_864, %get3A_865, %get3A_866, %get3A_867] : memref<2x51x8x512xf32, #tpu.memory_space<vmem>>, vector<1x1x1x512xf32>
      %get3A_869 = vector.shape_cast %get3A_868 : vector<1x1x1x512xf32> to vector<512xf32>
      %mul3A_870 = arith.mulf %mul3A_863, %get3A_869 : vector<512xf32>
      %add3A_871 = arith.addf %add3A_850, %mul3A_870 : vector<512xf32>
      %get3A_872 = arith.constant 1 : index
      %get3A_873 = arith.constant 30 : index
      %get3A_874 = arith.index_cast %scan3A_80 : i32 to index
      %get3A_875 = arith.constant 0 : index
      %get3A_876 = vector.load %arg3[%get3A_872, %get3A_873, %get3A_874, %get3A_875] : memref<2x51x8x512xf32, #tpu.memory_space<vmem>>, vector<1x1x1x512xf32>
      %get3A_877 = vector.shape_cast %get3A_876 : vector<1x1x1x512xf32> to vector<512xf32>
      %mul3A_878 = arith.mulf %mul3A_863, %get3A_877 : vector<512xf32>
      %add3A_879 = arith.addf %add3A_858, %mul3A_878 : vector<512xf32>
      %mul3A_880 = arith.mulf %sub3A_703, %sub3A_708 : vector<512xf32>
      %mul3A_881 = arith.mulf %mul3A_880, %sub3A_713 : vector<512xf32>
      %get3A_882 = arith.constant 0 : index
      %get3A_883 = arith.constant 31 : index
      %get3A_884 = arith.index_cast %scan3A_80 : i32 to index
      %get3A_885 = arith.constant 0 : index
      %get3A_886 = vector.load %arg3[%get3A_882, %get3A_883, %get3A_884, %get3A_885] : memref<2x51x8x512xf32, #tpu.memory_space<vmem>>, vector<1x1x1x512xf32>
      %get3A_887 = vector.shape_cast %get3A_886 : vector<1x1x1x512xf32> to vector<512xf32>
      %mul3A_888 = arith.mulf %mul3A_881, %get3A_887 : vector<512xf32>
      %add3A_889 = arith.addf %add3A_871, %mul3A_888 : vector<512xf32>
      %get3A_890 = arith.constant 1 : index
      %get3A_891 = arith.constant 31 : index
      %get3A_892 = arith.index_cast %scan3A_80 : i32 to index
      %get3A_893 = arith.constant 0 : index
      %get3A_894 = vector.load %arg3[%get3A_890, %get3A_891, %get3A_892, %get3A_893] : memref<2x51x8x512xf32, #tpu.memory_space<vmem>>, vector<1x1x1x512xf32>
      %get3A_895 = vector.shape_cast %get3A_894 : vector<1x1x1x512xf32> to vector<512xf32>
      %mul3A_896 = arith.mulf %mul3A_881, %get3A_895 : vector<512xf32>
      %add3A_897 = arith.addf %add3A_879, %mul3A_896 : vector<512xf32>
      %mul3A_898 = arith.constant 5.000000e-01 : f32
      %mul3A_899 = vector.broadcast %mul3A_898 : f32 to vector<512xf32>
      %mul3A_900 = arith.mulf %convert_element_type3A_95, %mul3A_899 : vector<512xf32>
      %floor3A_901 = math.floor %mul3A_900 : vector<512xf32>
      %sub3A_902 = arith.subf %mul3A_900, %floor3A_901 : vector<512xf32>
      %mul3A_903 = arith.constant 5.000000e-01 : f32
      %mul3A_904 = vector.broadcast %mul3A_903 : f32 to vector<512xf32>
      %mul3A_905 = arith.mulf %convert_element_type3A_98, %mul3A_904 : vector<512xf32>
      %floor3A_906 = math.floor %mul3A_905 : vector<512xf32>
      %sub3A_907 = arith.subf %mul3A_905, %floor3A_906 : vector<512xf32>
      %mul3A_908 = arith.constant 5.000000e-01 : f32
      %mul3A_909 = vector.broadcast %mul3A_908 : f32 to vector<512xf32>
      %mul3A_910 = arith.mulf %convert_element_type3A_101, %mul3A_909 : vector<512xf32>
      %floor3A_911 = math.floor %mul3A_910 : vector<512xf32>
      %sub3A_912 = arith.subf %mul3A_910, %floor3A_911 : vector<512xf32>
      %broadcast_in_dim3A_913 = arith.constant 0.000000e+00 : f32
      %broadcast_in_dim3A_914 = vector.broadcast %broadcast_in_dim3A_913 : f32 to vector<512xf32>
      %broadcast_in_dim3A_915 = arith.constant 0.000000e+00 : f32
      %broadcast_in_dim3A_916 = vector.broadcast %broadcast_in_dim3A_915 : f32 to vector<512xf32>
      %sub3A_917 = arith.constant 1.000000e+00 : f32
      %sub3A_918 = vector.broadcast %sub3A_917 : f32 to vector<512xf32>
      %sub3A_919 = arith.subf %sub3A_918, %sub3A_902 : vector<512xf32>
      %sub3A_920 = arith.constant 1.000000e+00 : f32
      %sub3A_921 = vector.broadcast %sub3A_920 : f32 to vector<512xf32>
      %sub3A_922 = arith.subf %sub3A_921, %sub3A_907 : vector<512xf32>
      %sub3A_923 = arith.constant 1.000000e+00 : f32
      %sub3A_924 = vector.broadcast %sub3A_923 : f32 to vector<512xf32>
      %sub3A_925 = arith.subf %sub3A_924, %sub3A_912 : vector<512xf32>
      %mul3A_926 = arith.mulf %sub3A_919, %sub3A_922 : vector<512xf32>
      %mul3A_927 = arith.mulf %mul3A_926, %sub3A_925 : vector<512xf32>
      %get3A_928 = arith.constant 0 : index
      %get3A_929 = arith.constant 32 : index
      %get3A_930 = arith.index_cast %scan3A_80 : i32 to index
      %get3A_931 = arith.constant 0 : index
      %get3A_932 = vector.load %arg3[%get3A_928, %get3A_929, %get3A_930, %get3A_931] : memref<2x51x8x512xf32, #tpu.memory_space<vmem>>, vector<1x1x1x512xf32>
      %get3A_933 = vector.shape_cast %get3A_932 : vector<1x1x1x512xf32> to vector<512xf32>
      %mul3A_934 = arith.mulf %mul3A_927, %get3A_933 : vector<512xf32>
      %add3A_935 = arith.addf %broadcast_in_dim3A_914, %mul3A_934 : vector<512xf32>
      %get3A_936 = arith.constant 1 : index
      %get3A_937 = arith.constant 32 : index
      %get3A_938 = arith.index_cast %scan3A_80 : i32 to index
      %get3A_939 = arith.constant 0 : index
      %get3A_940 = vector.load %arg3[%get3A_936, %get3A_937, %get3A_938, %get3A_939] : memref<2x51x8x512xf32, #tpu.memory_space<vmem>>, vector<1x1x1x512xf32>
      %get3A_941 = vector.shape_cast %get3A_940 : vector<1x1x1x512xf32> to vector<512xf32>
      %mul3A_942 = arith.mulf %mul3A_927, %get3A_941 : vector<512xf32>
      %add3A_943 = arith.addf %broadcast_in_dim3A_916, %mul3A_942 : vector<512xf32>
      %sub3A_944 = arith.constant 1.000000e+00 : f32
      %sub3A_945 = vector.broadcast %sub3A_944 : f32 to vector<512xf32>
      %sub3A_946 = arith.subf %sub3A_945, %sub3A_902 : vector<512xf32>
      %sub3A_947 = arith.constant 1.000000e+00 : f32
      %sub3A_948 = vector.broadcast %sub3A_947 : f32 to vector<512xf32>
      %sub3A_949 = arith.subf %sub3A_948, %sub3A_907 : vector<512xf32>
      %mul3A_950 = arith.mulf %sub3A_946, %sub3A_949 : vector<512xf32>
      %mul3A_951 = arith.mulf %mul3A_950, %sub3A_912 : vector<512xf32>
      %get3A_952 = arith.constant 0 : index
      %get3A_953 = arith.constant 33 : index
      %get3A_954 = arith.index_cast %scan3A_80 : i32 to index
      %get3A_955 = arith.constant 0 : index
      %get3A_956 = vector.load %arg3[%get3A_952, %get3A_953, %get3A_954, %get3A_955] : memref<2x51x8x512xf32, #tpu.memory_space<vmem>>, vector<1x1x1x512xf32>
      %get3A_957 = vector.shape_cast %get3A_956 : vector<1x1x1x512xf32> to vector<512xf32>
      %mul3A_958 = arith.mulf %mul3A_951, %get3A_957 : vector<512xf32>
      %add3A_959 = arith.addf %add3A_935, %mul3A_958 : vector<512xf32>
      %get3A_960 = arith.constant 1 : index
      %get3A_961 = arith.constant 33 : index
      %get3A_962 = arith.index_cast %scan3A_80 : i32 to index
      %get3A_963 = arith.constant 0 : index
      %get3A_964 = vector.load %arg3[%get3A_960, %get3A_961, %get3A_962, %get3A_963] : memref<2x51x8x512xf32, #tpu.memory_space<vmem>>, vector<1x1x1x512xf32>
      %get3A_965 = vector.shape_cast %get3A_964 : vector<1x1x1x512xf32> to vector<512xf32>
      %mul3A_966 = arith.mulf %mul3A_951, %get3A_965 : vector<512xf32>
      %add3A_967 = arith.addf %add3A_943, %mul3A_966 : vector<512xf32>
      %sub3A_968 = arith.constant 1.000000e+00 : f32
      %sub3A_969 = vector.broadcast %sub3A_968 : f32 to vector<512xf32>
      %sub3A_970 = arith.subf %sub3A_969, %sub3A_902 : vector<512xf32>
      %sub3A_971 = arith.constant 1.000000e+00 : f32
      %sub3A_972 = vector.broadcast %sub3A_971 : f32 to vector<512xf32>
      %sub3A_973 = arith.subf %sub3A_972, %sub3A_912 : vector<512xf32>
      %mul3A_974 = arith.mulf %sub3A_970, %sub3A_907 : vector<512xf32>
      %mul3A_975 = arith.mulf %mul3A_974, %sub3A_973 : vector<512xf32>
      %get3A_976 = arith.constant 0 : index
      %get3A_977 = arith.constant 34 : index
      %get3A_978 = arith.index_cast %scan3A_80 : i32 to index
      %get3A_979 = arith.constant 0 : index
      %get3A_980 = vector.load %arg3[%get3A_976, %get3A_977, %get3A_978, %get3A_979] : memref<2x51x8x512xf32, #tpu.memory_space<vmem>>, vector<1x1x1x512xf32>
      %get3A_981 = vector.shape_cast %get3A_980 : vector<1x1x1x512xf32> to vector<512xf32>
      %mul3A_982 = arith.mulf %mul3A_975, %get3A_981 : vector<512xf32>
      %add3A_983 = arith.addf %add3A_959, %mul3A_982 : vector<512xf32>
      %get3A_984 = arith.constant 1 : index
      %get3A_985 = arith.constant 34 : index
      %get3A_986 = arith.index_cast %scan3A_80 : i32 to index
      %get3A_987 = arith.constant 0 : index
      %get3A_988 = vector.load %arg3[%get3A_984, %get3A_985, %get3A_986, %get3A_987] : memref<2x51x8x512xf32, #tpu.memory_space<vmem>>, vector<1x1x1x512xf32>
      %get3A_989 = vector.shape_cast %get3A_988 : vector<1x1x1x512xf32> to vector<512xf32>
      %mul3A_990 = arith.mulf %mul3A_975, %get3A_989 : vector<512xf32>
      %add3A_991 = arith.addf %add3A_967, %mul3A_990 : vector<512xf32>
      %sub3A_992 = arith.constant 1.000000e+00 : f32
      %sub3A_993 = vector.broadcast %sub3A_992 : f32 to vector<512xf32>
      %sub3A_994 = arith.subf %sub3A_993, %sub3A_902 : vector<512xf32>
      %mul3A_995 = arith.mulf %sub3A_994, %sub3A_907 : vector<512xf32>
      %mul3A_996 = arith.mulf %mul3A_995, %sub3A_912 : vector<512xf32>
      %get3A_997 = arith.constant 0 : index
      %get3A_998 = arith.constant 35 : index
      %get3A_999 = arith.index_cast %scan3A_80 : i32 to index
      %get3A_1000 = arith.constant 0 : index
      %get3A_1001 = vector.load %arg3[%get3A_997, %get3A_998, %get3A_999, %get3A_1000] : memref<2x51x8x512xf32, #tpu.memory_space<vmem>>, vector<1x1x1x512xf32>
      %get3A_1002 = vector.shape_cast %get3A_1001 : vector<1x1x1x512xf32> to vector<512xf32>
      %mul3A_1003 = arith.mulf %mul3A_996, %get3A_1002 : vector<512xf32>
      %add3A_1004 = arith.addf %add3A_983, %mul3A_1003 : vector<512xf32>
      %get3A_1005 = arith.constant 1 : index
      %get3A_1006 = arith.constant 35 : index
      %get3A_1007 = arith.index_cast %scan3A_80 : i32 to index
      %get3A_1008 = arith.constant 0 : index
      %get3A_1009 = vector.load %arg3[%get3A_1005, %get3A_1006, %get3A_1007, %get3A_1008] : memref<2x51x8x512xf32, #tpu.memory_space<vmem>>, vector<1x1x1x512xf32>
      %get3A_1010 = vector.shape_cast %get3A_1009 : vector<1x1x1x512xf32> to vector<512xf32>
      %mul3A_1011 = arith.mulf %mul3A_996, %get3A_1010 : vector<512xf32>
      %add3A_1012 = arith.addf %add3A_991, %mul3A_1011 : vector<512xf32>
      %sub3A_1013 = arith.constant 1.000000e+00 : f32
      %sub3A_1014 = vector.broadcast %sub3A_1013 : f32 to vector<512xf32>
      %sub3A_1015 = arith.subf %sub3A_1014, %sub3A_907 : vector<512xf32>
      %sub3A_1016 = arith.constant 1.000000e+00 : f32
      %sub3A_1017 = vector.broadcast %sub3A_1016 : f32 to vector<512xf32>
      %sub3A_1018 = arith.subf %sub3A_1017, %sub3A_912 : vector<512xf32>
      %mul3A_1019 = arith.mulf %sub3A_902, %sub3A_1015 : vector<512xf32>
      %mul3A_1020 = arith.mulf %mul3A_1019, %sub3A_1018 : vector<512xf32>
      %get3A_1021 = arith.constant 0 : index
      %get3A_1022 = arith.constant 36 : index
      %get3A_1023 = arith.index_cast %scan3A_80 : i32 to index
      %get3A_1024 = arith.constant 0 : index
      %get3A_1025 = vector.load %arg3[%get3A_1021, %get3A_1022, %get3A_1023, %get3A_1024] : memref<2x51x8x512xf32, #tpu.memory_space<vmem>>, vector<1x1x1x512xf32>
      %get3A_1026 = vector.shape_cast %get3A_1025 : vector<1x1x1x512xf32> to vector<512xf32>
      %mul3A_1027 = arith.mulf %mul3A_1020, %get3A_1026 : vector<512xf32>
      %add3A_1028 = arith.addf %add3A_1004, %mul3A_1027 : vector<512xf32>
      %get3A_1029 = arith.constant 1 : index
      %get3A_1030 = arith.constant 36 : index
      %get3A_1031 = arith.index_cast %scan3A_80 : i32 to index
      %get3A_1032 = arith.constant 0 : index
      %get3A_1033 = vector.load %arg3[%get3A_1029, %get3A_1030, %get3A_1031, %get3A_1032] : memref<2x51x8x512xf32, #tpu.memory_space<vmem>>, vector<1x1x1x512xf32>
      %get3A_1034 = vector.shape_cast %get3A_1033 : vector<1x1x1x512xf32> to vector<512xf32>
      %mul3A_1035 = arith.mulf %mul3A_1020, %get3A_1034 : vector<512xf32>
      %add3A_1036 = arith.addf %add3A_1012, %mul3A_1035 : vector<512xf32>
      %sub3A_1037 = arith.constant 1.000000e+00 : f32
      %sub3A_1038 = vector.broadcast %sub3A_1037 : f32 to vector<512xf32>
      %sub3A_1039 = arith.subf %sub3A_1038, %sub3A_907 : vector<512xf32>
      %mul3A_1040 = arith.mulf %sub3A_902, %sub3A_1039 : vector<512xf32>
      %mul3A_1041 = arith.mulf %mul3A_1040, %sub3A_912 : vector<512xf32>
      %get3A_1042 = arith.constant 0 : index
      %get3A_1043 = arith.constant 37 : index
      %get3A_1044 = arith.index_cast %scan3A_80 : i32 to index
      %get3A_1045 = arith.constant 0 : index
      %get3A_1046 = vector.load %arg3[%get3A_1042, %get3A_1043, %get3A_1044, %get3A_1045] : memref<2x51x8x512xf32, #tpu.memory_space<vmem>>, vector<1x1x1x512xf32>
      %get3A_1047 = vector.shape_cast %get3A_1046 : vector<1x1x1x512xf32> to vector<512xf32>
      %mul3A_1048 = arith.mulf %mul3A_1041, %get3A_1047 : vector<512xf32>
      %add3A_1049 = arith.addf %add3A_1028, %mul3A_1048 : vector<512xf32>
      %get3A_1050 = arith.constant 1 : index
      %get3A_1051 = arith.constant 37 : index
      %get3A_1052 = arith.index_cast %scan3A_80 : i32 to index
      %get3A_1053 = arith.constant 0 : index
      %get3A_1054 = vector.load %arg3[%get3A_1050, %get3A_1051, %get3A_1052, %get3A_1053] : memref<2x51x8x512xf32, #tpu.memory_space<vmem>>, vector<1x1x1x512xf32>
      %get3A_1055 = vector.shape_cast %get3A_1054 : vector<1x1x1x512xf32> to vector<512xf32>
      %mul3A_1056 = arith.mulf %mul3A_1041, %get3A_1055 : vector<512xf32>
      %add3A_1057 = arith.addf %add3A_1036, %mul3A_1056 : vector<512xf32>
      %sub3A_1058 = arith.constant 1.000000e+00 : f32
      %sub3A_1059 = vector.broadcast %sub3A_1058 : f32 to vector<512xf32>
      %sub3A_1060 = arith.subf %sub3A_1059, %sub3A_912 : vector<512xf32>
      %mul3A_1061 = arith.mulf %sub3A_902, %sub3A_907 : vector<512xf32>
      %mul3A_1062 = arith.mulf %mul3A_1061, %sub3A_1060 : vector<512xf32>
      %get3A_1063 = arith.constant 0 : index
      %get3A_1064 = arith.constant 38 : index
      %get3A_1065 = arith.index_cast %scan3A_80 : i32 to index
      %get3A_1066 = arith.constant 0 : index
      %get3A_1067 = vector.load %arg3[%get3A_1063, %get3A_1064, %get3A_1065, %get3A_1066] : memref<2x51x8x512xf32, #tpu.memory_space<vmem>>, vector<1x1x1x512xf32>
      %get3A_1068 = vector.shape_cast %get3A_1067 : vector<1x1x1x512xf32> to vector<512xf32>
      %mul3A_1069 = arith.mulf %mul3A_1062, %get3A_1068 : vector<512xf32>
      %add3A_1070 = arith.addf %add3A_1049, %mul3A_1069 : vector<512xf32>
      %get3A_1071 = arith.constant 1 : index
      %get3A_1072 = arith.constant 38 : index
      %get3A_1073 = arith.index_cast %scan3A_80 : i32 to index
      %get3A_1074 = arith.constant 0 : index
      %get3A_1075 = vector.load %arg3[%get3A_1071, %get3A_1072, %get3A_1073, %get3A_1074] : memref<2x51x8x512xf32, #tpu.memory_space<vmem>>, vector<1x1x1x512xf32>
      %get3A_1076 = vector.shape_cast %get3A_1075 : vector<1x1x1x512xf32> to vector<512xf32>
      %mul3A_1077 = arith.mulf %mul3A_1062, %get3A_1076 : vector<512xf32>
      %add3A_1078 = arith.addf %add3A_1057, %mul3A_1077 : vector<512xf32>
      %mul3A_1079 = arith.mulf %sub3A_902, %sub3A_907 : vector<512xf32>
      %mul3A_1080 = arith.mulf %mul3A_1079, %sub3A_912 : vector<512xf32>
      %get3A_1081 = arith.constant 0 : index
      %get3A_1082 = arith.constant 39 : index
      %get3A_1083 = arith.index_cast %scan3A_80 : i32 to index
      %get3A_1084 = arith.constant 0 : index
      %get3A_1085 = vector.load %arg3[%get3A_1081, %get3A_1082, %get3A_1083, %get3A_1084] : memref<2x51x8x512xf32, #tpu.memory_space<vmem>>, vector<1x1x1x512xf32>
      %get3A_1086 = vector.shape_cast %get3A_1085 : vector<1x1x1x512xf32> to vector<512xf32>
      %mul3A_1087 = arith.mulf %mul3A_1080, %get3A_1086 : vector<512xf32>
      %add3A_1088 = arith.addf %add3A_1070, %mul3A_1087 : vector<512xf32>
      %get3A_1089 = arith.constant 1 : index
      %get3A_1090 = arith.constant 39 : index
      %get3A_1091 = arith.index_cast %scan3A_80 : i32 to index
      %get3A_1092 = arith.constant 0 : index
      %get3A_1093 = vector.load %arg3[%get3A_1089, %get3A_1090, %get3A_1091, %get3A_1092] : memref<2x51x8x512xf32, #tpu.memory_space<vmem>>, vector<1x1x1x512xf32>
      %get3A_1094 = vector.shape_cast %get3A_1093 : vector<1x1x1x512xf32> to vector<512xf32>
      %mul3A_1095 = arith.mulf %mul3A_1080, %get3A_1094 : vector<512xf32>
      %add3A_1096 = arith.addf %add3A_1078, %mul3A_1095 : vector<512xf32>
      %get3A_1097 = arith.constant 0 : index
      %get3A_1098 = arith.constant 40 : index
      %get3A_1099 = arith.index_cast %scan3A_80 : i32 to index
      %get3A_1100 = arith.constant 0 : index
      %get3A_1101 = vector.load %arg3[%get3A_1097, %get3A_1098, %get3A_1099, %get3A_1100] : memref<2x51x8x512xf32, #tpu.memory_space<vmem>>, vector<1x1x1x512xf32>
      %get3A_1102 = vector.shape_cast %get3A_1101 : vector<1x1x1x512xf32> to vector<512xf32>
      %get3A_1103 = arith.constant 1 : index
      %get3A_1104 = arith.constant 40 : index
      %get3A_1105 = arith.index_cast %scan3A_80 : i32 to index
      %get3A_1106 = arith.constant 0 : index
      %get3A_1107 = vector.load %arg3[%get3A_1103, %get3A_1104, %get3A_1105, %get3A_1106] : memref<2x51x8x512xf32, #tpu.memory_space<vmem>>, vector<1x1x1x512xf32>
      %get3A_1108 = vector.shape_cast %get3A_1107 : vector<1x1x1x512xf32> to vector<512xf32>
      %get3A_1109 = arith.constant 0 : index
      %get3A_1110 = arith.constant 41 : index
      %get3A_1111 = arith.index_cast %scan3A_80 : i32 to index
      %get3A_1112 = arith.constant 0 : index
      %get3A_1113 = vector.load %arg3[%get3A_1109, %get3A_1110, %get3A_1111, %get3A_1112] : memref<2x51x8x512xf32, #tpu.memory_space<vmem>>, vector<1x1x1x512xf32>
      %get3A_1114 = vector.shape_cast %get3A_1113 : vector<1x1x1x512xf32> to vector<512xf32>
      %get3A_1115 = arith.constant 1 : index
      %get3A_1116 = arith.constant 41 : index
      %get3A_1117 = arith.index_cast %scan3A_80 : i32 to index
      %get3A_1118 = arith.constant 0 : index
      %get3A_1119 = vector.load %arg3[%get3A_1115, %get3A_1116, %get3A_1117, %get3A_1118] : memref<2x51x8x512xf32, #tpu.memory_space<vmem>>, vector<1x1x1x512xf32>
      %get3A_1120 = vector.shape_cast %get3A_1119 : vector<1x1x1x512xf32> to vector<512xf32>
      %get3A_1121 = arith.constant 0 : index
      %get3A_1122 = arith.constant 42 : index
      %get3A_1123 = arith.index_cast %scan3A_80 : i32 to index
      %get3A_1124 = arith.constant 0 : index
      %get3A_1125 = vector.load %arg3[%get3A_1121, %get3A_1122, %get3A_1123, %get3A_1124] : memref<2x51x8x512xf32, #tpu.memory_space<vmem>>, vector<1x1x1x512xf32>
      %get3A_1126 = vector.shape_cast %get3A_1125 : vector<1x1x1x512xf32> to vector<512xf32>
      %get3A_1127 = arith.constant 1 : index
      %get3A_1128 = arith.constant 42 : index
      %get3A_1129 = arith.index_cast %scan3A_80 : i32 to index
      %get3A_1130 = arith.constant 0 : index
      %get3A_1131 = vector.load %arg3[%get3A_1127, %get3A_1128, %get3A_1129, %get3A_1130] : memref<2x51x8x512xf32, #tpu.memory_space<vmem>>, vector<1x1x1x512xf32>
      %get3A_1132 = vector.shape_cast %get3A_1131 : vector<1x1x1x512xf32> to vector<512xf32>
      %get3A_1133 = arith.constant 0 : index
      %get3A_1134 = arith.constant 43 : index
      %get3A_1135 = arith.index_cast %scan3A_80 : i32 to index
      %get3A_1136 = arith.constant 0 : index
      %get3A_1137 = vector.load %arg3[%get3A_1133, %get3A_1134, %get3A_1135, %get3A_1136] : memref<2x51x8x512xf32, #tpu.memory_space<vmem>>, vector<1x1x1x512xf32>
      %get3A_1138 = vector.shape_cast %get3A_1137 : vector<1x1x1x512xf32> to vector<512xf32>
      %get3A_1139 = arith.constant 1 : index
      %get3A_1140 = arith.constant 43 : index
      %get3A_1141 = arith.index_cast %scan3A_80 : i32 to index
      %get3A_1142 = arith.constant 0 : index
      %get3A_1143 = vector.load %arg3[%get3A_1139, %get3A_1140, %get3A_1141, %get3A_1142] : memref<2x51x8x512xf32, #tpu.memory_space<vmem>>, vector<1x1x1x512xf32>
      %get3A_1144 = vector.shape_cast %get3A_1143 : vector<1x1x1x512xf32> to vector<512xf32>
      %get3A_1145 = arith.constant 0 : index
      %get3A_1146 = arith.constant 44 : index
      %get3A_1147 = arith.index_cast %scan3A_80 : i32 to index
      %get3A_1148 = arith.constant 0 : index
      %get3A_1149 = vector.load %arg3[%get3A_1145, %get3A_1146, %get3A_1147, %get3A_1148] : memref<2x51x8x512xf32, #tpu.memory_space<vmem>>, vector<1x1x1x512xf32>
      %get3A_1150 = vector.shape_cast %get3A_1149 : vector<1x1x1x512xf32> to vector<512xf32>
      %get3A_1151 = arith.constant 1 : index
      %get3A_1152 = arith.constant 44 : index
      %get3A_1153 = arith.index_cast %scan3A_80 : i32 to index
      %get3A_1154 = arith.constant 0 : index
      %get3A_1155 = vector.load %arg3[%get3A_1151, %get3A_1152, %get3A_1153, %get3A_1154] : memref<2x51x8x512xf32, #tpu.memory_space<vmem>>, vector<1x1x1x512xf32>
      %get3A_1156 = vector.shape_cast %get3A_1155 : vector<1x1x1x512xf32> to vector<512xf32>
      %get3A_1157 = arith.constant 0 : index
      %get3A_1158 = arith.constant 45 : index
      %get3A_1159 = arith.index_cast %scan3A_80 : i32 to index
      %get3A_1160 = arith.constant 0 : index
      %get3A_1161 = vector.load %arg3[%get3A_1157, %get3A_1158, %get3A_1159, %get3A_1160] : memref<2x51x8x512xf32, #tpu.memory_space<vmem>>, vector<1x1x1x512xf32>
      %get3A_1162 = vector.shape_cast %get3A_1161 : vector<1x1x1x512xf32> to vector<512xf32>
      %get3A_1163 = arith.constant 1 : index
      %get3A_1164 = arith.constant 45 : index
      %get3A_1165 = arith.index_cast %scan3A_80 : i32 to index
      %get3A_1166 = arith.constant 0 : index
      %get3A_1167 = vector.load %arg3[%get3A_1163, %get3A_1164, %get3A_1165, %get3A_1166] : memref<2x51x8x512xf32, #tpu.memory_space<vmem>>, vector<1x1x1x512xf32>
      %get3A_1168 = vector.shape_cast %get3A_1167 : vector<1x1x1x512xf32> to vector<512xf32>
      %get3A_1169 = arith.constant 0 : index
      %get3A_1170 = arith.constant 46 : index
      %get3A_1171 = arith.index_cast %scan3A_80 : i32 to index
      %get3A_1172 = arith.constant 0 : index
      %get3A_1173 = vector.load %arg3[%get3A_1169, %get3A_1170, %get3A_1171, %get3A_1172] : memref<2x51x8x512xf32, #tpu.memory_space<vmem>>, vector<1x1x1x512xf32>
      %get3A_1174 = vector.shape_cast %get3A_1173 : vector<1x1x1x512xf32> to vector<512xf32>
      %get3A_1175 = arith.constant 1 : index
      %get3A_1176 = arith.constant 46 : index
      %get3A_1177 = arith.index_cast %scan3A_80 : i32 to index
      %get3A_1178 = arith.constant 0 : index
      %get3A_1179 = vector.load %arg3[%get3A_1175, %get3A_1176, %get3A_1177, %get3A_1178] : memref<2x51x8x512xf32, #tpu.memory_space<vmem>>, vector<1x1x1x512xf32>
      %get3A_1180 = vector.shape_cast %get3A_1179 : vector<1x1x1x512xf32> to vector<512xf32>
      %get3A_1181 = arith.constant 0 : index
      %get3A_1182 = arith.constant 47 : index
      %get3A_1183 = arith.index_cast %scan3A_80 : i32 to index
      %get3A_1184 = arith.constant 0 : index
      %get3A_1185 = vector.load %arg3[%get3A_1181, %get3A_1182, %get3A_1183, %get3A_1184] : memref<2x51x8x512xf32, #tpu.memory_space<vmem>>, vector<1x1x1x512xf32>
      %get3A_1186 = vector.shape_cast %get3A_1185 : vector<1x1x1x512xf32> to vector<512xf32>
      %get3A_1187 = arith.constant 1 : index
      %get3A_1188 = arith.constant 47 : index
      %get3A_1189 = arith.index_cast %scan3A_80 : i32 to index
      %get3A_1190 = arith.constant 0 : index
      %get3A_1191 = vector.load %arg3[%get3A_1187, %get3A_1188, %get3A_1189, %get3A_1190] : memref<2x51x8x512xf32, #tpu.memory_space<vmem>>, vector<1x1x1x512xf32>
      %get3A_1192 = vector.shape_cast %get3A_1191 : vector<1x1x1x512xf32> to vector<512xf32>
      %get3A_1193 = arith.constant 0 : index
      %get3A_1194 = arith.constant 48 : index
      %get3A_1195 = arith.index_cast %scan3A_80 : i32 to index
      %get3A_1196 = arith.constant 0 : index
      %get3A_1197 = vector.load %arg3[%get3A_1193, %get3A_1194, %get3A_1195, %get3A_1196] : memref<2x51x8x512xf32, #tpu.memory_space<vmem>>, vector<1x1x1x512xf32>
      %get3A_1198 = vector.shape_cast %get3A_1197 : vector<1x1x1x512xf32> to vector<512xf32>
      %get3A_1199 = arith.constant 1 : index
      %get3A_1200 = arith.constant 48 : index
      %get3A_1201 = arith.index_cast %scan3A_80 : i32 to index
      %get3A_1202 = arith.constant 0 : index
      %get3A_1203 = vector.load %arg3[%get3A_1199, %get3A_1200, %get3A_1201, %get3A_1202] : memref<2x51x8x512xf32, #tpu.memory_space<vmem>>, vector<1x1x1x512xf32>
      %get3A_1204 = vector.shape_cast %get3A_1203 : vector<1x1x1x512xf32> to vector<512xf32>
      %get3A_1205 = arith.constant 0 : index
      %get3A_1206 = arith.constant 49 : index
      %get3A_1207 = arith.index_cast %scan3A_80 : i32 to index
      %get3A_1208 = arith.constant 0 : index
      %get3A_1209 = vector.load %arg3[%get3A_1205, %get3A_1206, %get3A_1207, %get3A_1208] : memref<2x51x8x512xf32, #tpu.memory_space<vmem>>, vector<1x1x1x512xf32>
      %get3A_1210 = vector.shape_cast %get3A_1209 : vector<1x1x1x512xf32> to vector<512xf32>
      %get3A_1211 = arith.constant 1 : index
      %get3A_1212 = arith.constant 49 : index
      %get3A_1213 = arith.index_cast %scan3A_80 : i32 to index
      %get3A_1214 = arith.constant 0 : index
      %get3A_1215 = vector.load %arg3[%get3A_1211, %get3A_1212, %get3A_1213, %get3A_1214] : memref<2x51x8x512xf32, #tpu.memory_space<vmem>>, vector<1x1x1x512xf32>
      %get3A_1216 = vector.shape_cast %get3A_1215 : vector<1x1x1x512xf32> to vector<512xf32>
      %get3A_1217 = arith.constant 0 : index
      %get3A_1218 = arith.constant 50 : index
      %get3A_1219 = arith.index_cast %scan3A_80 : i32 to index
      %get3A_1220 = arith.constant 0 : index
      %get3A_1221 = vector.load %arg3[%get3A_1217, %get3A_1218, %get3A_1219, %get3A_1220] : memref<2x51x8x512xf32, #tpu.memory_space<vmem>>, vector<1x1x1x512xf32>
      %get3A_1222 = vector.shape_cast %get3A_1221 : vector<1x1x1x512xf32> to vector<512xf32>
      %get3A_1223 = arith.constant 1 : index
      %get3A_1224 = arith.constant 50 : index
      %get3A_1225 = arith.index_cast %scan3A_80 : i32 to index
      %get3A_1226 = arith.constant 0 : index
      %get3A_1227 = vector.load %arg3[%get3A_1223, %get3A_1224, %get3A_1225, %get3A_1226] : memref<2x51x8x512xf32, #tpu.memory_space<vmem>>, vector<1x1x1x512xf32>
      %get3A_1228 = vector.shape_cast %get3A_1227 : vector<1x1x1x512xf32> to vector<512xf32>
      %stack3A = vector.shape_cast %add3A_292 : vector<512xf32> to vector<1x512xf32>
      %stack3A_1229 = vector.shape_cast %add3A_300 : vector<512xf32> to vector<1x512xf32>
      %stack3A_1230 = vector.shape_cast %add3A_491 : vector<512xf32> to vector<1x512xf32>
      %stack3A_1231 = vector.shape_cast %add3A_499 : vector<512xf32> to vector<1x512xf32>
      %stack3A_1232 = vector.shape_cast %add3A_690 : vector<512xf32> to vector<1x512xf32>
      %stack3A_1233 = vector.shape_cast %add3A_698 : vector<512xf32> to vector<1x512xf32>
      %stack3A_1234 = vector.shape_cast %add3A_889 : vector<512xf32> to vector<1x512xf32>
      %stack3A_1235 = vector.shape_cast %add3A_897 : vector<512xf32> to vector<1x512xf32>
      %stack3A_1236 = vector.shape_cast %add3A_1088 : vector<512xf32> to vector<1x512xf32>
      %stack3A_1237 = vector.shape_cast %add3A_1096 : vector<512xf32> to vector<1x512xf32>
      %stack3A_1238 = vector.shape_cast %get3A_1102 : vector<512xf32> to vector<1x512xf32>
      %stack3A_1239 = vector.shape_cast %get3A_1108 : vector<512xf32> to vector<1x512xf32>
      %stack3A_1240 = vector.shape_cast %get3A_1114 : vector<512xf32> to vector<1x512xf32>
      %stack3A_1241 = vector.shape_cast %get3A_1120 : vector<512xf32> to vector<1x512xf32>
      %stack3A_1242 = vector.shape_cast %get3A_1126 : vector<512xf32> to vector<1x512xf32>
      %stack3A_1243 = vector.shape_cast %get3A_1132 : vector<512xf32> to vector<1x512xf32>
      %stack3A_1244 = vector.shape_cast %get3A_1138 : vector<512xf32> to vector<1x512xf32>
      %stack3A_1245 = vector.shape_cast %get3A_1144 : vector<512xf32> to vector<1x512xf32>
      %stack3A_1246 = vector.shape_cast %get3A_1150 : vector<512xf32> to vector<1x512xf32>
      %stack3A_1247 = vector.shape_cast %get3A_1156 : vector<512xf32> to vector<1x512xf32>
      %stack3A_1248 = vector.shape_cast %get3A_1162 : vector<512xf32> to vector<1x512xf32>
      %stack3A_1249 = vector.shape_cast %get3A_1168 : vector<512xf32> to vector<1x512xf32>
      %stack3A_1250 = vector.shape_cast %get3A_1174 : vector<512xf32> to vector<1x512xf32>
      %stack3A_1251 = vector.shape_cast %get3A_1180 : vector<512xf32> to vector<1x512xf32>
      %stack3A_1252 = vector.shape_cast %get3A_1186 : vector<512xf32> to vector<1x512xf32>
      %stack3A_1253 = vector.shape_cast %get3A_1192 : vector<512xf32> to vector<1x512xf32>
      %stack3A_1254 = vector.shape_cast %get3A_1198 : vector<512xf32> to vector<1x512xf32>
      %stack3A_1255 = vector.shape_cast %get3A_1204 : vector<512xf32> to vector<1x512xf32>
      %stack3A_1256 = vector.shape_cast %get3A_1210 : vector<512xf32> to vector<1x512xf32>
      %stack3A_1257 = vector.shape_cast %get3A_1216 : vector<512xf32> to vector<1x512xf32>
      %stack3A_1258 = vector.shape_cast %get3A_1222 : vector<512xf32> to vector<1x512xf32>
      %stack3A_1259 = vector.shape_cast %get3A_1228 : vector<512xf32> to vector<1x512xf32>
      %stack3A_1260 = tpu.concatenate %stack3A, %stack3A_1229, %stack3A_1230, %stack3A_1231, %stack3A_1232, %stack3A_1233, %stack3A_1234, %stack3A_1235, %stack3A_1236, %stack3A_1237, %stack3A_1238, %stack3A_1239, %stack3A_1240, %stack3A_1241, %stack3A_1242, %stack3A_1243, %stack3A_1244, %stack3A_1245, %stack3A_1246, %stack3A_1247, %stack3A_1248, %stack3A_1249, %stack3A_1250, %stack3A_1251, %stack3A_1252, %stack3A_1253, %stack3A_1254, %stack3A_1255, %stack3A_1256, %stack3A_1257, %stack3A_1258, %stack3A_1259 in 0 : vector<1x512xf32>, vector<1x512xf32>, vector<1x512xf32>, vector<1x512xf32>, vector<1x512xf32>, vector<1x512xf32>, vector<1x512xf32>, vector<1x512xf32>, vector<1x512xf32>, vector<1x512xf32>, vector<1x512xf32>, vector<1x512xf32>, vector<1x512xf32>, vector<1x512xf32>, vector<1x512xf32>, vector<1x512xf32>, vector<1x512xf32>, vector<1x512xf32>, vector<1x512xf32>, vector<1x512xf32>, vector<1x512xf32>, vector<1x512xf32>, vector<1x512xf32>, vector<1x512xf32>, vector<1x512xf32>, vector<1x512xf32>, vector<1x512xf32>, vector<1x512xf32>, vector<1x512xf32>, vector<1x512xf32>, vector<1x512xf32>, vector<1x512xf32> -> vector<32x512xf32>
      %dot_general3A = arith.constant dense<0.000000e+00> : vector<64x512xf32>
      %dot_general3A_1261 = tpu.matmul %get3A_65, %stack3A_1260, %dot_general3A {dimension_numbers = #tpu.dot_dimension_numbers<[1], [0], [0], [1], [0, 0, 1, 1], [], []>, precision = #tpu.contract_precision<fp32>, transpose_lhs_hint = false} : vector<64x32xf32>, vector<32x512xf32>, vector<64x512xf32> -> vector<64x512xf32>
      %max3A_1262 = arith.constant 0.000000e+00 : f32
      %max3A_1263 = vector.broadcast %max3A_1262 : f32 to vector<64x512xf32>
      %max3A_1264 = arith.maximumf %dot_general3A_1261, %max3A_1263 : vector<64x512xf32>
      %dot_general3A_1265 = arith.constant dense<0.000000e+00> : vector<64x512xf32>
      %dot_general3A_1266 = tpu.matmul %get3A_68, %max3A_1264, %dot_general3A_1265 {dimension_numbers = #tpu.dot_dimension_numbers<[1], [0], [0], [1], [0, 0, 1, 1], [], []>, precision = #tpu.contract_precision<fp32>, transpose_lhs_hint = false} : vector<64x64xf32>, vector<64x512xf32>, vector<64x512xf32> -> vector<64x512xf32>
      %max3A_1267 = arith.constant 0.000000e+00 : f32
      %max3A_1268 = vector.broadcast %max3A_1267 : f32 to vector<64x512xf32>
      %max3A_1269 = arith.maximumf %dot_general3A_1266, %max3A_1268 : vector<64x512xf32>
      %dot_general3A_1270 = arith.constant dense<0.000000e+00> : vector<8x512xf32>
      %dot_general3A_1271 = tpu.matmul %get3A_71, %max3A_1269, %dot_general3A_1270 {dimension_numbers = #tpu.dot_dimension_numbers<[1], [0], [0], [1], [0, 0, 1, 1], [], []>, precision = #tpu.contract_precision<fp32>, transpose_lhs_hint = false} : vector<8x64xf32>, vector<64x512xf32>, vector<8x512xf32> -> vector<8x512xf32>
      %mul3A_1272 = vector.broadcast %convert_element_type3A_90 : f32 to vector<512xf32>
      %mul3A_1273 = arith.mulf %mul3A_1272, %sub3A : vector<512xf32>
      %sub3A_1274 = arith.constant 1.000000e+00 : f32
      %sub3A_1275 = arith.subf %sub3A_1274, %convert_element_type3A_90 : f32
      %sub3A_1276 = arith.constant 1.000000e+00 : f32
      %sub3A_1277 = vector.broadcast %sub3A_1276 : f32 to vector<512xf32>
      %sub3A_1278 = arith.subf %sub3A_1277, %sub3A : vector<512xf32>
      %mul3A_1279 = vector.broadcast %sub3A_1275 : f32 to vector<512xf32>
      %mul3A_1280 = arith.mulf %mul3A_1279, %sub3A_1278 : vector<512xf32>
      %add3A_1281 = arith.addf %mul3A_1273, %mul3A_1280 : vector<512xf32>
      %mul3A_1282 = vector.broadcast %convert_element_type3A_91 : f32 to vector<512xf32>
      %mul3A_1283 = arith.mulf %mul3A_1282, %sub3A_60 : vector<512xf32>
      %sub3A_1284 = arith.constant 1.000000e+00 : f32
      %sub3A_1285 = arith.subf %sub3A_1284, %convert_element_type3A_91 : f32
      %sub3A_1286 = arith.constant 1.000000e+00 : f32
      %sub3A_1287 = vector.broadcast %sub3A_1286 : f32 to vector<512xf32>
      %sub3A_1288 = arith.subf %sub3A_1287, %sub3A_60 : vector<512xf32>
      %mul3A_1289 = vector.broadcast %sub3A_1285 : f32 to vector<512xf32>
      %mul3A_1290 = arith.mulf %mul3A_1289, %sub3A_1288 : vector<512xf32>
      %add3A_1291 = arith.addf %mul3A_1283, %mul3A_1290 : vector<512xf32>
      %mul3A_1292 = vector.broadcast %convert_element_type3A_92 : f32 to vector<512xf32>
      %mul3A_1293 = arith.mulf %mul3A_1292, %sub3A_62 : vector<512xf32>
      %sub3A_1294 = arith.constant 1.000000e+00 : f32
      %sub3A_1295 = arith.subf %sub3A_1294, %convert_element_type3A_92 : f32
      %sub3A_1296 = arith.constant 1.000000e+00 : f32
      %sub3A_1297 = vector.broadcast %sub3A_1296 : f32 to vector<512xf32>
      %sub3A_1298 = arith.subf %sub3A_1297, %sub3A_62 : vector<512xf32>
      %mul3A_1299 = vector.broadcast %sub3A_1295 : f32 to vector<512xf32>
      %mul3A_1300 = arith.mulf %mul3A_1299, %sub3A_1298 : vector<512xf32>
      %add3A_1301 = arith.addf %mul3A_1293, %mul3A_1300 : vector<512xf32>
      %mul3A_1302 = arith.mulf %add3A_1301, %add3A_1291 : vector<512xf32>
      %mul3A_1303 = arith.mulf %mul3A_1302, %add3A_1281 : vector<512xf32>
      %broadcast_in_dim3A_1304 = vector.shape_cast %mul3A_1303 : vector<512xf32> to vector<1x512xf32>
      %mul3A_1305 = vector.broadcast %broadcast_in_dim3A_1304 : vector<1x512xf32> to vector<8x512xf32>
      %mul3A_1306 = arith.mulf %mul3A_1305, %dot_general3A_1271 : vector<8x512xf32>
      %add3A_1307 = arith.addf %scan3A_81, %mul3A_1306 : vector<8x512xf32>
      scf.yield %add3A_1307 : vector<8x512xf32>
    }
    %scan3A_77 = arith.constant 8 : i32
    %swap3A = arith.constant 0 : index
    %swap3A_78 = arith.constant 0 : index
    %swap3A_79 = vector.load %arg7[%swap3A, %swap3A_78] : memref<8x512xf32, #tpu.memory_space<vmem>>, vector<8x512xf32>
    tpu.vector_store %arg7[%swap3A, %swap3A_78], %scan3A_76 {strides = array<i32>} : memref<8x512xf32, #tpu.memory_space<vmem>>, vector<8x512xf32>,
    return
  }
  func.func @transform_0(%arg0: i32) -> (i32, i32) {
    %c0_i32 = arith.constant 0 : i32
    %c0_i32_0 = arith.constant 0 : i32
    return %arg0, %c0_i32 : i32, i32
  }
  func.func @transform_1(%arg0: i32) -> (i32, i32) {
    %c0_i32 = arith.constant 0 : i32
    %c0_i32_0 = arith.constant 0 : i32
    %c0_i32_1 = arith.constant 0 : i32
    return %c0_i32, %c0_i32_0 : i32, i32
  }
  func.func @transform_2(%arg0: i32) -> (i32, i32, i32, i32) {
    %c0_i32 = arith.constant 0 : i32
    %c0_i32_0 = arith.constant 0 : i32
    %c0_i32_1 = arith.constant 0 : i32
    %c0_i32_2 = arith.constant 0 : i32
    return %c0_i32, %c0_i32_0, %c0_i32_1, %arg0 : i32, i32, i32, i32
  }
  func.func @transform_3(%arg0: i32) -> (i32, i32) {
    %c0_i32 = arith.constant 0 : i32
    %c0_i32_0 = arith.constant 0 : i32
    %c0_i32_1 = arith.constant 0 : i32
    return %c0_i32, %c0_i32_0 : i32, i32
  }
  func.func @transform_4(%arg0: i32) -> (i32, i32) {
    %c0_i32 = arith.constant 0 : i32
    %c0_i32_0 = arith.constant 0 : i32
    %c0_i32_1 = arith.constant 0 : i32
    return %c0_i32, %c0_i32_0 : i32, i32
  }
  func.func @transform_5(%arg0: i32) -> (i32, i32) {
    %c0_i32 = arith.constant 0 : i32
    %c0_i32_0 = arith.constant 0 : i32
    %c0_i32_1 = arith.constant 0 : i32
    return %c0_i32, %c0_i32_0 : i32, i32
  }
  func.func @transform_6(%arg0: i32) -> (i32, i32) {
    %c0_i32 = arith.constant 0 : i32
    %c0_i32_0 = arith.constant 0 : i32
    return %c0_i32, %arg0 : i32, i32
  }
}

</mosaic_0001>

<sc_bundles>
// kernel: kernel.5.cloned.1.call-start
scs
__scs_entry_jumppad:
0x0: {  	(pc) =	sbr.rel $0x88, $3  }
0x1: {  	(tag) =	ssettag $0x0;
	lr =	simm.s32 $0x1  }
0x2: {  	[smem:$0x3F9B] =	sst lr;
	_ =	strace $0xD0000000  }
0x3: {  	_ = 	snop  }
0x4: {  	_ = 	snop  }
0x5: {  	_ = 	snop  }
0x6: {  	_ = 	snop  }
0x7: {  	_ = 	snop  }
__scs_overlays_trampoline_lowered:
0x8: {  	[smem:$0x3FAA] =	sst s0  }
0x9: {  	[smem:$0x3FAB] =	sst s1  }
0xa: {  	[smem:$0x3FAC] =	sst s2  }
0xb: {  	[smem:$0x3FAD] =	sst s3  }
0xc: {  	[smem:$0x3FAE] =	sst s4  }
0xd: {  	[smem:$0x3FAF] =	sst s5  }
0xe: {  	[smem:$0x3FB0] =	sst s6  }
0xf: {  	[smem:$0x3FB1] =	sst s7  }
0x10: {  	[smem:$0x3FB2] =	sst s8  }
0x11: {  	[smem:$0x3FB3] =	sst s9;
	s0 =	simm.s32 @!p0 $0x0  }
0x12: {  	s1 =	sld [smem:$0x3F99];
	s0 =	simm.s32 @p0 $0x1  }
0x13: {  	[smem:$0x3FB4] =	sst s0;
	s0 =	simm.s32 @!p1 $0x0  }
0x14: {  	s2 =	sld [smem:$0x3F98];
	s0 =	simm.s32 @p1 $0x1  }
0x15: {  	[smem:$0x3FB5] =	sst s0;
	s0 =	simm.s32 @!p2 $0x0  }
0x16: {  	s3 =	sld [smem:$0x3FDB];
	s0 =	simm.s32 @p2 $0x1  }
0x17: {  	s4 =	simm.s32 $0x1BF5;
	[smem:$0x3FB7] =	sst s0  }
0x18: {  	s0 =	sld [smem:$0x3F9A];
	_ =	swait.ge [sflag:s4], $0x0  }
0x19: {  	s7 =	sld [smem:$0x3F9B]  }
0x1a: {  	s8 =	sadd.s32 $0xFFFFE003, lr  }
0x1b: {  	s9 =	sadd.s32 $0xFFFFFEF7, lr;
	s5 =	simm.s32 $0xFFFFFFFF;
	p2 =	slt.u32 s8, $0xFFFFF086  }
0x1c: {  	p1 =	slt.u32 s9, $0xF7A;
	s5 =	simm.s32 @!p2 $0x0  }
0x1d: {  	s5 =	simm.s32 @p1 $0x1;
	p0 =	seq.s32 s7, s2  }
0x1e: {  	s7 =	smul.u32 @!p0 $0xF7A, s2;
	p2 =	seq.s32 @!p0 s5, $0x0  }
0x1f: {  	s9 =	smul.u32 $0xF7A, s1;
	s8 =	simm.s32 @!p0 $0x1BF5;
	p2 =	por !p2, p0  }
0x20: {  	[sflag:s8] =	ssyncset.s32 @!p0 $0xFFFFF086;
	s6 =	sadd.s32 @!p0 s3, s7;
	s7 =	simm.s32 @!p0 $0x108  }
0x21: {  	s3 =	sadd.s32 s3, s9;
	s6 =	sadd.s32 @!p0 $0x88, s6;
	s7 =	simm.s32 @p2 $0x1082  }
0x22: {  	[simem:s7], [sflag:s8] =	dma.local @!p0 [hbm:s6], $0xF7A  }
0x23: {  	s9 =	sor.u32 $0xD0000000, s2;
	s6 =	simm.s32 $0x108;
	_ =	swait.ge @!p0 [sflag:s8], $0x0  }
0x24: {  	s3 =	sadd.s32 $0x88, s3;
	s6 =	simm.s32 @!p1 $0x1082;
	[sflag:s4] =	ssyncset.s32 $0xFFFFF086  }
0x25: {  	[simem:s6], [sflag:s4] =	dma.local [hbm:s3], $0xF7A  }
0x26: {  	[smem:$0x3F9B] =	sst s1;
	(tag) =	ssettag s2;
	_ =	strace s9  }
0x27: {  	s1 =	sld [smem:$0x3FAB]  }
0x28: {  	s2 =	sld [smem:$0x3FAC]  }
0x29: {  	s4 =	sld [smem:$0x3FAE]  }
0x2a: {  	p0 =	seq.s32 s5, $0x0;
	s5 =	sld [smem:$0x3FAF]  }
0x2b: {  	s6 =	sld [smem:$0x3FB0]  }
0x2c: {  	s7 =	sld [smem:$0x3FB1]  }
0x2d: {  	s3 =	simm.s32 $0x108;
	s8 =	sld [smem:$0x3FB2]  }
0x2e: {  	s3 =	simm.s32 @!p0 $0x1082;
	s9 =	sld [smem:$0x3FB3]  }
0x2f: {  	lr =	sadd.s32 s0, s3;
	s0 =	sld [smem:$0x3FAA]  }
0x30: {  	s3 =	sld [smem:$0x3FAD]  }
0x31: {  	[smem:$0x3FB6] =	sst s10  }
0x32: {  	s10 =	sld [smem:$0x3FB4];
	_ =	sdelay $0x3  }
0x33: {  	p0 =	seq.s32 s10, $0x1;
	s10 =	sld [smem:$0x3FB6];
	_ =	sdelay $0x3  }
0x34: {  	[smem:$0x3FB6] =	sst s10  }
0x35: {  	s10 =	sld [smem:$0x3FB5];
	_ =	sdelay $0x3  }
0x36: {  	p1 =	seq.s32 s10, $0x1;
	s10 =	sld [smem:$0x3FB6];
	_ =	sdelay $0x3  }
0x37: {  	[smem:$0x3FB6] =	sst s10  }
0x38: {  	s10 =	sld [smem:$0x3FB7]  }
0x39: {  	_ = 	snop;
	(pc) =	sbr.ind lr, $3  }
0x3a: {  	_ = 	snop  }
0x3b: {  	_ = 	snop  }
0x3c: {  	p2 =	seq.s32 s10, $0x1;
	s10 =	sld [smem:$0x3FB6]  }
0x3d: {  	_ =	shalt  }
0x3e: {  	_ =	shalt  }
0x3f: {  	_ =	shalt  }
0x40: {  	_ =	shalt  }
0x41: {  	_ =	shalt  }
0x42: {  	_ =	shalt  }
0x43: {  	_ =	shalt  }
0x44: {  	_ =	shalt  }
0x45: {  	_ =	shalt  }
0x46: {  	_ =	shalt  }
0x47: {  	_ =	shalt  }
0x48: {  	_ =	shalt  }
0x49: {  	_ =	shalt  }
0x4a: {  	_ =	shalt  }
0x4b: {  	_ =	shalt  }
0x4c: {  	_ =	shalt  }
0x4d: {  	_ =	shalt  }
0x4e: {  	_ =	shalt  }
0x4f: {  	_ =	shalt  }
0x50: {  	_ =	shalt  }
0x51: {  	_ =	shalt  }
0x52: {  	_ =	shalt  }
0x53: {  	_ =	shalt  }
0x54: {  	_ =	shalt  }
0x55: {  	_ =	shalt  }
0x56: {  	_ =	shalt  }
0x57: {  	_ =	shalt  }
0x58: {  	_ =	shalt  }
0x59: {  	_ =	shalt  }
0x5a: {  	_ =	shalt  }
0x5b: {  	_ =	shalt  }
0x5c: {  	_ =	shalt  }
0x5d: {  	_ =	shalt  }
0x5e: {  	_ =	shalt  }
0x5f: {  	_ =	shalt  }
0x60: {  	_ =	shalt  }
0x61: {  	_ =	shalt  }
0x62: {  	_ =	shalt  }
0x63: {  	_ =	shalt  }
0x64: {  	_ =	shalt  }
0x65: {  	_ =	shalt  }
0x66: {  	_ =	shalt  }
0x67: {  	_ =	shalt  }
0x68: {  	_ =	shalt  }
0x69: {  	_ =	shalt  }
0x6a: {  	_ =	shalt  }
0x6b: {  	_ =	shalt  }
0x6c: {  	_ =	shalt  }
0x6d: {  	_ =	shalt  }
0x6e: {  	_ =	shalt  }
0x6f: {  	_ =	shalt  }
0x70: {  	_ =	shalt  }
0x71: {  	_ =	shalt  }
0x72: {  	_ =	shalt  }
0x73: {  	_ =	shalt  }
0x74: {  	_ =	shalt  }
0x75: {  	_ =	shalt  }
0x76: {  	_ =	shalt  }
0x77: {  	_ =	shalt  }
0x78: {  	_ =	shalt  }
0x79: {  	_ =	shalt  }
0x7a: {  	_ =	shalt  }
0x7b: {  	_ =	shalt  }
0x7c: {  	_ =	shalt  }
0x7d: {  	_ =	shalt  }
0x7e: {  	_ =	shalt  }
0x7f: {  	_ =	shalt  }
0x80: {  	_ =	shalt  }
0x81: {  	_ =	shalt  }
0x82: {  	_ =	shalt  }
0x83: {  	_ =	shalt  }
0x84: {  	_ =	shalt  }
0x85: {  	_ =	shalt  }
0x86: {  	_ =	shalt  }
0x87: {  	_ =	shalt  }
.Lfunc_end0:
.L_simem_size_0:
called_computation.1_lowered:
.L_overlay_start_0:
0x88: {  	s2 =	sld [smem:$0x3FD9]  }
0x89: {  	s3 =	sld [smem:$0x3FFE];
	_ =	sdelay $0x1  }
0x8a: {  	s1 =	srdreg.scid  }
0x8b: {  	s0 =	sand.u32 $0x1, s1  }
0x8c: {  	s16 =	sshll.u32 s0, $0xA;
	s2 =	sadd.s32 s3, s2  }
0x8d: {  	s2 =	sadd.s32 s2, s16  }
0x8e: {  	[smem:$0x3FC2] =	sst s2  }
0x8f: {  	_ = 	snop  }
0x90: {  	(tm) =	ssettm $0x1  }
0x91: {  	s17 =	sld [smem:$0x3FFB];
	_ =	sdelay $0x3  }
0x92: {  	_ =	strace s17  }
0x93: {  	s2 =	sld [smem:$0x3FFC];
	_ =	sdelay $0x3  }
0x94: {  	_ =	strace s2  }
0x95: {  	s2 =	sld [smem:$0x3FFD];
	_ =	sdelay $0x3  }
0x96: {  	_ =	strace s2  }
0x97: {  	_ =	strace $0x8FFFFFFF  }
0x98: {  	s18 =	sld [smem:$0x3FDB];
	_ =	sdelay $0x1  }
0x99: {  	s19 =	simm.s32 $_scs_section_size  }
0x9a: {  	s4 =	simm.s32 $_size__tile_overlayer_lowered;
	s5 =	simm.s32 $_tile_overlayer_lowered  }
0x9b: {  	s22 =	simm.s32 $0x1BFF;
	s21 =	sshll.u32 s5, $0x1;
	s2 =	sadd.s32 s19, s18  }
0x9c: {  	s6 =	simm.s32 $0x0;
	s20 =	sshll.u32 s4, $0x1;
	s4 =	sadd.s32 s21, s2  }
0x9d: {  	[timem:s6], [sflag:s22] =	dma.local [hbm:s4], s20  }
0x9e: {  	_ =	swait.ge [sflag:s22], s20  }
0x9f: {  	s3 =	ssub.s32 $0x0, s20;
	[sflag:s22] =	ssyncset.done $0x0  }
0xa0: {  	[sflag:s22] =	ssyncadd.s32 s3;
	_ =	sdelay $0x1  }
0xa1: {  	s23 =	simm.s32 $0x1B8B  }
0xa2: {  	_ =	swait.ge [sflag:s23], $0x1  }
0xa3: {  	[sflag:s23] =	ssyncset.done $0x0  }
0xa4: {  	s25 =	simm.s32 $0x1B8E;
	s24 =	sld [smem:$0x3FFE];
	[sflag:s23] =	ssyncadd.s32 $0xFFFFFFFF  }
0xa5: {  	s26 =	simm.s32 $execute0_lowered;
	[smem:$0x3FD2] =	sst s25  }
0xa6: {  	s4 =	sshll.u32 s26, $0x1;
	_ =	strace $0x80000049;
	[dreg:$0x1] =	wrdreg $0xFFFFFFFF  }
0xa7: {  	s28 =	simm.s32 $_size_execute0_lowered;
	s2 =	sadd.s32 s2, s4;
	[dreg:$0x0] =	wrdreg $0x0  }
0xa8: {  	s4 =	sshll.u32 s28, $0x1;
	[dreg:$0x2] =	wrdreg s2  }
0xa9: {  	[dreg:$0x3] =	wrdreg s4  }
0xaa: {  	[dreg:$0x4] =	wrdreg $0xC0  }
0xab: {  	_ =	task [dreg:s6], $0x5FFFF  }
0xac: {  	[dreg:$0x1] =	wrdreg $0xFFFFFFFF  }
0xad: {  	[dreg:$0x0] =	wrdreg $0x60  }
0xae: {  	[dreg:$0x2] =	wrdreg s24  }
0xaf: {  	[dreg:$0x3] =	wrdreg $0x9  }
0xb0: {  	_ =	task.clear_ibuf [dreg:s6], $0x4FFFF;
	_ =	strace $0x90000049  }
0xb1: {  	s29 =	simm.s32 $0x9;
	_ =	strace $0x8000004B  }
0xb2: {  	_ =	swait.ge [sflag:s29], $0x1  }
0xb3: {  	[sflag:s29] =	ssyncadd.s32 $0xFFFFFFFF  }
0xb4: {  	_ =	strace $0x9000004B  }
0xb5: {  	_ =	sfence  }
0xb6: {  	s30 =	sld [smem:$0x0];
	_ =	sdelay $0x2  }
0xb7: {  	s31 =	sshll.u32 s1, $0xD;
	s1 =	sshrl.u32 s1, $0x2  }
0xb8: {  	s3 =	sand.u32 $0x4000, s31;
	s1 =	sadd.s32 s1, s30  }
0xb9: {  	s0 =	sor.u32 s3, s0;
	s1 =	sshll.u32 s1, $0x11  }
0xba: {  	s0 =	sor.u32 s1, s0  }
0xbb: {  	s0 =	sadd.s32 $0x8F2B, s0  }
0xbc: {  	[sflag:s0] =	ssyncadd.remote.s32 $0x1  }
0xbd: {  	_ =	sfence.sel $0xFFFF  }
0xbe: {  	[dreg:$0x0] =	wrdreg $0xFFFFFFFF;
	(pc) =	sbr.abs _section_cstart, $3  }
0xbf: {  	[dreg:$0x1] =	wrdreg $0xFFFFFFFF  }
0xc0: {  	_ =	task.clear_ibuf [dreg:s6], $0x2FFFF;
	_ =	strace $0x9FFFFFFF  }
0xc1: {  	(tm) =	ssettm $0x7FFFFFFF  }
tec
execute0_lowered:
.L_overlay_start_1:
0x0: {  	(tag) =	ssettag $0x1  }
0x1: {  	s0 =	rddreg [dreg:$0x0]  }
0x2: {  	s1 =	simm.s32 $0x0;
	s2 =	srdreg.scid;
	s7 =	stileid.u32  }
0x3: {  	s9 =	simm.s32 $0x2;
	s10 =	simm.s32 $0x80;
	s30 =	simm.s32 $0x600  }
0x4: {  	s13 =	simm.s32 $0x680;
	s19 =	simm.s32 $0x700;
	s22 =	simm.s32 $0x880  }
0x5: {  	s23 =	simm.s32 $0x980;
	s17 =	simm.s32 $0xA00;
	s29 =	simm.s32 $0xA80  }
0x6: {  	s14 =	simm.s32 $0xB00;
	s11 =	simm.s32 $0xD00;
	s12 =	simm.s32 $0xD80  }
0x7: {  	s15 =	simm.s32 $0xE00;
	s18 =	simm.s32 $0xE80;
	s21 =	simm.s32 $0xF00  }
0x8: {  	s24 =	simm.s32 $0xF80;
	s28 =	simm.s32 $0x1;
	[smem:$0x7FF] =	sst s1  }
0x9: {  	s16 =	simm.s32 $0x0;
	s3 =	sadd.s32 $0xFC1600, s0;
	s4 =	sadd.s32 $0xEC1600, s0  }
0xa: {  	s2 =	sand.u32 $0x1, s2;
	s5 =	sadd.s32 $0x861600, s0;
	s7 =	sshll.u32 s7, $0xD  }
0xb: {  	s0 =	sadd.s32 $0x10C1600, s0;
	_ =	strace $0x8000004A;
	[dreg:$0x2] =	wrdreg s5  }
0xc: {  	s26 =	ssub.s32 $0x2, s2;
	s2 =	sshll.u32 s2, $0xC;
	[dreg:$0x3] =	wrdreg s0  }
0xd: {  	s5 =	simm.s32 $0xB80;
	s6 =	sshrl.u32 s26, $0x1;
	s2 =	sor.u32 s2, s7  }
0xe: {  	s7 =	simm.s32 $0xC80;
	s31 =	ssub.s32 s26, s6;
	[dreg:$0x4] =	wrdreg s2  }
0xf: {  	s26 =	simm.s32 $0x780;
	s2 =	simm.s32 $0x800;
	s0 =	smax.u32 s31, $0x1  }
0x10: {  	s6 =	simm.s32 $0xC00;
	[dreg:$0x5] =	wrdreg s0;
	s0 =	simm.s32 $0x900  }
.LBB2_1:
0x11: {  	[dreg:$0x6] =	wrdreg s16;
	s31 =	simm.s32 $0x0  }
.LBB2_2:
0x12: {  	s8 =	sshll.u32 s31, $0x11;
	s16 =	rddreg [dreg:$0x4]  }
0x13: {  	s8 =	sor.u32 s16, s8  }
0x14: {  	s25 =	rddreg [dreg:$0x2];
	s8 =	sshrl.u32 s8, $0x3  }
0x15: {  	s16 =	sadd.s32 s25, s8  }
0x16: {  	[tilespmem:s1], [sflag:$0x2] =	stream.linear.gather [hbm4b:s16+s1], $0x1000, $0x38;
	[tilespmem:$0x3000] =	vst v63  }
0x17: {  	_ =	swait.ge [sflag:s9], $0x1000  }
0x18: {  	[sflag:s9] =	ssyncset.done $0x0  }
0x19: {  	s20 =	simm.s32 $0x1000;
	[sflag:s9] =	ssyncadd.s32 $0xFFFFF000  }
0x1a: {  	[tilespmem:s20], [sflag:$0x1] =	stream.indirect.gather [hbm4b:s3+s10], $0x1, s1, s10, $0xb8;
	[tilespmem:$0x3000] =	vst v63  }
0x1b: {  	s20 =	simm.s32 $0x2000  }
0x1c: {  	[tilespmem:s20], [sflag:$0x1] =	stream.indirect.gather [hbm4b:s4+s10], $0x1, s1, s10, $0xb8;
	[tilespmem:$0x3000] =	vst v63  }
0x1d: {  	s25 =	simm.s32 $0x1080  }
0x1e: {  	[tilespmem:s25], [sflag:$0x1] =	stream.indirect.gather [hbm4b:s3+s10], $0x1, s10, s10, $0xb8;
	[tilespmem:$0x3000] =	vst v63  }
0x1f: {  	s25 =	simm.s32 $0x2080  }
0x20: {  	[tilespmem:s25], [sflag:$0x1] =	stream.indirect.gather [hbm4b:s4+s10], $0x1, s10, s10, $0xb8;
	[tilespmem:$0x3000] =	vst v63  }
0x21: {  	s16 =	simm.s32 $0x100;
	s25 =	simm.s32 $0x1100  }
0x22: {  	[tilespmem:s25], [sflag:$0x1] =	stream.indirect.gather [hbm4b:s3+s10], $0x1, s16, s10, $0xb8;
	[tilespmem:$0x3000] =	vst v63  }
0x23: {  	s25 =	simm.s32 $0x2100  }
0x24: {  	[tilespmem:s25], [sflag:$0x1] =	stream.indirect.gather [hbm4b:s4+s10], $0x1, s16, s10, $0xb8;
	[tilespmem:$0x3000] =	vst v63  }
0x25: {  	s16 =	simm.s32 $0x180;
	s25 =	simm.s32 $0x1180  }
0x26: {  	[tilespmem:s25], [sflag:$0x1] =	stream.indirect.gather [hbm4b:s3+s10], $0x1, s16, s10, $0xb8;
	[tilespmem:$0x3000] =	vst v63  }
0x27: {  	s25 =	simm.s32 $0x2180  }
0x28: {  	[tilespmem:s25], [sflag:$0x1] =	stream.indirect.gather [hbm4b:s4+s10], $0x1, s16, s10, $0xb8;
	[tilespmem:$0x3000] =	vst v63  }
0x29: {  	s16 =	simm.s32 $0x200;
	s25 =	simm.s32 $0x1200  }
0x2a: {  	[tilespmem:s25], [sflag:$0x1] =	stream.indirect.gather [hbm4b:s3+s10], $0x1, s16, s10, $0xb8;
	[tilespmem:$0x3000] =	vst v63  }
0x2b: {  	s25 =	simm.s32 $0x2200  }
0x2c: {  	[tilespmem:s25], [sflag:$0x1] =	stream.indirect.gather [hbm4b:s4+s10], $0x1, s16, s10, $0xb8;
	[tilespmem:$0x3000] =	vst v63  }
0x2d: {  	s16 =	simm.s32 $0x280;
	s25 =	simm.s32 $0x1280  }
0x2e: {  	[tilespmem:s25], [sflag:$0x1] =	stream.indirect.gather [hbm4b:s3+s10], $0x1, s16, s10, $0xb8;
	[tilespmem:$0x3000] =	vst v63  }
0x2f: {  	s25 =	simm.s32 $0x2280  }
0x30: {  	[tilespmem:s25], [sflag:$0x1] =	stream.indirect.gather [hbm4b:s4+s10], $0x1, s16, s10, $0xb8;
	[tilespmem:$0x3000] =	vst v63  }
0x31: {  	s16 =	simm.s32 $0x300;
	s25 =	simm.s32 $0x1300  }
0x32: {  	[tilespmem:s25], [sflag:$0x1] =	stream.indirect.gather [hbm4b:s3+s10], $0x1, s16, s10, $0xb8;
	[tilespmem:$0x3000] =	vst v63  }
0x33: {  	s25 =	simm.s32 $0x2300  }
0x34: {  	[tilespmem:s25], [sflag:$0x1] =	stream.indirect.gather [hbm4b:s4+s10], $0x1, s16, s10, $0xb8;
	[tilespmem:$0x3000] =	vst v63  }
0x35: {  	s16 =	simm.s32 $0x380;
	s25 =	simm.s32 $0x1380  }
0x36: {  	[tilespmem:s25], [sflag:$0x1] =	stream.indirect.gather [hbm4b:s3+s10], $0x1, s16, s10, $0xb8;
	[tilespmem:$0x3000] =	vst v63  }
0x37: {  	s25 =	simm.s32 $0x2380  }
0x38: {  	[tilespmem:s25], [sflag:$0x1] =	stream.indirect.gather [hbm4b:s4+s10], $0x1, s16, s10, $0xb8;
	[tilespmem:$0x3000] =	vst v63  }
0x39: {  	s16 =	simm.s32 $0x400;
	s25 =	simm.s32 $0x1400  }
0x3a: {  	[tilespmem:s25], [sflag:$0x1] =	stream.indirect.gather [hbm4b:s3+s10], $0x1, s16, s10, $0xb8;
	[tilespmem:$0x3000] =	vst v63  }
0x3b: {  	s25 =	simm.s32 $0x2400  }
0x3c: {  	[tilespmem:s25], [sflag:$0x1] =	stream.indirect.gather [hbm4b:s4+s10], $0x1, s16, s10, $0xb8;
	[tilespmem:$0x3000] =	vst v63  }
0x3d: {  	s16 =	simm.s32 $0x480;
	s25 =	simm.s32 $0x1480  }
0x3e: {  	[tilespmem:s25], [sflag:$0x1] =	stream.indirect.gather [hbm4b:s3+s10], $0x1, s16, s10, $0xb8;
	[tilespmem:$0x3000] =	vst v63  }
0x3f: {  	s25 =	simm.s32 $0x2480  }
0x40: {  	[tilespmem:s25], [sflag:$0x1] =	stream.indirect.gather [hbm4b:s4+s10], $0x1, s16, s10, $0xb8;
	[tilespmem:$0x3000] =	vst v63  }
0x41: {  	s16 =	simm.s32 $0x500;
	s25 =	simm.s32 $0x1500  }
0x42: {  	[tilespmem:s25], [sflag:$0x1] =	stream.indirect.gather [hbm4b:s3+s10], $0x1, s16, s10, $0xb8;
	[tilespmem:$0x3000] =	vst v63  }
0x43: {  	s25 =	simm.s32 $0x2500  }
0x44: {  	[tilespmem:s25], [sflag:$0x1] =	stream.indirect.gather [hbm4b:s4+s10], $0x1, s16, s10, $0xb8;
	[tilespmem:$0x3000] =	vst v63  }
0x45: {  	s16 =	simm.s32 $0x580;
	s25 =	simm.s32 $0x1580  }
0x46: {  	[tilespmem:s25], [sflag:$0x1] =	stream.indirect.gather [hbm4b:s3+s10], $0x1, s16, s10, $0xb8;
	[tilespmem:$0x3000] =	vst v63  }
0x47: {  	s25 =	simm.s32 $0x2580  }
0x48: {  	[tilespmem:s25], [sflag:$0x1] =	stream.indirect.gather [hbm4b:s4+s10], $0x1, s16, s10, $0xb8;
	[tilespmem:$0x3000] =	vst v63  }
0x49: {  	s25 =	simm.s32 $0x1600  }
0x4a: {  	[tilespmem:s25], [sflag:$0x1] =	stream.indirect.gather [hbm4b:s3+s10], $0x1, s30, s10, $0xb8;
	[tilespmem:$0x3000] =	vst v63  }
0x4b: {  	s25 =	simm.s32 $0x2600  }
0x4c: {  	[tilespmem:s25], [sflag:$0x1] =	stream.indirect.gather [hbm4b:s4+s10], $0x1, s30, s10, $0xb8;
	[tilespmem:$0x3000] =	vst v63  }
0x4d: {  	s25 =	simm.s32 $0x1680  }
0x4e: {  	[tilespmem:s25], [sflag:$0x1] =	stream.indirect.gather [hbm4b:s3+s10], $0x1, s13, s10, $0xb8;
	[tilespmem:$0x3000] =	vst v63  }
0x4f: {  	s25 =	simm.s32 $0x2680  }
0x50: {  	[tilespmem:s25], [sflag:$0x1] =	stream.indirect.gather [hbm4b:s4+s10], $0x1, s13, s10, $0xb8;
	[tilespmem:$0x3000] =	vst v63  }
0x51: {  	s25 =	simm.s32 $0x1700  }
0x52: {  	[tilespmem:s25], [sflag:$0x1] =	stream.indirect.gather [hbm4b:s3+s10], $0x1, s19, s10, $0xb8;
	[tilespmem:$0x3000] =	vst v63  }
0x53: {  	s25 =	simm.s32 $0x2700  }
0x54: {  	[tilespmem:s25], [sflag:$0x1] =	stream.indirect.gather [hbm4b:s4+s10], $0x1, s19, s10, $0xb8;
	[tilespmem:$0x3000] =	vst v63  }
0x55: {  	s25 =	simm.s32 $0x1780  }
0x56: {  	[tilespmem:s25], [sflag:$0x1] =	stream.indirect.gather [hbm4b:s3+s10], $0x1, s26, s10, $0xb8;
	[tilespmem:$0x3000] =	vst v63  }
0x57: {  	s25 =	simm.s32 $0x2780  }
0x58: {  	[tilespmem:s25], [sflag:$0x1] =	stream.indirect.gather [hbm4b:s4+s10], $0x1, s26, s10, $0xb8;
	[tilespmem:$0x3000] =	vst v63  }
0x59: {  	s25 =	simm.s32 $0x1800  }
0x5a: {  	[tilespmem:s25], [sflag:$0x1] =	stream.indirect.gather [hbm4b:s3+s10], $0x1, s2, s10, $0xb8;
	[tilespmem:$0x3000] =	vst v63  }
0x5b: {  	s25 =	simm.s32 $0x2800  }
0x5c: {  	[tilespmem:s25], [sflag:$0x1] =	stream.indirect.gather [hbm4b:s4+s10], $0x1, s2, s10, $0xb8;
	[tilespmem:$0x3000] =	vst v63  }
0x5d: {  	s25 =	simm.s32 $0x1880  }
0x5e: {  	[tilespmem:s25], [sflag:$0x1] =	stream.indirect.gather [hbm4b:s3+s10], $0x1, s22, s10, $0xb8;
	[tilespmem:$0x3000] =	vst v63  }
0x5f: {  	s25 =	simm.s32 $0x2880  }
0x60: {  	[tilespmem:s25], [sflag:$0x1] =	stream.indirect.gather [hbm4b:s4+s10], $0x1, s22, s10, $0xb8;
	[tilespmem:$0x3000] =	vst v63  }
0x61: {  	s25 =	simm.s32 $0x1900  }
0x62: {  	[tilespmem:s25], [sflag:$0x1] =	stream.indirect.gather [hbm4b:s3+s10], $0x1, s0, s10, $0xb8;
	[tilespmem:$0x3000] =	vst v63  }
0x63: {  	s25 =	simm.s32 $0x2900  }
0x64: {  	[tilespmem:s25], [sflag:$0x1] =	stream.indirect.gather [hbm4b:s4+s10], $0x1, s0, s10, $0xb8;
	[tilespmem:$0x3000] =	vst v63  }
0x65: {  	s25 =	simm.s32 $0x1980  }
0x66: {  	[tilespmem:s25], [sflag:$0x1] =	stream.indirect.gather [hbm4b:s3+s10], $0x1, s23, s10, $0xb8;
	[tilespmem:$0x3000] =	vst v63  }
0x67: {  	s25 =	simm.s32 $0x2980  }
0x68: {  	[tilespmem:s25], [sflag:$0x1] =	stream.indirect.gather [hbm4b:s4+s10], $0x1, s23, s10, $0xb8;
	[tilespmem:$0x3000] =	vst v63  }
0x69: {  	s25 =	simm.s32 $0x1A00  }
0x6a: {  	[tilespmem:s25], [sflag:$0x1] =	stream.indirect.gather [hbm4b:s3+s10], $0x1, s17, s10, $0xb8;
	[tilespmem:$0x3000] =	vst v63  }
0x6b: {  	s25 =	simm.s32 $0x2A00  }
0x6c: {  	[tilespmem:s25], [sflag:$0x1] =	stream.indirect.gather [hbm4b:s4+s10], $0x1, s17, s10, $0xb8;
	[tilespmem:$0x3000] =	vst v63  }
0x6d: {  	s25 =	simm.s32 $0x1A80  }
0x6e: {  	[tilespmem:s25], [sflag:$0x1] =	stream.indirect.gather [hbm4b:s3+s10], $0x1, s29, s10, $0xb8;
	[tilespmem:$0x3000] =	vst v63  }
0x6f: {  	s25 =	simm.s32 $0x2A80  }
0x70: {  	[tilespmem:s25], [sflag:$0x1] =	stream.indirect.gather [hbm4b:s4+s10], $0x1, s29, s10, $0xb8;
	[tilespmem:$0x3000] =	vst v63  }
0x71: {  	s25 =	simm.s32 $0x1B00  }
0x72: {  	[tilespmem:s25], [sflag:$0x1] =	stream.indirect.gather [hbm4b:s3+s10], $0x1, s14, s10, $0xb8;
	[tilespmem:$0x3000] =	vst v63  }
0x73: {  	s25 =	simm.s32 $0x2B00  }
0x74: {  	[tilespmem:s25], [sflag:$0x1] =	stream.indirect.gather [hbm4b:s4+s10], $0x1, s14, s10, $0xb8;
	[tilespmem:$0x3000] =	vst v63  }
0x75: {  	s25 =	simm.s32 $0x1B80  }
0x76: {  	[tilespmem:s25], [sflag:$0x1] =	stream.indirect.gather [hbm4b:s3+s10], $0x1, s5, s10, $0xb8;
	[tilespmem:$0x3000] =	vst v63  }
0x77: {  	s25 =	simm.s32 $0x2B80  }
0x78: {  	[tilespmem:s25], [sflag:$0x1] =	stream.indirect.gather [hbm4b:s4+s10], $0x1, s5, s10, $0xb8;
	[tilespmem:$0x3000] =	vst v63  }
0x79: {  	s25 =	simm.s32 $0x1C00  }
0x7a: {  	[tilespmem:s25], [sflag:$0x1] =	stream.indirect.gather [hbm4b:s3+s10], $0x1, s6, s10, $0xb8;
	[tilespmem:$0x3000] =	vst v63  }
0x7b: {  	s25 =	simm.s32 $0x2C00  }
0x7c: {  	[tilespmem:s25], [sflag:$0x1] =	stream.indirect.gather [hbm4b:s4+s10], $0x1, s6, s10, $0xb8;
	[tilespmem:$0x3000] =	vst v63  }
0x7d: {  	s25 =	simm.s32 $0x1C80  }
0x7e: {  	[tilespmem:s25], [sflag:$0x1] =	stream.indirect.gather [hbm4b:s3+s10], $0x1, s7, s10, $0xb8;
	[tilespmem:$0x3000] =	vst v63  }
0x7f: {  	s25 =	simm.s32 $0x2C80  }
0x80: {  	[tilespmem:s25], [sflag:$0x1] =	stream.indirect.gather [hbm4b:s4+s10], $0x1, s7, s10, $0xb8;
	[tilespmem:$0x3000] =	vst v63  }
0x81: {  	s25 =	simm.s32 $0x1D00  }
0x82: {  	[tilespmem:s25], [sflag:$0x1] =	stream.indirect.gather [hbm4b:s3+s10], $0x1, s11, s10, $0xb8;
	[tilespmem:$0x3000] =	vst v63  }
0x83: {  	s25 =	simm.s32 $0x2D00  }
0x84: {  	[tilespmem:s25], [sflag:$0x1] =	stream.indirect.gather [hbm4b:s4+s10], $0x1, s11, s10, $0xb8;
	[tilespmem:$0x3000] =	vst v63  }
0x85: {  	s25 =	simm.s32 $0x1D80  }
0x86: {  	[tilespmem:s25], [sflag:$0x1] =	stream.indirect.gather [hbm4b:s3+s10], $0x1, s12, s10, $0xb8;
	[tilespmem:$0x3000] =	vst v63  }
0x87: {  	s25 =	simm.s32 $0x2D80  }
0x88: {  	[tilespmem:s25], [sflag:$0x1] =	stream.indirect.gather [hbm4b:s4+s10], $0x1, s12, s10, $0xb8;
	[tilespmem:$0x3000] =	vst v63  }
0x89: {  	s25 =	simm.s32 $0x1E00  }
0x8a: {  	[tilespmem:s25], [sflag:$0x1] =	stream.indirect.gather [hbm4b:s3+s10], $0x1, s15, s10, $0xb8;
	[tilespmem:$0x3000] =	vst v63  }
0x8b: {  	s25 =	simm.s32 $0x2E00  }
0x8c: {  	[tilespmem:s25], [sflag:$0x1] =	stream.indirect.gather [hbm4b:s4+s10], $0x1, s15, s10, $0xb8;
	[tilespmem:$0x3000] =	vst v63  }
0x8d: {  	s25 =	simm.s32 $0x1E80  }
0x8e: {  	[tilespmem:s25], [sflag:$0x1] =	stream.indirect.gather [hbm4b:s3+s10], $0x1, s18, s10, $0xb8;
	[tilespmem:$0x3000] =	vst v63  }
0x8f: {  	s25 =	simm.s32 $0x2E80  }
0x90: {  	[tilespmem:s25], [sflag:$0x1] =	stream.indirect.gather [hbm4b:s4+s10], $0x1, s18, s10, $0xb8;
	[tilespmem:$0x3000] =	vst v63  }
0x91: {  	s25 =	simm.s32 $0x1F00  }
0x92: {  	[tilespmem:s25], [sflag:$0x1] =	stream.indirect.gather [hbm4b:s3+s10], $0x1, s21, s10, $0xb8;
	[tilespmem:$0x3000] =	vst v63  }
0x93: {  	s25 =	simm.s32 $0x2F00  }
0x94: {  	[tilespmem:s25], [sflag:$0x1] =	stream.indirect.gather [hbm4b:s4+s10], $0x1, s21, s10, $0xb8;
	[tilespmem:$0x3000] =	vst v63  }
0x95: {  	s25 =	simm.s32 $0x1F80  }
0x96: {  	[tilespmem:s25], [sflag:$0x1] =	stream.indirect.gather [hbm4b:s3+s10], $0x1, s24, s10, $0xb8;
	[tilespmem:$0x3000] =	vst v63  }
0x97: {  	s25 =	simm.s32 $0x2F80  }
0x98: {  	[tilespmem:s25], [sflag:$0x1] =	stream.indirect.gather [hbm4b:s4+s10], $0x1, s24, s10, $0xb8;
	[tilespmem:$0x3000] =	vst v63  }
0x99: {  	_ =	swait.ge [sflag:s28], $0x80  }
0x9a: {  	[sflag:s28] =	ssyncset.done $0x0  }
0x9b: {  	[sflag:s28] =	ssyncadd.s32 $0xFFFFFF80  }
0x9c: {  	_ =	swait.ge [sflag:s28], $0x80  }
0x9d: {  	[sflag:s28] =	ssyncset.done $0x0  }
0x9e: {  	[sflag:s28] =	ssyncadd.s32 $0xFFFFFF80  }
0x9f: {  	_ =	swait.ge [sflag:s28], $0x80  }
0xa0: {  	[sflag:s28] =	ssyncset.done $0x0  }
0xa1: {  	[sflag:s28] =	ssyncadd.s32 $0xFFFFFF80  }
0xa2: {  	_ =	swait.ge [sflag:s28], $0x80  }
0xa3: {  	[sflag:s28] =	ssyncset.done $0x0  }
0xa4: {  	[sflag:s28] =	ssyncadd.s32 $0xFFFFFF80  }
0xa5: {  	_ =	swait.ge [sflag:s28], $0x80  }
0xa6: {  	[sflag:s28] =	ssyncset.done $0x0  }
0xa7: {  	[sflag:s28] =	ssyncadd.s32 $0xFFFFFF80  }
0xa8: {  	_ =	swait.ge [sflag:s28], $0x80  }
0xa9: {  	[sflag:s28] =	ssyncset.done $0x0  }
0xaa: {  	[sflag:s28] =	ssyncadd.s32 $0xFFFFFF80  }
0xab: {  	_ =	swait.ge [sflag:s28], $0x80  }
0xac: {  	[sflag:s28] =	ssyncset.done $0x0  }
0xad: {  	[sflag:s28] =	ssyncadd.s32 $0xFFFFFF80  }
0xae: {  	_ =	swait.ge [sflag:s28], $0x80  }
0xaf: {  	s16 =	simm.s32 $0x7;
	[sflag:s28] =	ssyncset.done $0x0  }
.LBB2_3:
0xb0: {  	p0 =	sne.s32 s16, $0x1;
	s16 =	sadd.s32 $0xFFFFFFFF, s16;
	[sflag:s28] =	ssyncadd.s32 $0xFFFFFF80  }
0xb1: {  	_ =	swait.ge [sflag:s28], $0x80  }
0xb2: {  	[sflag:s28] =	ssyncset.done $0x0  }
0xb3: {  	[sflag:s28] =	ssyncadd.s32 $0xFFFFFF80  }
0xb4: {  	_ =	swait.ge [sflag:s28], $0x80  }
0xb5: {  	[sflag:s28] =	ssyncset.done $0x0  }
0xb6: {  	[sflag:s28] =	ssyncadd.s32 $0xFFFFFF80  }
0xb7: {  	_ =	swait.ge [sflag:s28], $0x80  }
0xb8: {  	[sflag:s28] =	ssyncset.done $0x0  }
0xb9: {  	[sflag:s28] =	ssyncadd.s32 $0xFFFFFF80  }
0xba: {  	_ =	swait.ge [sflag:s28], $0x80  }
0xbb: {  	[sflag:s28] =	ssyncset.done $0x0  }
0xbc: {  	[sflag:s28] =	ssyncadd.s32 $0xFFFFFF80  }
0xbd: {  	_ =	swait.ge [sflag:s28], $0x80  }
0xbe: {  	[sflag:s28] =	ssyncset.done $0x0  }
0xbf: {  	[sflag:s28] =	ssyncadd.s32 $0xFFFFFF80  }
0xc0: {  	_ =	swait.ge [sflag:s28], $0x80  }
0xc1: {  	[sflag:s28] =	ssyncset.done $0x0  }
0xc2: {  	[sflag:s28] =	ssyncadd.s32 $0xFFFFFF80  }
.Ltmp0:
0xc3: {  	_ =	swait.ge [sflag:s28], $0x80;
	(pc) =	sbr.rel @p0 .LBB2_3-.Ltmp0, $4  }
0xc4: {  	[sflag:s28] =	ssyncset.done $0x0  }
0xc5: {  	[sflag:s28] =	ssyncadd.s32 $0xFFFFFF80  }
0xc6: {  	_ =	swait.ge [sflag:s28], $0x80  }
0xc7: {  	[sflag:s28] =	ssyncset.done $0x0  }
0xc8: {  	s16 =	rddreg [dreg:$0x3]  }
0xc9: {  	[sflag:s28] =	ssyncadd.s32 $0xFFFFFF80;
	s25 =	simm.s32 $0x1000;
	s8 =	sadd.s32 s16, s8  }
0xca: {  	[hbm4b:s8+s1] =	stream.linear.scatter [tilespmem:s25], [sflag:$0x2], $0x1000, $0x38;
	[tilespmem:$0x3000] =	vst v63  }
0xcb: {  	s31 =	sadd.s32 $0x1, s31;
	_ =	swait.ge [sflag:s9], $0x1000  }
0xcc: {  	p0 =	sne.s32 s31, $0x198;
	[sflag:s9] =	ssyncset.done $0x0  }
.Ltmp1:
0xcd: {  	s8 =	sadd.s32 $0x660000, s8;
	[sflag:s9] =	ssyncadd.s32 $0xFFFFF000;
	(pc) =	sbr.rel @p0 .LBB2_2-.Ltmp1, $4  }
0xce: {  	[hbm4b:s8+s1] =	stream.linear.scatter [tilespmem:s20], [sflag:$0x2], $0x1000, $0x38;
	[tilespmem:$0x3000] =	vst v63  }
0xcf: {  	_ =	swait.ge [sflag:s9], $0x1000  }
0xd0: {  	[sflag:s9] =	ssyncset.done $0x0  }
0xd1: {  	[sflag:s9] =	ssyncadd.s32 $0xFFFFF000  }
0xd2: {  	s16 =	rddreg [dreg:$0x6]  }
0xd3: {  	s8 =	rddreg [dreg:$0x5];
	s16 =	sadd.s32 $0x1, s16  }
0xd4: {  	p0 =	sne.s32 s16, s8  }
.Ltmp2:
0xd5: {  	_ = 	snop;
	(pc) =	sbr.rel @p0 .LBB2_1-.Ltmp2, $1  }
0xd6: {  	_ =	sdelay $0x3  }
0xd7: {  	_ =	sfence.sel $0x180000  }
0xd8: {  	[bflag:$0x0] =	sbarrier.arrive $0xFFFF  }
0xd9: {  	_ =	strace $0x9000004A  }
0xda: {  	s0 =	stileid.u32;
	[bflag:$0x2] =	sbarrier.arrive $0xFFFF  }
0xdb: {  	p0 =	sne.s32 s0, $0x0;
	s0 =	rddreg [dreg:$0x1]  }
0xdc: {  	s0 =	sadd.s32 @!p0 $0x100000, s0  }
0xdd: {  	[sflag:s0] =	ssyncadd.tile.s32 @!p0 $0x1;
	_ =	shalt  }
.Lfunc_end2:
_tile_overlayer_lowered:
.L_overlay_start_2:
0xde: {  	(tag) =	ssettag $0x2  }
0xdf: {  	s0 =	rddreg [dreg:$0x0];
	s2 =	stileid.u32  }
0xe0: {  	s1 =	rddreg [dreg:$0x1];
	p0 =	sne.s32 s2, $0x0  }
0xe1: {  	s3 =	rddreg [dreg:$0x2];
	[bflag:$0x3] =	sbarrier.arrive $0xFFFF;
	s2 =	simm.s32 @!p0 $0x1C03  }
0xe2: {  	[timem:s3], [sflag:s2] =	dma.local @!p0 [hbm:s0], s1  }
0xe3: {  	s0 =	simm.s32 @!p0 $0x3  }
0xe4: {  	_ =	swait.ge @!p0 [sflag:s0], s1  }
0xe5: {  	s1 =	ssub.s32 @!p0 $0x0, s1;
	[sflag:s0] =	ssyncset.done @!p0 $0x0  }
0xe6: {  	[sflag:s0] =	ssyncadd.s32 @!p0 s1  }
0xe7: {  	[bflag:$0x3] =	sbarrier.arrive $0xFFFF  }
0xe8: {  	_ =	shalt  }

// kernel: sparse-core-data-format-call.cloned.1.call-start
scs
called_computation_lowered:
.L_overlay_start_0:
0x0: {  	s1 =	sld [smem:$0x3FD9]  }
0x1: {  	s2 =	sld [smem:$0x3FFE];
	_ =	sdelay $0x1  }
0x2: {  	s3 =	srdreg.scid  }
0x3: {  	s0 =	sand.u32 $0x1, s3  }
0x4: {  	s17 =	sshll.u32 s0, $0xA;
	s1 =	sadd.s32 s2, s1  }
0x5: {  	s1 =	sadd.s32 s1, s17  }
0x6: {  	[smem:$0x3FC2] =	sst s1  }
0x7: {  	_ = 	snop  }
0x8: {  	(tm) =	ssettm $0x1  }
0x9: {  	s18 =	sld [smem:$0x3FFB];
	_ =	sdelay $0x3  }
0xa: {  	_ =	strace s18  }
0xb: {  	s1 =	sld [smem:$0x3FFC];
	_ =	sdelay $0x3  }
0xc: {  	_ =	strace s1  }
0xd: {  	s1 =	sld [smem:$0x3FFD];
	_ =	sdelay $0x3  }
0xe: {  	_ =	strace s1  }
0xf: {  	_ =	strace $0x8FFFFFFF  }
0x10: {  	s19 =	sld [smem:$0x3FDB];
	_ =	sdelay $0x1  }
0x11: {  	s20 =	simm.s32 $_scs_section_size  }
0x12: {  	s4 =	simm.s32 $_size__tile_overlayer_lowered;
	s5 =	simm.s32 $_tile_overlayer_lowered  }
0x13: {  	s23 =	simm.s32 $0x1BFF;
	s22 =	sshll.u32 s5, $0x1;
	s1 =	sadd.s32 s20, s19  }
0x14: {  	s6 =	simm.s32 $0x0;
	s21 =	sshll.u32 s4, $0x1;
	s4 =	sadd.s32 s22, s1  }
0x15: {  	[timem:s6], [sflag:s23] =	dma.local [hbm:s4], s21  }
0x16: {  	_ =	swait.ge [sflag:s23], s21  }
0x17: {  	s2 =	ssub.s32 $0x0, s21;
	[sflag:s23] =	ssyncset.done $0x0  }
0x18: {  	[sflag:s23] =	ssyncadd.s32 s2;
	_ =	sdelay $0x1  }
0x19: {  	s24 =	simm.s32 $0x1B8B  }
0x1a: {  	_ =	swait.ge [sflag:s24], $0x1  }
0x1b: {  	[sflag:s24] =	ssyncset.done $0x0  }
0x1c: {  	s26 =	simm.s32 $0x1B8E;
	s25 =	sld [smem:$0x3FFE];
	[sflag:s24] =	ssyncadd.s32 $0xFFFFFFFF  }
0x1d: {  	s27 =	simm.s32 $execute0_lowered;
	[smem:$0x3FD2] =	sst s26  }
0x1e: {  	s4 =	sshll.u32 s27, $0x1;
	_ =	strace $0x80000046;
	[dreg:$0x1] =	wrdreg $0xFFFFFFFF  }
0x1f: {  	s28 =	simm.s32 $_size_execute0_lowered;
	s1 =	sadd.s32 s1, s4;
	[dreg:$0x0] =	wrdreg $0x0  }
0x20: {  	s4 =	sshll.u32 s28, $0x1;
	[dreg:$0x2] =	wrdreg s1  }
0x21: {  	[dreg:$0x3] =	wrdreg s4  }
0x22: {  	[dreg:$0x4] =	wrdreg $0xC0  }
0x23: {  	_ =	task [dreg:s6], $0x5FFFF  }
0x24: {  	[dreg:$0x1] =	wrdreg $0xFFFFFFFF  }
0x25: {  	[dreg:$0x0] =	wrdreg $0x60  }
0x26: {  	[dreg:$0x2] =	wrdreg s25  }
0x27: {  	[dreg:$0x3] =	wrdreg $0x9  }
0x28: {  	_ =	task.clear_ibuf [dreg:s6], $0x4FFFF;
	_ =	strace $0x90000046  }
0x29: {  	s29 =	simm.s32 $0x9;
	_ =	strace $0x80000048  }
0x2a: {  	_ =	swait.ge [sflag:s29], $0x1  }
0x2b: {  	[sflag:s29] =	ssyncadd.s32 $0xFFFFFFFF  }
0x2c: {  	_ =	strace $0x90000048  }
0x2d: {  	_ =	sfence  }
0x2e: {  	s30 =	sld [smem:$0x0];
	_ =	sdelay $0x2  }
0x2f: {  	s31 =	sshll.u32 s3, $0xD;
	s3 =	sshrl.u32 s3, $0x2  }
0x30: {  	s2 =	sand.u32 $0x4000, s31;
	s1 =	sadd.s32 s3, s30  }
0x31: {  	s0 =	sor.u32 s2, s0;
	s1 =	sshll.u32 s1, $0x11  }
0x32: {  	s0 =	sor.u32 s1, s0  }
0x33: {  	s0 =	sadd.s32 $0x8F2B, s0  }
0x34: {  	[sflag:s0] =	ssyncadd.remote.s32 $0x1  }
0x35: {  	_ =	sfence.sel $0xFFFF  }
0x36: {  	[dreg:$0x0] =	wrdreg $0xFFFFFFFF;
	(pc) =	sbr.abs _section_cstart, $3  }
0x37: {  	[dreg:$0x1] =	wrdreg $0xFFFFFFFF  }
0x38: {  	_ =	task.clear_ibuf [dreg:s6], $0x2FFFF;
	_ =	strace $0x9FFFFFFF  }
0x39: {  	(tm) =	ssettm $0x7FFFFFFF  }
tec
execute0_lowered:
.L_overlay_start_1:
0x0: {  	(tag) =	ssettag $0x1  }
0x1: {  	s0 =	srdreg.scid  }
0x2: {  	s1 =	sshll.u32 s0, $0x4  }
0x3: {  	s0 =	stileid.u32;
	s1 =	sand.u32 $0x10, s1  }
0x4: {  	s6 =	rddreg [dreg:$0x0];
	s1 =	sor.u32 s0, s1  }
0x5: {  	s4 =	simm.s32 $0x1;
	s7 =	simm.s32 $0x2;
	s2 =	sshll.u32 s1, $0x4  }
0x6: {  	s14 =	simm.s32 $0x0;
	s8 =	simm.s32 $0x800;
	s3 =	ssub.s32 $0x400, s2  }
0x7: {  	s9 =	simm.s32 $0x20000;
	s10 =	simm.s32 $0x0;
	s31 =	sand.u32 $0x1F0, s3  }
0x8: {  	s15 =	simm.s32 $0x0;
	s12 =	simm.s32 $0x0;
	p0 =	sne.s32 s31, $0x0  }
.Ltmp0:
0x9: {  	s3 =	sshrl.u32 s3, $0x9;
	s4 =	simm.s32 @!p0 $0x0;
	(pc) =	sbr.rel .LBB1_1-.Ltmp0, $4  }
0xa: {  	s13 =	simm.s32 $0x0;
	s1 =	rddreg [dreg:$0x1];
	s5 =	sadd.s32 s4, s3  }
0xb: {  	_ =	strace $0x80000047;
	s4 =	simm.s32 $0x1;
	s5 =	smul.u32 $0x33, s5  }
0xc: {  	s11 =	smov.u32 s2;
	s3 =	sadd.s32 $0x201600, s6;
	[sflag:s4] =	ssyncpa.u1 $0x0  }
0xd: {  	s6 =	sadd.s32 $0x861600, s6;
	[sflag:s7] =	ssyncpa.u1 $0x0;
	s7 =	sadd.s32 $0x1, s5  }
.LBB1_7:
0xe: {  	s16 =	sadd.s32 $0x200, s11  }
0xf: {  	s14 =	simm.s32 $0x1;
	p1 =	sgt.s32 s16, $0x3FF  }
0x10: {  	s14 =	simm.s32 @!p1 $0x0  }
0x11: {  	s18 =	sadd.s32 s14, s12  }
0x12: {  	s16 =	smov.u32 @p1 s2;
	p1 =	sgt.s32 s18, $0x32  }
0x13: {  	s18 =	simm.s32 @p1 $0x0;
	p1 =	sne.s32 s13, s7  }
.Ltmp1:
0x14: {  	p0 =	slt.u32 s13, $0x2;
	(pc) =	sbr.rel @!p1 .LBB1_8-.Ltmp1, $4  }
0x15: {  	s17 =	simm.s32 @!p0 $0x2  }
0x16: {  	s15 =	smov.u32 s12;
	s10 =	sadd.s32 $0x4000, s10;
	_ =	swait.ge @!p0 [sflag:s17], $0x4000  }
0x17: {  	[sflag:s17] =	ssyncset.done @!p0 $0x0;
	s14 =	smov.u32 s11;
	s11 =	smov.u32 s16  }
0x18: {  	[sflag:s17] =	ssyncadd.s32 @!p0 $0xFFFFC000;
	s13 =	sadd.s32 $0x1, s13;
	s12 =	smov.u32 s18  }
.LBB1_1:
0x19: {  	p0 =	sge.u32 s13, s5  }
0x1a: {  	s31 =	sadd.s32 $0xFFFFFFFF, s13;
	s16 =	sxor.u32 @!p0 $0xFFFFFFFF, s13;
	s17 =	sshll.u32 @!p0 s12, $0x11  }
0x1b: {  	s18 =	sshll.u32 @!p0 s11, $0x7;
	s16 =	sshll.u32 @!p0 s16, $0xE;
	s17 =	sadd.s32 @!p0 s3, s17  }
0x1c: {  	s16 =	sand.u32 @!p0 $0x4000, s16;
	s17 =	sadd.s32 @!p0 s18, s17;
	s18 =	simm.s32 @!p0 $0x0  }
0x1d: {  	[tilespmem:s16], [sflag:$0x1] =	stream.linear.gather @!p0 [hbm4b:s17+s18], $0x4000, $0x38;
	[tilespmem:$0x10000] =	vst v63  }
0x1e: {  	p0 =	sge.u32 s31, s5  }
.Ltmp2:
0x1f: {  	_ = 	snop;
	(pc) =	sbr.rel @p0 .LBB1_7-.Ltmp2, $1  }
0x20: {  	_ =	sdelay $0x3  }
0x21: {  	s17 =	sand.u32 $0x4000, s10  }
0x22: {  	_ =	swait.ge [sflag:s4], $0x4000;
	s19 =	sshll.u32 s13, $0xE;
	s16 =	sor.u32 $0x8040, s17  }
0x23: {  	s18 =	sor.u32 $0x40, s17;
	[sflag:s4] =	ssyncset.done $0x0;
	s31 =	sand.u32 $0x4000, s19  }
0x24: {  	s19 =	simm.s32 $0x0;
	[sflag:s4] =	ssyncadd.s32 $0xFFFFC000;
	s17 =	sor.u32 $0x8000, s31  }
.LBB1_3:
0x25: {  	v0 =	vmov s18;
	_ =	sdelay $0x3  }
0x26: {  	s21 =	simm.s32 $0x0  }
0x27: {  	v6 =	vld.idx.msk [tilespmem:v0+s21+$0x30 ss:$0x1], $0xffff  }
0x28: {  	v7 =	vld.idx.msk [tilespmem:v0+s21+$0xFFFFFFC0 ss:$0x1], $0xffff  }
0x29: {  	v5 =	vld.idx.msk [tilespmem:v0+s21+$0xFFFFFFD0 ss:$0x1], $0xffff  }
0x2a: {  	v4 =	vld.idx.msk [tilespmem:v0+s21+$0xFFFFFFE0 ss:$0x1], $0xffff  }
0x2b: {  	v3 =	vld.idx.msk [tilespmem:v0+s21+$0xFFFFFFF0 ss:$0x1], $0xffff  }
0x2c: {  	v1 =	vld.idx.msk [tilespmem:v0+s21+$0x0 ss:$0x1], $0xffff  }
0x2d: {  	v2 =	vld.idx.msk [tilespmem:v0+s21+$0x10 ss:$0x1], $0xffff;
	[tilespmem:s16+$0x30] =	vst v6  }
0x2e: {  	s20 =	simm.s32 $0x80;
	s22 =	simm.s32 $0x400;
	[tilespmem:s16+$0xFFFFFFC0] =	vst v7;
	v6 =	vld.idx.msk [tilespmem:v0+s21+$0x20 ss:$0x1], $0xffff;
	s21 =	smov.u32 s16  }
.LBB1_4:
0x2f: {  	p0 =	sne.s32 s22, $0xE00;
	v7 =	vld.idx.msk [tilespmem:v0+s20+$0x30 ss:$0x1], $0xffff;
	[tilespmem:s21+$0xFFFFFFD0] =	vst v5  }
0x30: {  	v8 =	vld.idx.msk [tilespmem:v0+s20+$0xFFFFFFC0 ss:$0x1], $0xffff;
	[tilespmem:s21+$0xFFFFFFE0] =	vst v4  }
0x31: {  	v5 =	vld.idx.msk [tilespmem:v0+s20+$0xFFFFFFD0 ss:$0x1], $0xffff;
	[tilespmem:s21+$0xFFFFFFF0] =	vst v3  }
.Ltmp3:
0x32: {  	v4 =	vld.idx.msk [tilespmem:v0+s20+$0xFFFFFFE0 ss:$0x1], $0xffff;
	[tilespmem:s21+$0x0] =	vst v1;
	(pc) =	sbr.rel @p0 .LBB1_4-.Ltmp3, $4  }
0x33: {  	v3 =	vld.idx.msk [tilespmem:v0+s20+$0xFFFFFFF0 ss:$0x1], $0xffff;
	[tilespmem:s21+$0x10] =	vst v2  }
0x34: {  	v1 =	vld.idx.msk [tilespmem:v0+s20+$0x0 ss:$0x1], $0xffff;
	[tilespmem:s21+$0x20] =	vst v6;
	s21 =	sadd.s32 $0x800, s21  }
0x35: {  	v2 =	vld.idx.msk [tilespmem:v0+s20+$0x10 ss:$0x1], $0xffff;
	[tilespmem:s21+$0x30] =	vst v7  }
0x36: {  	[tilespmem:s21+$0xFFFFFFC0] =	vst v8;
	v6 =	vld.idx.msk [tilespmem:v0+s20+$0x20 ss:$0x1], $0xffff;
	s20 =	sshra.s32 s22, $0x2;
	s22 =	sadd.s32 $0x200, s22  }
0x37: {  	_ =	sdelay $0x2  }
0x38: {  	[tilespmem:s21+$0xFFFFFFD0] =	vst v5  }
0x39: {  	v56 =	vld.idx.msk [tilespmem:v0+s20+$0x30 ss:$0x1], $0xffff;
	[tilespmem:s21+$0xFFFFFFE0] =	vst v4  }
0x3a: {  	v57 =	vld.idx.msk [tilespmem:v0+s20+$0xFFFFFFC0 ss:$0x1], $0xffff;
	[tilespmem:s21+$0xFFFFFFF0] =	vst v3  }
0x3b: {  	v58 =	vld.idx.msk [tilespmem:v0+s20+$0xFFFFFFD0 ss:$0x1], $0xffff;
	[tilespmem:s21+$0x0] =	vst v1  }
0x3c: {  	v59 =	vld.idx.msk [tilespmem:v0+s20+$0xFFFFFFE0 ss:$0x1], $0xffff;
	[tilespmem:s21+$0x10] =	vst v2  }
0x3d: {  	v60 =	vld.idx.msk [tilespmem:v0+s20+$0xFFFFFFF0 ss:$0x1], $0xffff;
	s31 =	sadd.s32 $0x800, s21;
	[tilespmem:s21+$0x20] =	vst v6  }
0x3e: {  	v61 =	vld.idx.msk [tilespmem:v0+s20+$0x0 ss:$0x1], $0xffff;
	[tilespmem:s31+$0x30] =	vst v56  }
0x3f: {  	v62 =	vld.idx.msk [tilespmem:v0+s20+$0x10 ss:$0x1], $0xffff;
	s19 =	sadd.s32 $0x1, s19;
	[tilespmem:s31+$0xFFFFFFC0] =	vst v57  }
0x40: {  	v63 =	vld.idx.msk [tilespmem:v0+s20+$0x20 ss:$0x1], $0xffff;
	p0 =	sne.s32 s19, $0x10;
	[tilespmem:s31+$0xFFFFFFD0] =	vst v58  }
.Ltmp4:
0x41: {  	[tilespmem:s31+$0xFFFFFFE0] =	vst v59;
	(pc) =	sbr.rel @p0 .LBB1_3-.Ltmp4, $4  }
0x42: {  	[tilespmem:s31+$0xFFFFFFF0] =	vst v60  }
0x43: {  	[tilespmem:s31+$0x0] =	vst v61  }
0x44: {  	[tilespmem:s31+$0x10] =	vst v62  }
0x45: {  	s16 =	sadd.s32 $0x80, s16;
	s18 =	sadd.s32 $0x400, s18;
	[tilespmem:s31+$0x20] =	vst v63  }
.Ltmp5:
0x46: {  	(pc) =	sbr.rel .LBB1_7-.Ltmp5, $4  }
0x47: {  	s15 =	sshll.u32 s15, $0x11;
	s14 =	sshll.u32 s14, $0x4  }
0x48: {  	s14 =	sand.u32 $0x3FF0, s14;
	s15 =	sadd.s32 s6, s15  }
0x49: {  	s14 =	sadd.s32 s14, s15  }
0x4a: {  	[hbm4b:s14+s8] =	stream.strided.scatter [tilespmem:s17], [sflag:$0x2], $0x4000, s9, s8, $0x38;
	[tilespmem:$0x10000] =	vst v63  }
.LBB1_8:
0x4b: {  	_ =	sfence.sel $0x180000  }
0x4c: {  	s2 =	simm.s32 $0x1;
	[bflag:$0x0] =	sbarrier.arrive $0xFFFF  }
0x4d: {  	s31 =	simm.s32 $0x2;
	[sflag:s2] =	ssyncpa.u1 $0x1  }
0x4e: {  	[sflag:s31] =	ssyncpa.u1 $0x1  }
0x4f: {  	p0 =	sne.s32 s0, $0x0;
	_ =	strace $0x90000047  }
0x50: {  	s0 =	sadd.s32 @!p0 $0x100000, s1;
	[bflag:$0x2] =	sbarrier.arrive $0xFFFF  }
0x51: {  	[sflag:s0] =	ssyncadd.tile.s32 @!p0 $0x1;
	_ =	shalt  }
.Lfunc_end1:
_tile_overlayer_lowered:
.L_overlay_start_2:
0x52: {  	(tag) =	ssettag $0x2  }
0x53: {  	s0 =	rddreg [dreg:$0x0];
	s2 =	stileid.u32  }
0x54: {  	s1 =	rddreg [dreg:$0x1];
	p0 =	sne.s32 s2, $0x0  }
0x55: {  	s3 =	rddreg [dreg:$0x2];
	[bflag:$0x3] =	sbarrier.arrive $0xFFFF;
	s2 =	simm.s32 @!p0 $0x1C01  }
0x56: {  	[timem:s3], [sflag:s2] =	dma.local @!p0 [hbm:s0], s1  }
0x57: {  	s0 =	simm.s32 @!p0 $0x1  }
0x58: {  	_ =	swait.ge @!p0 [sflag:s0], s1  }
0x59: {  	s1 =	ssub.s32 @!p0 $0x0, s1;
	[sflag:s0] =	ssyncset.done @!p0 $0x0  }
0x5a: {  	[sflag:s0] =	ssyncadd.s32 @!p0 s1  }
0x5b: {  	[bflag:$0x3] =	sbarrier.arrive $0xFFFF  }
0x5c: {  	_ =	shalt  }

</sc_bundles>
